<compile_context>
chip_gen: v7x
topology: tpu7x:2x2x1
jax: 0.10.2.dev20260603
libtpu: 0.0.44.dev20260713+nightly
codegen_flags: <defaults>
</compile_context>

<pallas_src>
import functools

import jax
import jax.numpy as jnp
from jax import lax
from jax.experimental import pallas as pl
from jax.experimental.pallas import tpu as pltpu
from jax.experimental.pallas import tpu_sc as plsc

N = 10000
NPAD = 10240
E = 320000
D_IN = 128
DH = 16
CHUNK = 128
NCHUNK = E // CHUNK
NWORK = 32
NCH_BASE = NCHUNK // NWORK
NREM = NCHUNK - NCH_BASE * NWORK
ROWS_PER_SUB = NPAD // 16



def _sc_edge_pass_body(with_deg, table, ei3, *refs):
    if with_deg:
        (acc0, acc1, deg0, deg1, sdbuf, r0, r1, r2, r3, ones_v, zrow_v,
         zdeg_v, dv, dv16, acc_sh, deg_sh, tab_sh, g0, g1, g2, g3,
         s0, s1, s2, s3, e0, e1, e2, e3) = refs
        semd = [e0, e1, e2, e3]
    else:
        (acc0, acc1, sdbuf, r0, r1, r2, r3, zrow_v, acc_sh, tab_sh,
         g0, g1, g2, g3, s0, s1, s2, s3) = refs
        semd = None

    cid = lax.axis_index("c")
    sid = lax.axis_index("s")
    wid = sid * 2 + cid

    rows = [r0, r1, r2, r3]
    semg = [g0, g1, g2, g3]
    sems = [s0, s1, s2, s3]

    zf16 = jnp.zeros((16,), jnp.float32)

    def _zero_zrow(i, _):
        zrow_v[i, :] = zf16
        return 0
    lax.fori_loop(0, 128, _zero_zrow, 0)

    if with_deg:
        def _zero_zdeg(i, _):
            zdeg_v[pl.ds(i * 16, 16)] = zf16
            return 0
        lax.fori_loop(0, ROWS_PER_SUB // 16, _zero_zdeg, 0)

        of16 = jnp.ones((16,), jnp.float32)

        def _fill_ones(i, _):
            ones_v[pl.ds(i * 16, 16)] = of16
            return 0
        lax.fori_loop(0, CHUNK // 16, _fill_ones, 0)

    rbase = sid * ROWS_PER_SUB
    cstart = wid * NCH_BASE
    pending = [
        pltpu.async_copy(table.at[pl.ds(rbase, ROWS_PER_SUB)],
                         tab_sh.at[pl.ds(rbase, ROWS_PER_SUB)], semg[0]),
        pltpu.async_copy(ei3.at[pl.ds(cstart, NCH_BASE)],
                         sdbuf.at[pl.ds(0, NCH_BASE)], semg[1]),
    ]
    for j in range(ROWS_PER_SUB // 128):
        pending.append(
            pltpu.async_copy(zrow_v, acc_sh.at[pl.ds(rbase + j * 128, 128)],
                             sems[j % 4]))
    if with_deg:
        pending.append(
            pltpu.async_copy(zdeg_v, deg_sh.at[pl.ds(rbase, ROWS_PER_SUB)],
                             semd[0]))

    @pl.when(wid < NREM)
    def _():
        extra = NWORK * NCH_BASE + wid
        pltpu.async_copy(ei3.at[pl.ds(extra, 1)], sdbuf.at[pl.ds(NCH_BASE, 1)],
                         semg[2]).wait()

    for p in pending:
        p.wait()

    plsc.subcore_barrier()

    def _start_gather(i, b):
        return pltpu.async_copy(tab_sh.at[sdbuf.at[i, 0]], rows[b], semg[b])

    def _wait_gather(b):
        pltpu.make_async_copy(tab_sh.at[sdbuf.at[0, 0]], rows[b],
                              semg[b]).wait()

    def _start_scatter(i, b):
        pltpu.async_copy(rows[b], acc_sh.at[sdbuf.at[i, 1]], sems[b], add=True)
        if with_deg:
            pltpu.async_copy(ones_v, deg_sh.at[sdbuf.at[i, 1]], semd[b],
                             add=True)

    def _wait_scatter(b):
        pltpu.make_async_copy(rows[b], acc_sh.at[sdbuf.at[0, 1]],
                              sems[b]).wait()
        if with_deg:
            pltpu.make_async_copy(ones_v, deg_sh.at[sdbuf.at[0, 1]],
                                  semd[b]).wait()

    _start_gather(0, 0)
    _start_gather(1, 1)

    @pl.loop(0, NCH_BASE // 4)
    def _pipe(j):
        for k in range(4):
            i = 4 * j + k

            @pl.when(i >= 2)
            def _():
                _wait_scatter((k + 2) % 4)

            @pl.when(i + 2 < NCH_BASE)
            def _():
                _start_gather(i + 2, (k + 2) % 4)
            _wait_gather(k)
            _start_scatter(i, k)

    for k in range(NCH_BASE % 4):
        i = NCH_BASE - (NCH_BASE % 4) + k
        _wait_scatter((k + 2) % 4)
        _wait_gather(k)
        _start_scatter(i, k)
    _wait_scatter((NCH_BASE - 2) % 4)
    _wait_scatter((NCH_BASE - 1) % 4)

    @pl.when(wid < NREM)
    def _():
        _start_gather(NCH_BASE, 0).wait()
        _start_scatter(NCH_BASE, 0)
        _wait_scatter(0)

    plsc.subcore_barrier()

    if with_deg:
        pltpu.sync_copy(deg_sh.at[pl.ds(rbase, ROWS_PER_SUB)], dv)

        def _expand(r, _):
            idx = jnp.full((16,), r, jnp.int32)
            dv16[r, :] = plsc.load_gather(dv, [idx])
            return 0
        lax.fori_loop(0, ROWS_PER_SUB, _expand, 0)

    acc_out = [acc0, acc1]
    for core in range(2):
        @pl.when(cid == core)
        def _():
            pltpu.sync_copy(acc_sh.at[pl.ds(rbase, ROWS_PER_SUB)],
                            acc_out[core].at[pl.ds(rbase, ROWS_PER_SUB)])
            if with_deg:
                deg_out = [deg0, deg1][core]
                pltpu.sync_copy(dv16,
                                deg_out.at[pl.ds(rbase, ROWS_PER_SUB)])


def _make_sc_pass(with_deg):
    out_type = [jax.ShapeDtypeStruct((NPAD, DH), jnp.float32),
                jax.ShapeDtypeStruct((NPAD, DH), jnp.float32)]
    if with_deg:
        out_type += [jax.ShapeDtypeStruct((NPAD, DH), jnp.float32),
                     jax.ShapeDtypeStruct((NPAD, DH), jnp.float32)]
    scratch = [pltpu.VMEM((NCH_BASE + 1, 2, CHUNK), jnp.int32)]
    scratch += [pltpu.VMEM((CHUNK, DH), jnp.float32)] * 4
    if with_deg:
        scratch += [pltpu.VMEM((CHUNK,), jnp.float32)]
    scratch += [pltpu.VMEM((128, DH), jnp.float32)]
    if with_deg:
        scratch += [pltpu.VMEM((ROWS_PER_SUB,), jnp.float32),
                    pltpu.VMEM((ROWS_PER_SUB,), jnp.float32),
                    pltpu.VMEM((ROWS_PER_SUB, DH), jnp.float32)]
    scratch += [pltpu.VMEM_SHARED((NPAD, DH), jnp.float32)]
    if with_deg:
        scratch += [pltpu.VMEM_SHARED((NPAD,), jnp.float32)]
    scratch += [pltpu.VMEM_SHARED((NPAD, DH), jnp.float32)]
    nsem = 12 if with_deg else 8
    scratch += [pltpu.SemaphoreType.DMA] * nsem

    mesh = plsc.VectorSubcoreMesh(core_axis_name="c", subcore_axis_name="s")
    return pl.kernel(
        functools.partial(_sc_edge_pass_body, with_deg),
        out_type=out_type,
        mesh=mesh,
        scratch_types=scratch,
        compiler_params=pltpu.CompilerParams(use_tc_tiling_on_sc=False,
                                             needs_layout_passes=False),
        name=f"sc_edge_pass_deg{int(with_deg)}",
    )


_sc_pass_deg = _make_sc_pass(True)
_sc_pass = _make_sc_pass(False)


CROWS = NPAD // 8
NG = 8


def _place_cols(w, g, width):
    pieces = []
    if g > 0:
        pieces.append(jnp.zeros((w.shape[0], DH * g), jnp.float32))
    pieces.append(w)
    rest = width - DH * (g + 1)
    if rest > 0:
        pieces.append(jnp.zeros((w.shape[0], rest), jnp.float32))
    return jnp.concatenate(pieces, axis=1)


def _tc1_body(x_ref, w1lr_ref, y1_ref, z1_ref):
    x = x_ref[...]
    xp = jnp.concatenate(
        [x, jnp.zeros((NPAD - N, D_IN), jnp.float32)]).reshape(CROWS, NG, D_IN)
    wlr = w1lr_ref[...]
    acc = jnp.zeros((CROWS, 256), jnp.float32)
    for g in range(NG):
        wg = jnp.concatenate(
            [_place_cols(wlr[:, :DH], g, 128), _place_cols(wlr[:, DH:], g, 128)],
            axis=1)
        acc = acc + jnp.dot(xp[:, g, :], wg,
                            preferred_element_type=jnp.float32)
    y1_ref[...] = acc[:, :128]
    z1_ref[...] = acc[:, 128:]


def _block_diag(w):
    return jnp.concatenate([_place_cols(w, g, 128) for g in range(NG)],
                           axis=0)


def _tc2_body(acc0_ref, acc1_ref, deg0_ref, deg1_ref, z1_ref, b1l_ref,
              w2lr_ref, y2_ref, z2_ref):
    acc = acc0_ref[...] + acc1_ref[...]
    deg = jnp.maximum(deg0_ref[...] + deg1_ref[...], 1.0)
    b1l = jnp.concatenate([b1l_ref[...]] * NG).reshape(1, 128)
    h = jnp.maximum(acc / deg + b1l + z1_ref[...], 0.0)
    w2lr = w2lr_ref[...]
    zpad = jnp.zeros((DH, DH - 7), jnp.float32)
    bd2l = _block_diag(jnp.concatenate([w2lr[:, :7], zpad], axis=1))
    bd2r = _block_diag(jnp.concatenate([w2lr[:, 7:], zpad], axis=1))
    y2_ref[...] = jnp.dot(h, bd2l, preferred_element_type=jnp.float32)
    z2_ref[...] = jnp.dot(h, bd2r, preferred_element_type=jnp.float32)


def _tc3_body(acc0_ref, acc1_ref, deg0_ref, deg1_ref, z2_ref, b2l_ref,
              out_ref):
    acc = acc0_ref[...] + acc1_ref[...]
    deg = jnp.maximum(deg0_ref[...] + deg1_ref[...], 1.0)
    b2l = jnp.concatenate(
        [jnp.concatenate([b2l_ref[...], jnp.zeros((DH - 7,), jnp.float32)])]
        * NG).reshape(1, 128)
    full = acc / deg + b2l + z2_ref[...]
    rowid = lax.broadcasted_iota(jnp.int32, (128, 64), 0)
    colid = lax.broadcasted_iota(jnp.int32, (128, 64), 1)
    sel = ((rowid % DH == colid % 8)
           & (rowid // DH == colid // 8)).astype(jnp.float32)
    packed = jnp.dot(full, sel, preferred_element_type=jnp.float32)
    parts = [packed[:, 8 * g:8 * (g + 1)][:, None, :] for g in range(NG)]
    out_ref[...] = jnp.concatenate(parts, axis=1).reshape(NPAD, 8)[:N, :7]


_tc1 = pl.pallas_call(
    _tc1_body,
    out_shape=[jax.ShapeDtypeStruct((CROWS, 128), jnp.float32),
               jax.ShapeDtypeStruct((CROWS, 128), jnp.float32)],
)

_tc2 = pl.pallas_call(
    _tc2_body,
    out_shape=[jax.ShapeDtypeStruct((CROWS, 128), jnp.float32),
               jax.ShapeDtypeStruct((CROWS, 128), jnp.float32)],
)

_tc3 = pl.pallas_call(
    _tc3_body,
    out_shape=jax.ShapeDtypeStruct((N, 7), jnp.float32),
)


def kernel(x, edge_index, W1l, b1l, W1r, W2l, b2l, W2r):
    ei3 = edge_index.reshape(2, NCHUNK, CHUNK).transpose(1, 0, 2)

    w1lr = jnp.concatenate([W1l, W1r], axis=1)
    w2lr = jnp.concatenate([W2l, W2r], axis=1)

    y1c, z1c = _tc1(x, w1lr)
    a0, a1, d0, d1 = _sc_pass_deg(y1c.reshape(NPAD, DH), ei3)
    y2c, z2c = _tc2(a0.reshape(CROWS, 128), a1.reshape(CROWS, 128),
                    d0.reshape(CROWS, 128), d1.reshape(CROWS, 128),
                    z1c, b1l, w2lr)
    b0, b1 = _sc_pass(y2c.reshape(NPAD, DH), ei3)
    return _tc3(b0.reshape(CROWS, 128), b1.reshape(CROWS, 128),
                d0.reshape(CROWS, 128), d1.reshape(CROWS, 128),
                z2c, b2l)

# --- scband reference (transcript-rebuilt; emitter-appended) ---
"""Pipeline reference for scband-sage-3994319585693 (READ-ONLY COPY).

The authoritative reference and input builder live on the scoring server;
editing this copy changes nothing except your own understanding.
"""

import jax, jax.numpy as jnp
import numpy as np

N_NODES = 10000
N_EDGES = 320000
D_IN = 128
D_HID = 16
D_OUT = 7


def setup_inputs(seed: int = 0) -> dict:
    key = jax.random.key(seed)
    ks = jax.random.split(key, 8)
    x = jax.random.normal(ks[0], (N_NODES, D_IN), dtype=jnp.float32)
    edge_index = jax.random.randint(ks[1], (2, N_EDGES), 0, N_NODES, dtype=jnp.int64 if jax.config.jax_enable_x64 else jnp.int32).astype(jnp.int32)
    W1l = jax.random.normal(ks[2], (D_IN, D_HID), dtype=jnp.float32) * 0.05
    b1l = jnp.zeros((D_HID,), dtype=jnp.float32)
    W1r = jax.random.normal(ks[3], (D_IN, D_HID), dtype=jnp.float32) * 0.05
    W2l = jax.random.normal(ks[4], (D_HID, D_OUT), dtype=jnp.float32) * 0.05
    b2l = jnp.zeros((D_OUT,), dtype=jnp.float32)
    W2r = jax.random.normal(ks[5], (D_HID, D_OUT), dtype=jnp.float32) * 0.05
    return {"x": x, "edge_index": edge_index, "W1l": W1l, "b1l": b1l, "W1r": W1r, "W2l": W2l, "b2l": b2l, "W2r": W2r}


def _sage_conv(h, edge_index, Wl, bl, Wr):
    # PyG SAGEConv with mean aggregation:
    # out = lin_l(mean_{j in N(i)} x_j) + lin_r(x_i)
    src = edge_index[0]
    dst = edge_index[1]
    msgs = jnp.take(h, src, axis=0)                       # gather  [E, d]
    agg = jax.ops.segment_sum(msgs, dst, num_segments=h.shape[0])   # scatter-add
    deg = jax.ops.segment_sum(jnp.ones((src.shape[0],), dtype=h.dtype), dst, num_segments=h.shape[0])
    agg = agg / jnp.maximum(deg, 1.0)[:, None]            # mean
    return agg @ Wl + bl + h @ Wr


def reference(x, edge_index, W1l, b1l, W1r, W2l, b2l, W2r):
    h = _sage_conv(x, edge_index, W1l, b1l, W1r)
    h = jax.nn.relu(h)
    out = _sage_conv(h, edge_index, W2l, b2l, W2r)
    return out

if __name__ == "__main__":
    import jax
    _d = setup_inputs()
    print(jax.jit(kernel)(*tuple(_d.values())))

</pallas_src>

<mosaic_0001>
#map = affine_map<(d0, d1) -> (0, 0)>
#map1 = affine_map<(d0, d1) -> (0, 0, 0)>
module attributes {stable_mosaic.version = 14 : i64} {
  func.func @sc_edge_pass_deg0(%arg0: i32, %arg1: i32, %arg2: memref<10240x16xf32, #tpu.memory_space<hbm>>, %arg3: memref<2500x2x128xi32, #tpu.memory_space<hbm>>, %arg4: memref<10240x16xf32, #tpu.memory_space<hbm>>, %arg5: memref<10240x16xf32, #tpu.memory_space<hbm>>, %arg6: memref<79x2x128xi32, #tpu.memory_space<vmem>>, %arg7: memref<128x16xf32, #tpu.memory_space<vmem>>, %arg8: memref<128x16xf32, #tpu.memory_space<vmem>>, %arg9: memref<128x16xf32, #tpu.memory_space<vmem>>, %arg10: memref<128x16xf32, #tpu.memory_space<vmem>>, %arg11: memref<128x16xf32, #tpu.memory_space<vmem>>, %arg12: memref<10240x16xf32, #tpu.memory_space<vmem_shared>>, %arg13: memref<10240x16xf32, #tpu.memory_space<vmem_shared>>, %arg14: memref<!tpu.dma_semaphore, #tpu.memory_space<semaphore_mem>>, %arg15: memref<!tpu.dma_semaphore, #tpu.memory_space<semaphore_mem>>, %arg16: memref<!tpu.dma_semaphore, #tpu.memory_space<semaphore_mem>>, %arg17: memref<!tpu.dma_semaphore, #tpu.memory_space<semaphore_mem>>, %arg18: memref<!tpu.dma_semaphore, #tpu.memory_space<semaphore_mem>>, %arg19: memref<!tpu.dma_semaphore, #tpu.memory_space<semaphore_mem>>, %arg20: memref<!tpu.dma_semaphore, #tpu.memory_space<semaphore_mem>>, %arg21: memref<!tpu.dma_semaphore, #tpu.memory_space<semaphore_mem>>) attributes {dimension_semantics = [#tpu.dimension_semantics<core_parallel>, #tpu.dimension_semantics<subcore_parallel>], iteration_bounds = array<i64: 2, 16>, scalar_prefetch = 0 : i64, scratch_operands = 16 : i64, tpu.core_type = #tpu.core_type<sc_vector_subcore>, window_params = [{transform_indices = #map}, {transform_indices = #map1}, {transform_indices = #map}, {transform_indices = #map}]} {
    %mul3A = arith.constant 2 : i32
    %mul3A_0 = arith.muli %arg1, %mul3A : i32
    %add3A = arith.addi %mul3A_0, %arg0 : i32
    %broadcast_in_dim3A = arith.constant 0.000000e+00 : f32
    %broadcast_in_dim3A_1 = vector.broadcast %broadcast_in_dim3A : f32 to vector<16xf32>
    %scan3A = arith.constant 0 : i32
    %scan3A_2 = arith.constant 0 : i32
    %scan3A_3 = arith.constant 128 : i32
    %scan3A_4 = arith.addi %scan3A_2, %scan3A_3 : i32
    %scan3A_5 = arith.constant 1 : i32
    %scan3A_6 = scf.for %scan3A_198 = %scan3A_2 to %scan3A_4 step %scan3A_5 iter_args(%scan3A_199 = %scan3A) -> (i32)  : i32 {
      %swap3A = arith.index_cast %scan3A_198 : i32 to index
      %swap3A_200 = arith.constant 0 : index
      %swap3A_201 = tpu.vector_load %arg11[%swap3A, %swap3A_200] {strides = array<i32>} : memref<128x16xf32, #tpu.memory_space<vmem>>, vector<16xf32>,
      tpu.vector_store %arg11[%swap3A, %swap3A_200], %broadcast_in_dim3A_1 {strides = array<i32>} : memref<128x16xf32, #tpu.memory_space<vmem>>, vector<16xf32>,
      %scan3A_202 = arith.constant 0 : i32
      scf.yield %scan3A_202 : i32
    }
    %scan3A_7 = arith.constant 128 : i32
    %mul3A_8 = arith.constant 640 : i32
    %mul3A_9 = arith.muli %arg1, %mul3A_8 : i32
    %mul3A_10 = arith.constant 78 : i32
    %mul3A_11 = arith.muli %add3A, %mul3A_10 : i32
    %dma_start3A = arith.constant 0 : i32
    %dma_start3A_12 = tpu.memref_slice %arg13[%mul3A_9, %dma_start3A] : memref<10240x16xf32, #tpu.memory_space<vmem_shared>> -> memref<640x16xf32, #tpu.memory_space<vmem_shared>>
    %dma_start3A_13 = arith.constant 0 : i32
    %dma_start3A_14 = tpu.memref_slice %arg2[%mul3A_9, %dma_start3A_13] : memref<10240x16xf32, #tpu.memory_space<hbm>> -> memref<640x16xf32, #tpu.memory_space<hbm>>
    tpu.enqueue_dma source(%dma_start3A_14 : memref<640x16xf32, #tpu.memory_space<hbm>>) target(%dma_start3A_12 : memref<640x16xf32, #tpu.memory_space<vmem_shared>>) target_semaphore(%arg14 : memref<!tpu.dma_semaphore, #tpu.memory_space<semaphore_mem>>)
    %dma_start3A_15 = arith.constant 0 : i32
    %dma_start3A_16 = arith.constant 0 : i32
    %dma_start3A_17 = arith.constant 0 : i32
    %dma_start3A_18 = tpu.memref_slice %arg6[%dma_start3A_15, %dma_start3A_16, %dma_start3A_17] : memref<79x2x128xi32, #tpu.memory_space<vmem>> -> memref<78x2x128xi32, #tpu.memory_space<vmem>>
    %dma_start3A_19 = arith.constant 0 : i32
    %dma_start3A_20 = arith.constant 0 : i32
    %dma_start3A_21 = tpu.memref_slice %arg3[%mul3A_11, %dma_start3A_19, %dma_start3A_20] : memref<2500x2x128xi32, #tpu.memory_space<hbm>> -> memref<78x2x128xi32, #tpu.memory_space<hbm>>
    %dma_start3A_22 = arith.constant 0 : i32
    %dma_start3A_23 = arith.constant 0 : i32
    %dma_start3A_24 = arith.constant 0 : i32
    %dma_start3A_25 = tpu.memref_slice %arg6[%dma_start3A_22, %dma_start3A_23, %dma_start3A_24] : memref<79x2x128xi32, #tpu.memory_space<vmem>> -> memref<78x2x128xi32, #tpu.memory_space<vmem>>
    %dma_start3A_26 = arith.constant 0 : i32
    %dma_start3A_27 = arith.constant 0 : i32
    %dma_start3A_28 = tpu.memref_slice %arg3[%mul3A_11, %dma_start3A_26, %dma_start3A_27] : memref<2500x2x128xi32, #tpu.memory_space<hbm>> -> memref<78x2x128xi32, #tpu.memory_space<hbm>>
    tpu.enqueue_dma source(%dma_start3A_28 : memref<78x2x128xi32, #tpu.memory_space<hbm>>) target(%dma_start3A_25 : memref<78x2x128xi32, #tpu.memory_space<vmem>>) target_semaphore(%arg15 : memref<!tpu.dma_semaphore, #tpu.memory_space<semaphore_mem>>)
    %add3A_29 = arith.constant 0 : i32
    %add3A_30 = arith.addi %mul3A_9, %add3A_29 : i32
    %dma_start3A_31 = arith.constant 0 : i32
    %dma_start3A_32 = tpu.memref_slice %arg12[%add3A_30, %dma_start3A_31] : memref<10240x16xf32, #tpu.memory_space<vmem_shared>> -> memref<128x16xf32, #tpu.memory_space<vmem_shared>>
    %dma_start3A_33 = arith.constant 0 : i32
    %dma_start3A_34 = tpu.memref_slice %arg12[%add3A_30, %dma_start3A_33] : memref<10240x16xf32, #tpu.memory_space<vmem_shared>> -> memref<128x16xf32, #tpu.memory_space<vmem_shared>>
    tpu.enqueue_dma source(%arg11 : memref<128x16xf32, #tpu.memory_space<vmem>>) target(%dma_start3A_34 : memref<128x16xf32, #tpu.memory_space<vmem_shared>>) target_semaphore(%arg18 : memref<!tpu.dma_semaphore, #tpu.memory_space<semaphore_mem>>)
    %add3A_35 = arith.constant 128 : i32
    %add3A_36 = arith.addi %mul3A_9, %add3A_35 : i32
    %dma_start3A_37 = arith.constant 0 : i32
    %dma_start3A_38 = tpu.memref_slice %arg12[%add3A_36, %dma_start3A_37] : memref<10240x16xf32, #tpu.memory_space<vmem_shared>> -> memref<128x16xf32, #tpu.memory_space<vmem_shared>>
    %dma_start3A_39 = arith.constant 0 : i32
    %dma_start3A_40 = tpu.memref_slice %arg12[%add3A_36, %dma_start3A_39] : memref<10240x16xf32, #tpu.memory_space<vmem_shared>> -> memref<128x16xf32, #tpu.memory_space<vmem_shared>>
    tpu.enqueue_dma source(%arg11 : memref<128x16xf32, #tpu.memory_space<vmem>>) target(%dma_start3A_40 : memref<128x16xf32, #tpu.memory_space<vmem_shared>>) target_semaphore(%arg19 : memref<!tpu.dma_semaphore, #tpu.memory_space<semaphore_mem>>)
    %add3A_41 = arith.constant 256 : i32
    %add3A_42 = arith.addi %mul3A_9, %add3A_41 : i32
    %dma_start3A_43 = arith.constant 0 : i32
    %dma_start3A_44 = tpu.memref_slice %arg12[%add3A_42, %dma_start3A_43] : memref<10240x16xf32, #tpu.memory_space<vmem_shared>> -> memref<128x16xf32, #tpu.memory_space<vmem_shared>>
    %dma_start3A_45 = arith.constant 0 : i32
    %dma_start3A_46 = tpu.memref_slice %arg12[%add3A_42, %dma_start3A_45] : memref<10240x16xf32, #tpu.memory_space<vmem_shared>> -> memref<128x16xf32, #tpu.memory_space<vmem_shared>>
    tpu.enqueue_dma source(%arg11 : memref<128x16xf32, #tpu.memory_space<vmem>>) target(%dma_start3A_46 : memref<128x16xf32, #tpu.memory_space<vmem_shared>>) target_semaphore(%arg20 : memref<!tpu.dma_semaphore, #tpu.memory_space<semaphore_mem>>)
    %add3A_47 = arith.constant 384 : i32
    %add3A_48 = arith.addi %mul3A_9, %add3A_47 : i32
    %dma_start3A_49 = arith.constant 0 : i32
    %dma_start3A_50 = tpu.memref_slice %arg12[%add3A_48, %dma_start3A_49] : memref<10240x16xf32, #tpu.memory_space<vmem_shared>> -> memref<128x16xf32, #tpu.memory_space<vmem_shared>>
    %dma_start3A_51 = arith.constant 0 : i32
    %dma_start3A_52 = tpu.memref_slice %arg12[%add3A_48, %dma_start3A_51] : memref<10240x16xf32, #tpu.memory_space<vmem_shared>> -> memref<128x16xf32, #tpu.memory_space<vmem_shared>>
    tpu.enqueue_dma source(%arg11 : memref<128x16xf32, #tpu.memory_space<vmem>>) target(%dma_start3A_52 : memref<128x16xf32, #tpu.memory_space<vmem_shared>>) target_semaphore(%arg21 : memref<!tpu.dma_semaphore, #tpu.memory_space<semaphore_mem>>)
    %add3A_53 = arith.constant 512 : i32
    %add3A_54 = arith.addi %mul3A_9, %add3A_53 : i32
    %dma_start3A_55 = arith.constant 0 : i32
    %dma_start3A_56 = tpu.memref_slice %arg12[%add3A_54, %dma_start3A_55] : memref<10240x16xf32, #tpu.memory_space<vmem_shared>> -> memref<128x16xf32, #tpu.memory_space<vmem_shared>>
    %dma_start3A_57 = arith.constant 0 : i32
    %dma_start3A_58 = tpu.memref_slice %arg12[%add3A_54, %dma_start3A_57] : memref<10240x16xf32, #tpu.memory_space<vmem_shared>> -> memref<128x16xf32, #tpu.memory_space<vmem_shared>>
    tpu.enqueue_dma source(%arg11 : memref<128x16xf32, #tpu.memory_space<vmem>>) target(%dma_start3A_58 : memref<128x16xf32, #tpu.memory_space<vmem_shared>>) target_semaphore(%arg18 : memref<!tpu.dma_semaphore, #tpu.memory_space<semaphore_mem>>)
    %lt3A = arith.constant 4 : i32
    %lt3A_59 = arith.cmpi slt, %add3A, %lt3A : i32
    %convert_element_type3A = arith.extui %lt3A_59 : i1 to i32
    %cond3A = arith.constant 0 : i32
    %cond3A_60 = arith.cmpi ne, %convert_element_type3A, %cond3A : i32
    scf.if %cond3A_60 {
      %add3A_198 = arith.constant 2496 : i32
      %add3A_199 = arith.addi %add3A_198, %add3A : i32
      %dma_start3A_200 = arith.constant 78 : i32
      %dma_start3A_201 = arith.constant 0 : i32
      %dma_start3A_202 = arith.constant 0 : i32
      %dma_start3A_203 = tpu.memref_slice %arg6[%dma_start3A_200, %dma_start3A_201, %dma_start3A_202] : memref<79x2x128xi32, #tpu.memory_space<vmem>> -> memref<1x2x128xi32, #tpu.memory_space<vmem>>
      %dma_start3A_204 = arith.constant 0 : i32
      %dma_start3A_205 = arith.constant 0 : i32
      %dma_start3A_206 = tpu.memref_slice %arg3[%add3A_199, %dma_start3A_204, %dma_start3A_205] : memref<2500x2x128xi32, #tpu.memory_space<hbm>> -> memref<1x2x128xi32, #tpu.memory_space<hbm>>
      %dma_start3A_207 = arith.constant 78 : i32
      %dma_start3A_208 = arith.constant 0 : i32
      %dma_start3A_209 = arith.constant 0 : i32
      %dma_start3A_210 = tpu.memref_slice %arg6[%dma_start3A_207, %dma_start3A_208, %dma_start3A_209] : memref<79x2x128xi32, #tpu.memory_space<vmem>> -> memref<1x2x128xi32, #tpu.memory_space<vmem>>
      %dma_start3A_211 = arith.constant 0 : i32
      %dma_start3A_212 = arith.constant 0 : i32
      %dma_start3A_213 = tpu.memref_slice %arg3[%add3A_199, %dma_start3A_211, %dma_start3A_212] : memref<2500x2x128xi32, #tpu.memory_space<hbm>> -> memref<1x2x128xi32, #tpu.memory_space<hbm>>
      tpu.enqueue_dma source(%dma_start3A_213 : memref<1x2x128xi32, #tpu.memory_space<hbm>>) target(%dma_start3A_210 : memref<1x2x128xi32, #tpu.memory_space<vmem>>) target_semaphore(%arg16 : memref<!tpu.dma_semaphore, #tpu.memory_space<semaphore_mem>>)
      %dma_wait3A_214 = arith.constant 78 : i32
      %dma_wait3A_215 = arith.constant 0 : i32
      %dma_wait3A_216 = arith.constant 0 : i32
      %dma_wait3A_217 = tpu.memref_slice %arg6[%dma_wait3A_214, %dma_wait3A_215, %dma_wait3A_216] : memref<79x2x128xi32, #tpu.memory_space<vmem>> -> memref<1x2x128xi32, #tpu.memory_space<vmem>>
      %dma_wait3A_218 = arith.constant 0 : i32
      %dma_wait3A_219 = arith.constant 0 : i32
      %dma_wait3A_220 = tpu.memref_slice %arg3[%add3A_199, %dma_wait3A_218, %dma_wait3A_219] : memref<2500x2x128xi32, #tpu.memory_space<hbm>> -> memref<1x2x128xi32, #tpu.memory_space<hbm>>
      %dma_wait3A_221 = arith.constant 78 : i32
      %dma_wait3A_222 = arith.constant 0 : i32
      %dma_wait3A_223 = arith.constant 0 : i32
      %dma_wait3A_224 = tpu.memref_slice %arg6[%dma_wait3A_221, %dma_wait3A_222, %dma_wait3A_223] : memref<79x2x128xi32, #tpu.memory_space<vmem>> -> memref<1x2x128xi32, #tpu.memory_space<vmem>>
      %dma_wait3A_225 = arith.constant 0 : i32
      %dma_wait3A_226 = arith.constant 0 : i32
      %dma_wait3A_227 = tpu.memref_slice %arg3[%add3A_199, %dma_wait3A_225, %dma_wait3A_226] : memref<2500x2x128xi32, #tpu.memory_space<hbm>> -> memref<1x2x128xi32, #tpu.memory_space<hbm>>
      tpu.wait_dma2 semaphore(%arg16 : memref<!tpu.dma_semaphore, #tpu.memory_space<semaphore_mem>>) src(%dma_wait3A_227 : memref<1x2x128xi32, #tpu.memory_space<hbm>>) dst(%dma_wait3A_224 : memref<1x2x128xi32, #tpu.memory_space<vmem>>)
    } else {
    }
    %dma_wait3A = arith.constant 0 : i32
    %dma_wait3A_61 = tpu.memref_slice %arg13[%mul3A_9, %dma_wait3A] : memref<10240x16xf32, #tpu.memory_space<vmem_shared>> -> memref<640x16xf32, #tpu.memory_space<vmem_shared>>
    %dma_wait3A_62 = arith.constant 0 : i32
    %dma_wait3A_63 = tpu.memref_slice %arg2[%mul3A_9, %dma_wait3A_62] : memref<10240x16xf32, #tpu.memory_space<hbm>> -> memref<640x16xf32, #tpu.memory_space<hbm>>
    tpu.wait_dma2 semaphore(%arg14 : memref<!tpu.dma_semaphore, #tpu.memory_space<semaphore_mem>>) src(%dma_wait3A_63 : memref<640x16xf32, #tpu.memory_space<hbm>>) dst(%dma_wait3A_61 : memref<640x16xf32, #tpu.memory_space<vmem_shared>>)
    %dma_wait3A_64 = arith.constant 0 : i32
    %dma_wait3A_65 = arith.constant 0 : i32
    %dma_wait3A_66 = arith.constant 0 : i32
    %dma_wait3A_67 = tpu.memref_slice %arg6[%dma_wait3A_64, %dma_wait3A_65, %dma_wait3A_66] : memref<79x2x128xi32, #tpu.memory_space<vmem>> -> memref<78x2x128xi32, #tpu.memory_space<vmem>>
    %dma_wait3A_68 = arith.constant 0 : i32
    %dma_wait3A_69 = arith.constant 0 : i32
    %dma_wait3A_70 = tpu.memref_slice %arg3[%mul3A_11, %dma_wait3A_68, %dma_wait3A_69] : memref<2500x2x128xi32, #tpu.memory_space<hbm>> -> memref<78x2x128xi32, #tpu.memory_space<hbm>>
    %dma_wait3A_71 = arith.constant 0 : i32
    %dma_wait3A_72 = arith.constant 0 : i32
    %dma_wait3A_73 = arith.constant 0 : i32
    %dma_wait3A_74 = tpu.memref_slice %arg6[%dma_wait3A_71, %dma_wait3A_72, %dma_wait3A_73] : memref<79x2x128xi32, #tpu.memory_space<vmem>> -> memref<78x2x128xi32, #tpu.memory_space<vmem>>
    %dma_wait3A_75 = arith.constant 0 : i32
    %dma_wait3A_76 = arith.constant 0 : i32
    %dma_wait3A_77 = tpu.memref_slice %arg3[%mul3A_11, %dma_wait3A_75, %dma_wait3A_76] : memref<2500x2x128xi32, #tpu.memory_space<hbm>> -> memref<78x2x128xi32, #tpu.memory_space<hbm>>
    tpu.wait_dma2 semaphore(%arg15 : memref<!tpu.dma_semaphore, #tpu.memory_space<semaphore_mem>>) src(%dma_wait3A_77 : memref<78x2x128xi32, #tpu.memory_space<hbm>>) dst(%dma_wait3A_74 : memref<78x2x128xi32, #tpu.memory_space<vmem>>)
    %dma_wait3A_78 = arith.constant 0 : i32
    %dma_wait3A_79 = tpu.memref_slice %arg12[%add3A_30, %dma_wait3A_78] : memref<10240x16xf32, #tpu.memory_space<vmem_shared>> -> memref<128x16xf32, #tpu.memory_space<vmem_shared>>
    %dma_wait3A_80 = arith.constant 0 : i32
    %dma_wait3A_81 = tpu.memref_slice %arg12[%add3A_30, %dma_wait3A_80] : memref<10240x16xf32, #tpu.memory_space<vmem_shared>> -> memref<128x16xf32, #tpu.memory_space<vmem_shared>>
    tpu.wait_dma2 semaphore(%arg18 : memref<!tpu.dma_semaphore, #tpu.memory_space<semaphore_mem>>) src(%arg11 : memref<128x16xf32, #tpu.memory_space<vmem>>) dst(%dma_wait3A_81 : memref<128x16xf32, #tpu.memory_space<vmem_shared>>)
    %dma_wait3A_82 = arith.constant 0 : i32
    %dma_wait3A_83 = tpu.memref_slice %arg12[%add3A_36, %dma_wait3A_82] : memref<10240x16xf32, #tpu.memory_space<vmem_shared>> -> memref<128x16xf32, #tpu.memory_space<vmem_shared>>
    %dma_wait3A_84 = arith.constant 0 : i32
    %dma_wait3A_85 = tpu.memref_slice %arg12[%add3A_36, %dma_wait3A_84] : memref<10240x16xf32, #tpu.memory_space<vmem_shared>> -> memref<128x16xf32, #tpu.memory_space<vmem_shared>>
    tpu.wait_dma2 semaphore(%arg19 : memref<!tpu.dma_semaphore, #tpu.memory_space<semaphore_mem>>) src(%arg11 : memref<128x16xf32, #tpu.memory_space<vmem>>) dst(%dma_wait3A_85 : memref<128x16xf32, #tpu.memory_space<vmem_shared>>)
    %dma_wait3A_86 = arith.constant 0 : i32
    %dma_wait3A_87 = tpu.memref_slice %arg12[%add3A_42, %dma_wait3A_86] : memref<10240x16xf32, #tpu.memory_space<vmem_shared>> -> memref<128x16xf32, #tpu.memory_space<vmem_shared>>
    %dma_wait3A_88 = arith.constant 0 : i32
    %dma_wait3A_89 = tpu.memref_slice %arg12[%add3A_42, %dma_wait3A_88] : memref<10240x16xf32, #tpu.memory_space<vmem_shared>> -> memref<128x16xf32, #tpu.memory_space<vmem_shared>>
    tpu.wait_dma2 semaphore(%arg20 : memref<!tpu.dma_semaphore, #tpu.memory_space<semaphore_mem>>) src(%arg11 : memref<128x16xf32, #tpu.memory_space<vmem>>) dst(%dma_wait3A_89 : memref<128x16xf32, #tpu.memory_space<vmem_shared>>)
    %dma_wait3A_90 = arith.constant 0 : i32
    %dma_wait3A_91 = tpu.memref_slice %arg12[%add3A_48, %dma_wait3A_90] : memref<10240x16xf32, #tpu.memory_space<vmem_shared>> -> memref<128x16xf32, #tpu.memory_space<vmem_shared>>
    %dma_wait3A_92 = arith.constant 0 : i32
    %dma_wait3A_93 = tpu.memref_slice %arg12[%add3A_48, %dma_wait3A_92] : memref<10240x16xf32, #tpu.memory_space<vmem_shared>> -> memref<128x16xf32, #tpu.memory_space<vmem_shared>>
    tpu.wait_dma2 semaphore(%arg21 : memref<!tpu.dma_semaphore, #tpu.memory_space<semaphore_mem>>) src(%arg11 : memref<128x16xf32, #tpu.memory_space<vmem>>) dst(%dma_wait3A_93 : memref<128x16xf32, #tpu.memory_space<vmem_shared>>)
    %dma_wait3A_94 = arith.constant 0 : i32
    %dma_wait3A_95 = tpu.memref_slice %arg12[%add3A_54, %dma_wait3A_94] : memref<10240x16xf32, #tpu.memory_space<vmem_shared>> -> memref<128x16xf32, #tpu.memory_space<vmem_shared>>
    %dma_wait3A_96 = arith.constant 0 : i32
    %dma_wait3A_97 = tpu.memref_slice %arg12[%add3A_54, %dma_wait3A_96] : memref<10240x16xf32, #tpu.memory_space<vmem_shared>> -> memref<128x16xf32, #tpu.memory_space<vmem_shared>>
    tpu.wait_dma2 semaphore(%arg18 : memref<!tpu.dma_semaphore, #tpu.memory_space<semaphore_mem>>) src(%arg11 : memref<128x16xf32, #tpu.memory_space<vmem>>) dst(%dma_wait3A_97 : memref<128x16xf32, #tpu.memory_space<vmem_shared>>)
    %barrier3A = arith.constant 0 : index
    tpu.barrier barrier_id(%barrier3A)
    %dma_start3A_98 = arith.constant 0 : i32
    %dma_start3A_99 = arith.constant 0 : i32
    %dma_start3A_100 = arith.constant 0 : i32
    %dma_start3A_101 = tpu.memref_slice %arg6[%dma_start3A_98, %dma_start3A_99, %dma_start3A_100] : memref<79x2x128xi32, #tpu.memory_space<vmem>> -> memref<1x1x128xi32, #tpu.memory_space<vmem>>
    %dma_start3A_102 = tpu.memref_squeeze %dma_start3A_101 : memref<1x1x128xi32, #tpu.memory_space<vmem>> -> memref<128xi32, #tpu.memory_space<vmem>>
    %dma_start3A_103 = arith.constant 0 : i32
    %dma_start3A_104 = arith.constant 0 : i32
    %dma_start3A_105 = tpu.memref_slice %arg13[%dma_start3A_103, %dma_start3A_104] : memref<10240x16xf32, #tpu.memory_space<vmem_shared>> -> memref<10240x16xf32, #tpu.memory_space<vmem_shared>>
    tpu.enqueue_indirect_dma source(%dma_start3A_105 : memref<10240x16xf32, #tpu.memory_space<vmem_shared>>) target(%arg7 : memref<128x16xf32, #tpu.memory_space<vmem>>) offsets(%dma_start3A_102 : memref<128xi32, #tpu.memory_space<vmem>>) semaphore(%arg14 : memref<!tpu.dma_semaphore, #tpu.memory_space<semaphore_mem>>)
    %dma_start3A_106 = arith.constant 1 : i32
    %dma_start3A_107 = arith.constant 0 : i32
    %dma_start3A_108 = arith.constant 0 : i32
    %dma_start3A_109 = tpu.memref_slice %arg6[%dma_start3A_106, %dma_start3A_107, %dma_start3A_108] : memref<79x2x128xi32, #tpu.memory_space<vmem>> -> memref<1x1x128xi32, #tpu.memory_space<vmem>>
    %dma_start3A_110 = tpu.memref_squeeze %dma_start3A_109 : memref<1x1x128xi32, #tpu.memory_space<vmem>> -> memref<128xi32, #tpu.memory_space<vmem>>
    %dma_start3A_111 = arith.constant 0 : i32
    %dma_start3A_112 = arith.constant 0 : i32
    %dma_start3A_113 = tpu.memref_slice %arg13[%dma_start3A_111, %dma_start3A_112] : memref<10240x16xf32, #tpu.memory_space<vmem_shared>> -> memref<10240x16xf32, #tpu.memory_space<vmem_shared>>
    tpu.enqueue_indirect_dma source(%dma_start3A_113 : memref<10240x16xf32, #tpu.memory_space<vmem_shared>>) target(%arg8 : memref<128x16xf32, #tpu.memory_space<vmem>>) offsets(%dma_start3A_110 : memref<128xi32, #tpu.memory_space<vmem>>) semaphore(%arg15 : memref<!tpu.dma_semaphore, #tpu.memory_space<semaphore_mem>>)
    %scan3A_114 = arith.constant 0 : i32
    %scan3A_115 = arith.constant 19 : i32
    %scan3A_116 = arith.addi %scan3A_114, %scan3A_115 : i32
    %scan3A_117 = arith.constant 1 : i32
    scf.for %scan3A_198 = %scan3A_114 to %scan3A_116 step %scan3A_117  : i32 {
      %mul3A_199 = arith.constant 1 : i32
      %mul3A_200 = arith.muli %scan3A_198, %mul3A_199 : i32
      %add3A_201 = arith.constant 0 : i32
      %add3A_202 = arith.addi %add3A_201, %mul3A_200 : i32
      %mul3A_203 = arith.constant 4 : i32
      %mul3A_204 = arith.muli %mul3A_203, %add3A_202 : i32
      %add3A_205 = arith.constant 0 : i32
      %add3A_206 = arith.addi %mul3A_204, %add3A_205 : i32
      %ge3A = arith.constant 2 : i32
      %ge3A_207 = arith.cmpi sge, %add3A_206, %ge3A : i32
      %convert_element_type3A_208 = arith.extui %ge3A_207 : i1 to i32
      %cond3A_209 = arith.constant 0 : i32
      %cond3A_210 = arith.cmpi ne, %convert_element_type3A_208, %cond3A_209 : i32
      scf.if %cond3A_210 {
        %dma_wait3A_326 = arith.constant 0 : i32
        %dma_wait3A_327 = arith.constant 1 : i32
        %dma_wait3A_328 = arith.constant 0 : i32
        %dma_wait3A_329 = tpu.memref_slice %arg6[%dma_wait3A_326, %dma_wait3A_327, %dma_wait3A_328] : memref<79x2x128xi32, #tpu.memory_space<vmem>> -> memref<1x1x128xi32, #tpu.memory_space<vmem>>
        %dma_wait3A_330 = tpu.memref_squeeze %dma_wait3A_329 : memref<1x1x128xi32, #tpu.memory_space<vmem>> -> memref<128xi32, #tpu.memory_space<vmem>>
        %dma_wait3A_331 = arith.constant 0 : i32
        %dma_wait3A_332 = arith.constant 0 : i32
        %dma_wait3A_333 = tpu.memref_slice %arg12[%dma_wait3A_331, %dma_wait3A_332] : memref<10240x16xf32, #tpu.memory_space<vmem_shared>> -> memref<10240x16xf32, #tpu.memory_space<vmem_shared>>
        tpu.wait_indirect_dma semaphore(%arg20 : memref<!tpu.dma_semaphore, #tpu.memory_space<semaphore_mem>>) src(%arg9 : memref<128x16xf32, #tpu.memory_space<vmem>>) dst(%dma_wait3A_333 : memref<10240x16xf32, #tpu.memory_space<vmem_shared>>)
      } else {
      }
      %add3A_211 = arith.constant 2 : i32
      %add3A_212 = arith.addi %add3A_206, %add3A_211 : i32
      %lt3A_213 = arith.constant 78 : i32
      %lt3A_214 = arith.cmpi slt, %add3A_212, %lt3A_213 : i32
      %convert_element_type3A_215 = arith.extui %lt3A_214 : i1 to i32
      %cond3A_216 = arith.constant 0 : i32
      %cond3A_217 = arith.cmpi ne, %convert_element_type3A_215, %cond3A_216 : i32
      scf.if %cond3A_217 {
        %add3A_326 = arith.constant 2 : i32
        %add3A_327 = arith.addi %add3A_206, %add3A_326 : i32
        %dma_start3A_328 = arith.constant 0 : i32
        %dma_start3A_329 = arith.constant 0 : i32
        %dma_start3A_330 = tpu.memref_slice %arg6[%add3A_327, %dma_start3A_328, %dma_start3A_329] : memref<79x2x128xi32, #tpu.memory_space<vmem>> -> memref<1x1x128xi32, #tpu.memory_space<vmem>>
        %dma_start3A_331 = tpu.memref_squeeze %dma_start3A_330 : memref<1x1x128xi32, #tpu.memory_space<vmem>> -> memref<128xi32, #tpu.memory_space<vmem>>
        %dma_start3A_332 = arith.constant 0 : i32
        %dma_start3A_333 = arith.constant 0 : i32
        %dma_start3A_334 = tpu.memref_slice %arg13[%dma_start3A_332, %dma_start3A_333] : memref<10240x16xf32, #tpu.memory_space<vmem_shared>> -> memref<10240x16xf32, #tpu.memory_space<vmem_shared>>
        tpu.enqueue_indirect_dma source(%dma_start3A_334 : memref<10240x16xf32, #tpu.memory_space<vmem_shared>>) target(%arg9 : memref<128x16xf32, #tpu.memory_space<vmem>>) offsets(%dma_start3A_331 : memref<128xi32, #tpu.memory_space<vmem>>) semaphore(%arg16 : memref<!tpu.dma_semaphore, #tpu.memory_space<semaphore_mem>>)
      } else {
      }
      %dma_wait3A_218 = arith.constant 0 : i32
      %dma_wait3A_219 = arith.constant 0 : i32
      %dma_wait3A_220 = arith.constant 0 : i32
      %dma_wait3A_221 = tpu.memref_slice %arg6[%dma_wait3A_218, %dma_wait3A_219, %dma_wait3A_220] : memref<79x2x128xi32, #tpu.memory_space<vmem>> -> memref<1x1x128xi32, #tpu.memory_space<vmem>>
      %dma_wait3A_222 = tpu.memref_squeeze %dma_wait3A_221 : memref<1x1x128xi32, #tpu.memory_space<vmem>> -> memref<128xi32, #tpu.memory_space<vmem>>
      %dma_wait3A_223 = arith.constant 0 : i32
      %dma_wait3A_224 = arith.constant 0 : i32
      %dma_wait3A_225 = tpu.memref_slice %arg13[%dma_wait3A_223, %dma_wait3A_224] : memref<10240x16xf32, #tpu.memory_space<vmem_shared>> -> memref<10240x16xf32, #tpu.memory_space<vmem_shared>>
      tpu.wait_indirect_dma semaphore(%arg14 : memref<!tpu.dma_semaphore, #tpu.memory_space<semaphore_mem>>) src(%dma_wait3A_225 : memref<10240x16xf32, #tpu.memory_space<vmem_shared>>) dst(%arg7 : memref<128x16xf32, #tpu.memory_space<vmem>>)
      %dma_start3A_226 = arith.constant 1 : i32
      %dma_start3A_227 = arith.constant 0 : i32
      %dma_start3A_228 = tpu.memref_slice %arg6[%add3A_206, %dma_start3A_226, %dma_start3A_227] : memref<79x2x128xi32, #tpu.memory_space<vmem>> -> memref<1x1x128xi32, #tpu.memory_space<vmem>>
      %dma_start3A_229 = tpu.memref_squeeze %dma_start3A_228 : memref<1x1x128xi32, #tpu.memory_space<vmem>> -> memref<128xi32, #tpu.memory_space<vmem>>
      %dma_start3A_230 = arith.constant 0 : i32
      %dma_start3A_231 = arith.constant 0 : i32
      %dma_start3A_232 = tpu.memref_slice %arg12[%dma_start3A_230, %dma_start3A_231] : memref<10240x16xf32, #tpu.memory_space<vmem_shared>> -> memref<10240x16xf32, #tpu.memory_space<vmem_shared>>
      tpu.enqueue_indirect_dma source(%arg7 : memref<128x16xf32, #tpu.memory_space<vmem>>) target(%dma_start3A_232 : memref<10240x16xf32, #tpu.memory_space<vmem_shared>>) offsets(%dma_start3A_229 : memref<128xi32, #tpu.memory_space<vmem>>) semaphore(%arg18 : memref<!tpu.dma_semaphore, #tpu.memory_space<semaphore_mem>>) {add = true}
      %mul3A_233 = arith.constant 4 : i32
      %mul3A_234 = arith.muli %mul3A_233, %add3A_202 : i32
      %add3A_235 = arith.constant 1 : i32
      %add3A_236 = arith.addi %mul3A_234, %add3A_235 : i32
      %ge3A_237 = arith.constant 2 : i32
      %ge3A_238 = arith.cmpi sge, %add3A_236, %ge3A_237 : i32
      %convert_element_type3A_239 = arith.extui %ge3A_238 : i1 to i32
      %cond3A_240 = arith.constant 0 : i32
      %cond3A_241 = arith.cmpi ne, %convert_element_type3A_239, %cond3A_240 : i32
      scf.if %cond3A_241 {
        %dma_wait3A_326 = arith.constant 0 : i32
        %dma_wait3A_327 = arith.constant 1 : i32
        %dma_wait3A_328 = arith.constant 0 : i32
        %dma_wait3A_329 = tpu.memref_slice %arg6[%dma_wait3A_326, %dma_wait3A_327, %dma_wait3A_328] : memref<79x2x128xi32, #tpu.memory_space<vmem>> -> memref<1x1x128xi32, #tpu.memory_space<vmem>>
        %dma_wait3A_330 = tpu.memref_squeeze %dma_wait3A_329 : memref<1x1x128xi32, #tpu.memory_space<vmem>> -> memref<128xi32, #tpu.memory_space<vmem>>
        %dma_wait3A_331 = arith.constant 0 : i32
        %dma_wait3A_332 = arith.constant 0 : i32
        %dma_wait3A_333 = tpu.memref_slice %arg12[%dma_wait3A_331, %dma_wait3A_332] : memref<10240x16xf32, #tpu.memory_space<vmem_shared>> -> memref<10240x16xf32, #tpu.memory_space<vmem_shared>>
        tpu.wait_indirect_dma semaphore(%arg21 : memref<!tpu.dma_semaphore, #tpu.memory_space<semaphore_mem>>) src(%arg10 : memref<128x16xf32, #tpu.memory_space<vmem>>) dst(%dma_wait3A_333 : memref<10240x16xf32, #tpu.memory_space<vmem_shared>>)
      } else {
      }
      %add3A_242 = arith.constant 2 : i32
      %add3A_243 = arith.addi %add3A_236, %add3A_242 : i32
      %lt3A_244 = arith.constant 78 : i32
      %lt3A_245 = arith.cmpi slt, %add3A_243, %lt3A_244 : i32
      %convert_element_type3A_246 = arith.extui %lt3A_245 : i1 to i32
      %cond3A_247 = arith.constant 0 : i32
      %cond3A_248 = arith.cmpi ne, %convert_element_type3A_246, %cond3A_247 : i32
      scf.if %cond3A_248 {
        %add3A_326 = arith.constant 2 : i32
        %add3A_327 = arith.addi %add3A_236, %add3A_326 : i32
        %dma_start3A_328 = arith.constant 0 : i32
        %dma_start3A_329 = arith.constant 0 : i32
        %dma_start3A_330 = tpu.memref_slice %arg6[%add3A_327, %dma_start3A_328, %dma_start3A_329] : memref<79x2x128xi32, #tpu.memory_space<vmem>> -> memref<1x1x128xi32, #tpu.memory_space<vmem>>
        %dma_start3A_331 = tpu.memref_squeeze %dma_start3A_330 : memref<1x1x128xi32, #tpu.memory_space<vmem>> -> memref<128xi32, #tpu.memory_space<vmem>>
        %dma_start3A_332 = arith.constant 0 : i32
        %dma_start3A_333 = arith.constant 0 : i32
        %dma_start3A_334 = tpu.memref_slice %arg13[%dma_start3A_332, %dma_start3A_333] : memref<10240x16xf32, #tpu.memory_space<vmem_shared>> -> memref<10240x16xf32, #tpu.memory_space<vmem_shared>>
        tpu.enqueue_indirect_dma source(%dma_start3A_334 : memref<10240x16xf32, #tpu.memory_space<vmem_shared>>) target(%arg10 : memref<128x16xf32, #tpu.memory_space<vmem>>) offsets(%dma_start3A_331 : memref<128xi32, #tpu.memory_space<vmem>>) semaphore(%arg17 : memref<!tpu.dma_semaphore, #tpu.memory_space<semaphore_mem>>)
      } else {
      }
      %dma_wait3A_249 = arith.constant 0 : i32
      %dma_wait3A_250 = arith.constant 0 : i32
      %dma_wait3A_251 = arith.constant 0 : i32
      %dma_wait3A_252 = tpu.memref_slice %arg6[%dma_wait3A_249, %dma_wait3A_250, %dma_wait3A_251] : memref<79x2x128xi32, #tpu.memory_space<vmem>> -> memref<1x1x128xi32, #tpu.memory_space<vmem>>
      %dma_wait3A_253 = tpu.memref_squeeze %dma_wait3A_252 : memref<1x1x128xi32, #tpu.memory_space<vmem>> -> memref<128xi32, #tpu.memory_space<vmem>>
      %dma_wait3A_254 = arith.constant 0 : i32
      %dma_wait3A_255 = arith.constant 0 : i32
      %dma_wait3A_256 = tpu.memref_slice %arg13[%dma_wait3A_254, %dma_wait3A_255] : memref<10240x16xf32, #tpu.memory_space<vmem_shared>> -> memref<10240x16xf32, #tpu.memory_space<vmem_shared>>
      tpu.wait_indirect_dma semaphore(%arg15 : memref<!tpu.dma_semaphore, #tpu.memory_space<semaphore_mem>>) src(%dma_wait3A_256 : memref<10240x16xf32, #tpu.memory_space<vmem_shared>>) dst(%arg8 : memref<128x16xf32, #tpu.memory_space<vmem>>)
      %dma_start3A_257 = arith.constant 1 : i32
      %dma_start3A_258 = arith.constant 0 : i32
      %dma_start3A_259 = tpu.memref_slice %arg6[%add3A_236, %dma_start3A_257, %dma_start3A_258] : memref<79x2x128xi32, #tpu.memory_space<vmem>> -> memref<1x1x128xi32, #tpu.memory_space<vmem>>
      %dma_start3A_260 = tpu.memref_squeeze %dma_start3A_259 : memref<1x1x128xi32, #tpu.memory_space<vmem>> -> memref<128xi32, #tpu.memory_space<vmem>>
      %dma_start3A_261 = arith.constant 0 : i32
      %dma_start3A_262 = arith.constant 0 : i32
      %dma_start3A_263 = tpu.memref_slice %arg12[%dma_start3A_261, %dma_start3A_262] : memref<10240x16xf32, #tpu.memory_space<vmem_shared>> -> memref<10240x16xf32, #tpu.memory_space<vmem_shared>>
      tpu.enqueue_indirect_dma source(%arg8 : memref<128x16xf32, #tpu.memory_space<vmem>>) target(%dma_start3A_263 : memref<10240x16xf32, #tpu.memory_space<vmem_shared>>) offsets(%dma_start3A_260 : memref<128xi32, #tpu.memory_space<vmem>>) semaphore(%arg19 : memref<!tpu.dma_semaphore, #tpu.memory_space<semaphore_mem>>) {add = true}
      %mul3A_264 = arith.constant 4 : i32
      %mul3A_265 = arith.muli %mul3A_264, %add3A_202 : i32
      %add3A_266 = arith.constant 2 : i32
      %add3A_267 = arith.addi %mul3A_265, %add3A_266 : i32
      %ge3A_268 = arith.constant 2 : i32
      %ge3A_269 = arith.cmpi sge, %add3A_267, %ge3A_268 : i32
      %convert_element_type3A_270 = arith.extui %ge3A_269 : i1 to i32
      %cond3A_271 = arith.constant 0 : i32
      %cond3A_272 = arith.cmpi ne, %convert_element_type3A_270, %cond3A_271 : i32
      scf.if %cond3A_272 {
        %dma_wait3A_326 = arith.constant 0 : i32
        %dma_wait3A_327 = arith.constant 1 : i32
        %dma_wait3A_328 = arith.constant 0 : i32
        %dma_wait3A_329 = tpu.memref_slice %arg6[%dma_wait3A_326, %dma_wait3A_327, %dma_wait3A_328] : memref<79x2x128xi32, #tpu.memory_space<vmem>> -> memref<1x1x128xi32, #tpu.memory_space<vmem>>
        %dma_wait3A_330 = tpu.memref_squeeze %dma_wait3A_329 : memref<1x1x128xi32, #tpu.memory_space<vmem>> -> memref<128xi32, #tpu.memory_space<vmem>>
        %dma_wait3A_331 = arith.constant 0 : i32
        %dma_wait3A_332 = arith.constant 0 : i32
        %dma_wait3A_333 = tpu.memref_slice %arg12[%dma_wait3A_331, %dma_wait3A_332] : memref<10240x16xf32, #tpu.memory_space<vmem_shared>> -> memref<10240x16xf32, #tpu.memory_space<vmem_shared>>
        tpu.wait_indirect_dma semaphore(%arg18 : memref<!tpu.dma_semaphore, #tpu.memory_space<semaphore_mem>>) src(%arg7 : memref<128x16xf32, #tpu.memory_space<vmem>>) dst(%dma_wait3A_333 : memref<10240x16xf32, #tpu.memory_space<vmem_shared>>)
      } else {
      }
      %add3A_273 = arith.constant 2 : i32
      %add3A_274 = arith.addi %add3A_267, %add3A_273 : i32
      %lt3A_275 = arith.constant 78 : i32
      %lt3A_276 = arith.cmpi slt, %add3A_274, %lt3A_275 : i32
      %convert_element_type3A_277 = arith.extui %lt3A_276 : i1 to i32
      %cond3A_278 = arith.constant 0 : i32
      %cond3A_279 = arith.cmpi ne, %convert_element_type3A_277, %cond3A_278 : i32
      scf.if %cond3A_279 {
        %add3A_326 = arith.constant 2 : i32
        %add3A_327 = arith.addi %add3A_267, %add3A_326 : i32
        %dma_start3A_328 = arith.constant 0 : i32
        %dma_start3A_329 = arith.constant 0 : i32
        %dma_start3A_330 = tpu.memref_slice %arg6[%add3A_327, %dma_start3A_328, %dma_start3A_329] : memref<79x2x128xi32, #tpu.memory_space<vmem>> -> memref<1x1x128xi32, #tpu.memory_space<vmem>>
        %dma_start3A_331 = tpu.memref_squeeze %dma_start3A_330 : memref<1x1x128xi32, #tpu.memory_space<vmem>> -> memref<128xi32, #tpu.memory_space<vmem>>
        %dma_start3A_332 = arith.constant 0 : i32
        %dma_start3A_333 = arith.constant 0 : i32
        %dma_start3A_334 = tpu.memref_slice %arg13[%dma_start3A_332, %dma_start3A_333] : memref<10240x16xf32, #tpu.memory_space<vmem_shared>> -> memref<10240x16xf32, #tpu.memory_space<vmem_shared>>
        tpu.enqueue_indirect_dma source(%dma_start3A_334 : memref<10240x16xf32, #tpu.memory_space<vmem_shared>>) target(%arg7 : memref<128x16xf32, #tpu.memory_space<vmem>>) offsets(%dma_start3A_331 : memref<128xi32, #tpu.memory_space<vmem>>) semaphore(%arg14 : memref<!tpu.dma_semaphore, #tpu.memory_space<semaphore_mem>>)
      } else {
      }
      %dma_wait3A_280 = arith.constant 0 : i32
      %dma_wait3A_281 = arith.constant 0 : i32
      %dma_wait3A_282 = arith.constant 0 : i32
      %dma_wait3A_283 = tpu.memref_slice %arg6[%dma_wait3A_280, %dma_wait3A_281, %dma_wait3A_282] : memref<79x2x128xi32, #tpu.memory_space<vmem>> -> memref<1x1x128xi32, #tpu.memory_space<vmem>>
      %dma_wait3A_284 = tpu.memref_squeeze %dma_wait3A_283 : memref<1x1x128xi32, #tpu.memory_space<vmem>> -> memref<128xi32, #tpu.memory_space<vmem>>
      %dma_wait3A_285 = arith.constant 0 : i32
      %dma_wait3A_286 = arith.constant 0 : i32
      %dma_wait3A_287 = tpu.memref_slice %arg13[%dma_wait3A_285, %dma_wait3A_286] : memref<10240x16xf32, #tpu.memory_space<vmem_shared>> -> memref<10240x16xf32, #tpu.memory_space<vmem_shared>>
      tpu.wait_indirect_dma semaphore(%arg16 : memref<!tpu.dma_semaphore, #tpu.memory_space<semaphore_mem>>) src(%dma_wait3A_287 : memref<10240x16xf32, #tpu.memory_space<vmem_shared>>) dst(%arg9 : memref<128x16xf32, #tpu.memory_space<vmem>>)
      %dma_start3A_288 = arith.constant 1 : i32
      %dma_start3A_289 = arith.constant 0 : i32
      %dma_start3A_290 = tpu.memref_slice %arg6[%add3A_267, %dma_start3A_288, %dma_start3A_289] : memref<79x2x128xi32, #tpu.memory_space<vmem>> -> memref<1x1x128xi32, #tpu.memory_space<vmem>>
      %dma_start3A_291 = tpu.memref_squeeze %dma_start3A_290 : memref<1x1x128xi32, #tpu.memory_space<vmem>> -> memref<128xi32, #tpu.memory_space<vmem>>
      %dma_start3A_292 = arith.constant 0 : i32
      %dma_start3A_293 = arith.constant 0 : i32
      %dma_start3A_294 = tpu.memref_slice %arg12[%dma_start3A_292, %dma_start3A_293] : memref<10240x16xf32, #tpu.memory_space<vmem_shared>> -> memref<10240x16xf32, #tpu.memory_space<vmem_shared>>
      tpu.enqueue_indirect_dma source(%arg9 : memref<128x16xf32, #tpu.memory_space<vmem>>) target(%dma_start3A_294 : memref<10240x16xf32, #tpu.memory_space<vmem_shared>>) offsets(%dma_start3A_291 : memref<128xi32, #tpu.memory_space<vmem>>) semaphore(%arg20 : memref<!tpu.dma_semaphore, #tpu.memory_space<semaphore_mem>>) {add = true}
      %mul3A_295 = arith.constant 4 : i32
      %mul3A_296 = arith.muli %mul3A_295, %add3A_202 : i32
      %add3A_297 = arith.constant 3 : i32
      %add3A_298 = arith.addi %mul3A_296, %add3A_297 : i32
      %ge3A_299 = arith.constant 2 : i32
      %ge3A_300 = arith.cmpi sge, %add3A_298, %ge3A_299 : i32
      %convert_element_type3A_301 = arith.extui %ge3A_300 : i1 to i32
      %cond3A_302 = arith.constant 0 : i32
      %cond3A_303 = arith.cmpi ne, %convert_element_type3A_301, %cond3A_302 : i32
      scf.if %cond3A_303 {
        %dma_wait3A_326 = arith.constant 0 : i32
        %dma_wait3A_327 = arith.constant 1 : i32
        %dma_wait3A_328 = arith.constant 0 : i32
        %dma_wait3A_329 = tpu.memref_slice %arg6[%dma_wait3A_326, %dma_wait3A_327, %dma_wait3A_328] : memref<79x2x128xi32, #tpu.memory_space<vmem>> -> memref<1x1x128xi32, #tpu.memory_space<vmem>>
        %dma_wait3A_330 = tpu.memref_squeeze %dma_wait3A_329 : memref<1x1x128xi32, #tpu.memory_space<vmem>> -> memref<128xi32, #tpu.memory_space<vmem>>
        %dma_wait3A_331 = arith.constant 0 : i32
        %dma_wait3A_332 = arith.constant 0 : i32
        %dma_wait3A_333 = tpu.memref_slice %arg12[%dma_wait3A_331, %dma_wait3A_332] : memref<10240x16xf32, #tpu.memory_space<vmem_shared>> -> memref<10240x16xf32, #tpu.memory_space<vmem_shared>>
        tpu.wait_indirect_dma semaphore(%arg19 : memref<!tpu.dma_semaphore, #tpu.memory_space<semaphore_mem>>) src(%arg8 : memref<128x16xf32, #tpu.memory_space<vmem>>) dst(%dma_wait3A_333 : memref<10240x16xf32, #tpu.memory_space<vmem_shared>>)
      } else {
      }
      %add3A_304 = arith.constant 2 : i32
      %add3A_305 = arith.addi %add3A_298, %add3A_304 : i32
      %lt3A_306 = arith.constant 78 : i32
      %lt3A_307 = arith.cmpi slt, %add3A_305, %lt3A_306 : i32
      %convert_element_type3A_308 = arith.extui %lt3A_307 : i1 to i32
      %cond3A_309 = arith.constant 0 : i32
      %cond3A_310 = arith.cmpi ne, %convert_element_type3A_308, %cond3A_309 : i32
      scf.if %cond3A_310 {
        %add3A_326 = arith.constant 2 : i32
        %add3A_327 = arith.addi %add3A_298, %add3A_326 : i32
        %dma_start3A_328 = arith.constant 0 : i32
        %dma_start3A_329 = arith.constant 0 : i32
        %dma_start3A_330 = tpu.memref_slice %arg6[%add3A_327, %dma_start3A_328, %dma_start3A_329] : memref<79x2x128xi32, #tpu.memory_space<vmem>> -> memref<1x1x128xi32, #tpu.memory_space<vmem>>
        %dma_start3A_331 = tpu.memref_squeeze %dma_start3A_330 : memref<1x1x128xi32, #tpu.memory_space<vmem>> -> memref<128xi32, #tpu.memory_space<vmem>>
        %dma_start3A_332 = arith.constant 0 : i32
        %dma_start3A_333 = arith.constant 0 : i32
        %dma_start3A_334 = tpu.memref_slice %arg13[%dma_start3A_332, %dma_start3A_333] : memref<10240x16xf32, #tpu.memory_space<vmem_shared>> -> memref<10240x16xf32, #tpu.memory_space<vmem_shared>>
        tpu.enqueue_indirect_dma source(%dma_start3A_334 : memref<10240x16xf32, #tpu.memory_space<vmem_shared>>) target(%arg8 : memref<128x16xf32, #tpu.memory_space<vmem>>) offsets(%dma_start3A_331 : memref<128xi32, #tpu.memory_space<vmem>>) semaphore(%arg15 : memref<!tpu.dma_semaphore, #tpu.memory_space<semaphore_mem>>)
      } else {
      }
      %dma_wait3A_311 = arith.constant 0 : i32
      %dma_wait3A_312 = arith.constant 0 : i32
      %dma_wait3A_313 = arith.constant 0 : i32
      %dma_wait3A_314 = tpu.memref_slice %arg6[%dma_wait3A_311, %dma_wait3A_312, %dma_wait3A_313] : memref<79x2x128xi32, #tpu.memory_space<vmem>> -> memref<1x1x128xi32, #tpu.memory_space<vmem>>
      %dma_wait3A_315 = tpu.memref_squeeze %dma_wait3A_314 : memref<1x1x128xi32, #tpu.memory_space<vmem>> -> memref<128xi32, #tpu.memory_space<vmem>>
      %dma_wait3A_316 = arith.constant 0 : i32
      %dma_wait3A_317 = arith.constant 0 : i32
      %dma_wait3A_318 = tpu.memref_slice %arg13[%dma_wait3A_316, %dma_wait3A_317] : memref<10240x16xf32, #tpu.memory_space<vmem_shared>> -> memref<10240x16xf32, #tpu.memory_space<vmem_shared>>
      tpu.wait_indirect_dma semaphore(%arg17 : memref<!tpu.dma_semaphore, #tpu.memory_space<semaphore_mem>>) src(%dma_wait3A_318 : memref<10240x16xf32, #tpu.memory_space<vmem_shared>>) dst(%arg10 : memref<128x16xf32, #tpu.memory_space<vmem>>)
      %dma_start3A_319 = arith.constant 1 : i32
      %dma_start3A_320 = arith.constant 0 : i32
      %dma_start3A_321 = tpu.memref_slice %arg6[%add3A_298, %dma_start3A_319, %dma_start3A_320] : memref<79x2x128xi32, #tpu.memory_space<vmem>> -> memref<1x1x128xi32, #tpu.memory_space<vmem>>
      %dma_start3A_322 = tpu.memref_squeeze %dma_start3A_321 : memref<1x1x128xi32, #tpu.memory_space<vmem>> -> memref<128xi32, #tpu.memory_space<vmem>>
      %dma_start3A_323 = arith.constant 0 : i32
      %dma_start3A_324 = arith.constant 0 : i32
      %dma_start3A_325 = tpu.memref_slice %arg12[%dma_start3A_323, %dma_start3A_324] : memref<10240x16xf32, #tpu.memory_space<vmem_shared>> -> memref<10240x16xf32, #tpu.memory_space<vmem_shared>>
      tpu.enqueue_indirect_dma source(%arg10 : memref<128x16xf32, #tpu.memory_space<vmem>>) target(%dma_start3A_325 : memref<10240x16xf32, #tpu.memory_space<vmem_shared>>) offsets(%dma_start3A_322 : memref<128xi32, #tpu.memory_space<vmem>>) semaphore(%arg21 : memref<!tpu.dma_semaphore, #tpu.memory_space<semaphore_mem>>) {add = true}
    }
    %scan3A_118 = arith.constant 19 : i32
    %dma_wait3A_119 = arith.constant 0 : i32
    %dma_wait3A_120 = arith.constant 1 : i32
    %dma_wait3A_121 = arith.constant 0 : i32
    %dma_wait3A_122 = tpu.memref_slice %arg6[%dma_wait3A_119, %dma_wait3A_120, %dma_wait3A_121] : memref<79x2x128xi32, #tpu.memory_space<vmem>> -> memref<1x1x128xi32, #tpu.memory_space<vmem>>
    %dma_wait3A_123 = tpu.memref_squeeze %dma_wait3A_122 : memref<1x1x128xi32, #tpu.memory_space<vmem>> -> memref<128xi32, #tpu.memory_space<vmem>>
    %dma_wait3A_124 = arith.constant 0 : i32
    %dma_wait3A_125 = arith.constant 0 : i32
    %dma_wait3A_126 = tpu.memref_slice %arg12[%dma_wait3A_124, %dma_wait3A_125] : memref<10240x16xf32, #tpu.memory_space<vmem_shared>> -> memref<10240x16xf32, #tpu.memory_space<vmem_shared>>
    tpu.wait_indirect_dma semaphore(%arg20 : memref<!tpu.dma_semaphore, #tpu.memory_space<semaphore_mem>>) src(%arg9 : memref<128x16xf32, #tpu.memory_space<vmem>>) dst(%dma_wait3A_126 : memref<10240x16xf32, #tpu.memory_space<vmem_shared>>)
    %dma_wait3A_127 = arith.constant 0 : i32
    %dma_wait3A_128 = arith.constant 0 : i32
    %dma_wait3A_129 = arith.constant 0 : i32
    %dma_wait3A_130 = tpu.memref_slice %arg6[%dma_wait3A_127, %dma_wait3A_128, %dma_wait3A_129] : memref<79x2x128xi32, #tpu.memory_space<vmem>> -> memref<1x1x128xi32, #tpu.memory_space<vmem>>
    %dma_wait3A_131 = tpu.memref_squeeze %dma_wait3A_130 : memref<1x1x128xi32, #tpu.memory_space<vmem>> -> memref<128xi32, #tpu.memory_space<vmem>>
    %dma_wait3A_132 = arith.constant 0 : i32
    %dma_wait3A_133 = arith.constant 0 : i32
    %dma_wait3A_134 = tpu.memref_slice %arg13[%dma_wait3A_132, %dma_wait3A_133] : memref<10240x16xf32, #tpu.memory_space<vmem_shared>> -> memref<10240x16xf32, #tpu.memory_space<vmem_shared>>
    tpu.wait_indirect_dma semaphore(%arg14 : memref<!tpu.dma_semaphore, #tpu.memory_space<semaphore_mem>>) src(%dma_wait3A_134 : memref<10240x16xf32, #tpu.memory_space<vmem_shared>>) dst(%arg7 : memref<128x16xf32, #tpu.memory_space<vmem>>)
    %dma_start3A_135 = arith.constant 76 : i32
    %dma_start3A_136 = arith.constant 1 : i32
    %dma_start3A_137 = arith.constant 0 : i32
    %dma_start3A_138 = tpu.memref_slice %arg6[%dma_start3A_135, %dma_start3A_136, %dma_start3A_137] : memref<79x2x128xi32, #tpu.memory_space<vmem>> -> memref<1x1x128xi32, #tpu.memory_space<vmem>>
    %dma_start3A_139 = tpu.memref_squeeze %dma_start3A_138 : memref<1x1x128xi32, #tpu.memory_space<vmem>> -> memref<128xi32, #tpu.memory_space<vmem>>
    %dma_start3A_140 = arith.constant 0 : i32
    %dma_start3A_141 = arith.constant 0 : i32
    %dma_start3A_142 = tpu.memref_slice %arg12[%dma_start3A_140, %dma_start3A_141] : memref<10240x16xf32, #tpu.memory_space<vmem_shared>> -> memref<10240x16xf32, #tpu.memory_space<vmem_shared>>
    tpu.enqueue_indirect_dma source(%arg7 : memref<128x16xf32, #tpu.memory_space<vmem>>) target(%dma_start3A_142 : memref<10240x16xf32, #tpu.memory_space<vmem_shared>>) offsets(%dma_start3A_139 : memref<128xi32, #tpu.memory_space<vmem>>) semaphore(%arg18 : memref<!tpu.dma_semaphore, #tpu.memory_space<semaphore_mem>>) {add = true}
    %dma_wait3A_143 = arith.constant 0 : i32
    %dma_wait3A_144 = arith.constant 1 : i32
    %dma_wait3A_145 = arith.constant 0 : i32
    %dma_wait3A_146 = tpu.memref_slice %arg6[%dma_wait3A_143, %dma_wait3A_144, %dma_wait3A_145] : memref<79x2x128xi32, #tpu.memory_space<vmem>> -> memref<1x1x128xi32, #tpu.memory_space<vmem>>
    %dma_wait3A_147 = tpu.memref_squeeze %dma_wait3A_146 : memref<1x1x128xi32, #tpu.memory_space<vmem>> -> memref<128xi32, #tpu.memory_space<vmem>>
    %dma_wait3A_148 = arith.constant 0 : i32
    %dma_wait3A_149 = arith.constant 0 : i32
    %dma_wait3A_150 = tpu.memref_slice %arg12[%dma_wait3A_148, %dma_wait3A_149] : memref<10240x16xf32, #tpu.memory_space<vmem_shared>> -> memref<10240x16xf32, #tpu.memory_space<vmem_shared>>
    tpu.wait_indirect_dma semaphore(%arg21 : memref<!tpu.dma_semaphore, #tpu.memory_space<semaphore_mem>>) src(%arg10 : memref<128x16xf32, #tpu.memory_space<vmem>>) dst(%dma_wait3A_150 : memref<10240x16xf32, #tpu.memory_space<vmem_shared>>)
    %dma_wait3A_151 = arith.constant 0 : i32
    %dma_wait3A_152 = arith.constant 0 : i32
    %dma_wait3A_153 = arith.constant 0 : i32
    %dma_wait3A_154 = tpu.memref_slice %arg6[%dma_wait3A_151, %dma_wait3A_152, %dma_wait3A_153] : memref<79x2x128xi32, #tpu.memory_space<vmem>> -> memref<1x1x128xi32, #tpu.memory_space<vmem>>
    %dma_wait3A_155 = tpu.memref_squeeze %dma_wait3A_154 : memref<1x1x128xi32, #tpu.memory_space<vmem>> -> memref<128xi32, #tpu.memory_space<vmem>>
    %dma_wait3A_156 = arith.constant 0 : i32
    %dma_wait3A_157 = arith.constant 0 : i32
    %dma_wait3A_158 = tpu.memref_slice %arg13[%dma_wait3A_156, %dma_wait3A_157] : memref<10240x16xf32, #tpu.memory_space<vmem_shared>> -> memref<10240x16xf32, #tpu.memory_space<vmem_shared>>
    tpu.wait_indirect_dma semaphore(%arg15 : memref<!tpu.dma_semaphore, #tpu.memory_space<semaphore_mem>>) src(%dma_wait3A_158 : memref<10240x16xf32, #tpu.memory_space<vmem_shared>>) dst(%arg8 : memref<128x16xf32, #tpu.memory_space<vmem>>)
    %dma_start3A_159 = arith.constant 77 : i32
    %dma_start3A_160 = arith.constant 1 : i32
    %dma_start3A_161 = arith.constant 0 : i32
    %dma_start3A_162 = tpu.memref_slice %arg6[%dma_start3A_159, %dma_start3A_160, %dma_start3A_161] : memref<79x2x128xi32, #tpu.memory_space<vmem>> -> memref<1x1x128xi32, #tpu.memory_space<vmem>>
    %dma_start3A_163 = tpu.memref_squeeze %dma_start3A_162 : memref<1x1x128xi32, #tpu.memory_space<vmem>> -> memref<128xi32, #tpu.memory_space<vmem>>
    %dma_start3A_164 = arith.constant 0 : i32
    %dma_start3A_165 = arith.constant 0 : i32
    %dma_start3A_166 = tpu.memref_slice %arg12[%dma_start3A_164, %dma_start3A_165] : memref<10240x16xf32, #tpu.memory_space<vmem_shared>> -> memref<10240x16xf32, #tpu.memory_space<vmem_shared>>
    tpu.enqueue_indirect_dma source(%arg8 : memref<128x16xf32, #tpu.memory_space<vmem>>) target(%dma_start3A_166 : memref<10240x16xf32, #tpu.memory_space<vmem_shared>>) offsets(%dma_start3A_163 : memref<128xi32, #tpu.memory_space<vmem>>) semaphore(%arg19 : memref<!tpu.dma_semaphore, #tpu.memory_space<semaphore_mem>>) {add = true}
    %dma_wait3A_167 = arith.constant 0 : i32
    %dma_wait3A_168 = arith.constant 1 : i32
    %dma_wait3A_169 = arith.constant 0 : i32
    %dma_wait3A_170 = tpu.memref_slice %arg6[%dma_wait3A_167, %dma_wait3A_168, %dma_wait3A_169] : memref<79x2x128xi32, #tpu.memory_space<vmem>> -> memref<1x1x128xi32, #tpu.memory_space<vmem>>
    %dma_wait3A_171 = tpu.memref_squeeze %dma_wait3A_170 : memref<1x1x128xi32, #tpu.memory_space<vmem>> -> memref<128xi32, #tpu.memory_space<vmem>>
    %dma_wait3A_172 = arith.constant 0 : i32
    %dma_wait3A_173 = arith.constant 0 : i32
    %dma_wait3A_174 = tpu.memref_slice %arg12[%dma_wait3A_172, %dma_wait3A_173] : memref<10240x16xf32, #tpu.memory_space<vmem_shared>> -> memref<10240x16xf32, #tpu.memory_space<vmem_shared>>
    tpu.wait_indirect_dma semaphore(%arg18 : memref<!tpu.dma_semaphore, #tpu.memory_space<semaphore_mem>>) src(%arg7 : memref<128x16xf32, #tpu.memory_space<vmem>>) dst(%dma_wait3A_174 : memref<10240x16xf32, #tpu.memory_space<vmem_shared>>)
    %dma_wait3A_175 = arith.constant 0 : i32
    %dma_wait3A_176 = arith.constant 1 : i32
    %dma_wait3A_177 = arith.constant 0 : i32
    %dma_wait3A_178 = tpu.memref_slice %arg6[%dma_wait3A_175, %dma_wait3A_176, %dma_wait3A_177] : memref<79x2x128xi32, #tpu.memory_space<vmem>> -> memref<1x1x128xi32, #tpu.memory_space<vmem>>
    %dma_wait3A_179 = tpu.memref_squeeze %dma_wait3A_178 : memref<1x1x128xi32, #tpu.memory_space<vmem>> -> memref<128xi32, #tpu.memory_space<vmem>>
    %dma_wait3A_180 = arith.constant 0 : i32
    %dma_wait3A_181 = arith.constant 0 : i32
    %dma_wait3A_182 = tpu.memref_slice %arg12[%dma_wait3A_180, %dma_wait3A_181] : memref<10240x16xf32, #tpu.memory_space<vmem_shared>> -> memref<10240x16xf32, #tpu.memory_space<vmem_shared>>
    tpu.wait_indirect_dma semaphore(%arg19 : memref<!tpu.dma_semaphore, #tpu.memory_space<semaphore_mem>>) src(%arg8 : memref<128x16xf32, #tpu.memory_space<vmem>>) dst(%dma_wait3A_182 : memref<10240x16xf32, #tpu.memory_space<vmem_shared>>)
    %lt3A_183 = arith.constant 4 : i32
    %lt3A_184 = arith.cmpi slt, %add3A, %lt3A_183 : i32
    %convert_element_type3A_185 = arith.extui %lt3A_184 : i1 to i32
    %cond3A_186 = arith.constant 0 : i32
    %cond3A_187 = arith.cmpi ne, %convert_element_type3A_185, %cond3A_186 : i32
    scf.if %cond3A_187 {
      %dma_start3A_198 = arith.constant 78 : i32
      %dma_start3A_199 = arith.constant 0 : i32
      %dma_start3A_200 = arith.constant 0 : i32
      %dma_start3A_201 = tpu.memref_slice %arg6[%dma_start3A_198, %dma_start3A_199, %dma_start3A_200] : memref<79x2x128xi32, #tpu.memory_space<vmem>> -> memref<1x1x128xi32, #tpu.memory_space<vmem>>
      %dma_start3A_202 = tpu.memref_squeeze %dma_start3A_201 : memref<1x1x128xi32, #tpu.memory_space<vmem>> -> memref<128xi32, #tpu.memory_space<vmem>>
      %dma_start3A_203 = arith.constant 0 : i32
      %dma_start3A_204 = arith.constant 0 : i32
      %dma_start3A_205 = tpu.memref_slice %arg13[%dma_start3A_203, %dma_start3A_204] : memref<10240x16xf32, #tpu.memory_space<vmem_shared>> -> memref<10240x16xf32, #tpu.memory_space<vmem_shared>>
      tpu.enqueue_indirect_dma source(%dma_start3A_205 : memref<10240x16xf32, #tpu.memory_space<vmem_shared>>) target(%arg7 : memref<128x16xf32, #tpu.memory_space<vmem>>) offsets(%dma_start3A_202 : memref<128xi32, #tpu.memory_space<vmem>>) semaphore(%arg14 : memref<!tpu.dma_semaphore, #tpu.memory_space<semaphore_mem>>)
      %dma_wait3A_206 = arith.constant 78 : i32
      %dma_wait3A_207 = arith.constant 0 : i32
      %dma_wait3A_208 = arith.constant 0 : i32
      %dma_wait3A_209 = tpu.memref_slice %arg6[%dma_wait3A_206, %dma_wait3A_207, %dma_wait3A_208] : memref<79x2x128xi32, #tpu.memory_space<vmem>> -> memref<1x1x128xi32, #tpu.memory_space<vmem>>
      %dma_wait3A_210 = tpu.memref_squeeze %dma_wait3A_209 : memref<1x1x128xi32, #tpu.memory_space<vmem>> -> memref<128xi32, #tpu.memory_space<vmem>>
      %dma_wait3A_211 = arith.constant 0 : i32
      %dma_wait3A_212 = arith.constant 0 : i32
      %dma_wait3A_213 = tpu.memref_slice %arg13[%dma_wait3A_211, %dma_wait3A_212] : memref<10240x16xf32, #tpu.memory_space<vmem_shared>> -> memref<10240x16xf32, #tpu.memory_space<vmem_shared>>
      tpu.wait_indirect_dma semaphore(%arg14 : memref<!tpu.dma_semaphore, #tpu.memory_space<semaphore_mem>>) src(%dma_wait3A_213 : memref<10240x16xf32, #tpu.memory_space<vmem_shared>>) dst(%arg7 : memref<128x16xf32, #tpu.memory_space<vmem>>)
      %dma_start3A_214 = arith.constant 78 : i32
      %dma_start3A_215 = arith.constant 1 : i32
      %dma_start3A_216 = arith.constant 0 : i32
      %dma_start3A_217 = tpu.memref_slice %arg6[%dma_start3A_214, %dma_start3A_215, %dma_start3A_216] : memref<79x2x128xi32, #tpu.memory_space<vmem>> -> memref<1x1x128xi32, #tpu.memory_space<vmem>>
      %dma_start3A_218 = tpu.memref_squeeze %dma_start3A_217 : memref<1x1x128xi32, #tpu.memory_space<vmem>> -> memref<128xi32, #tpu.memory_space<vmem>>
      %dma_start3A_219 = arith.constant 0 : i32
      %dma_start3A_220 = arith.constant 0 : i32
      %dma_start3A_221 = tpu.memref_slice %arg12[%dma_start3A_219, %dma_start3A_220] : memref<10240x16xf32, #tpu.memory_space<vmem_shared>> -> memref<10240x16xf32, #tpu.memory_space<vmem_shared>>
      tpu.enqueue_indirect_dma source(%arg7 : memref<128x16xf32, #tpu.memory_space<vmem>>) target(%dma_start3A_221 : memref<10240x16xf32, #tpu.memory_space<vmem_shared>>) offsets(%dma_start3A_218 : memref<128xi32, #tpu.memory_space<vmem>>) semaphore(%arg18 : memref<!tpu.dma_semaphore, #tpu.memory_space<semaphore_mem>>) {add = true}
      %dma_wait3A_222 = arith.constant 0 : i32
      %dma_wait3A_223 = arith.constant 1 : i32
      %dma_wait3A_224 = arith.constant 0 : i32
      %dma_wait3A_225 = tpu.memref_slice %arg6[%dma_wait3A_222, %dma_wait3A_223, %dma_wait3A_224] : memref<79x2x128xi32, #tpu.memory_space<vmem>> -> memref<1x1x128xi32, #tpu.memory_space<vmem>>
      %dma_wait3A_226 = tpu.memref_squeeze %dma_wait3A_225 : memref<1x1x128xi32, #tpu.memory_space<vmem>> -> memref<128xi32, #tpu.memory_space<vmem>>
      %dma_wait3A_227 = arith.constant 0 : i32
      %dma_wait3A_228 = arith.constant 0 : i32
      %dma_wait3A_229 = tpu.memref_slice %arg12[%dma_wait3A_227, %dma_wait3A_228] : memref<10240x16xf32, #tpu.memory_space<vmem_shared>> -> memref<10240x16xf32, #tpu.memory_space<vmem_shared>>
      tpu.wait_indirect_dma semaphore(%arg18 : memref<!tpu.dma_semaphore, #tpu.memory_space<semaphore_mem>>) src(%arg7 : memref<128x16xf32, #tpu.memory_space<vmem>>) dst(%dma_wait3A_229 : memref<10240x16xf32, #tpu.memory_space<vmem_shared>>)
    } else {
    }
    %barrier3A_188 = arith.constant 0 : index
    tpu.barrier barrier_id(%barrier3A_188)
    %eq3A = arith.constant 0 : i32
    %eq3A_189 = arith.cmpi eq, %arg0, %eq3A : i32
    %convert_element_type3A_190 = arith.extui %eq3A_189 : i1 to i32
    %cond3A_191 = arith.constant 0 : i32
    %cond3A_192 = arith.cmpi ne, %convert_element_type3A_190, %cond3A_191 : i32
    scf.if %cond3A_192 {
      "tpu.region"() ({
        %run_scoped3A = tpu.sem_alloc : memref<!tpu.dma_semaphore, #tpu.memory_space<semaphore_mem>>
        %dma_start3A_198 = arith.constant 0 : i32
        %dma_start3A_199 = tpu.memref_slice %arg4[%mul3A_9, %dma_start3A_198] : memref<10240x16xf32, #tpu.memory_space<hbm>> -> memref<640x16xf32, #tpu.memory_space<hbm>>
        %dma_start3A_200 = arith.constant 0 : i32
        %dma_start3A_201 = tpu.memref_slice %arg12[%mul3A_9, %dma_start3A_200] : memref<10240x16xf32, #tpu.memory_space<vmem_shared>> -> memref<640x16xf32, #tpu.memory_space<vmem_shared>>
        tpu.enqueue_dma source(%dma_start3A_201 : memref<640x16xf32, #tpu.memory_space<vmem_shared>>) target(%dma_start3A_199 : memref<640x16xf32, #tpu.memory_space<hbm>>) target_semaphore(%run_scoped3A : memref<!tpu.dma_semaphore, #tpu.memory_space<semaphore_mem>>)
        %dma_wait3A_202 = arith.constant 0 : i32
        %dma_wait3A_203 = tpu.memref_slice %arg4[%mul3A_9, %dma_wait3A_202] : memref<10240x16xf32, #tpu.memory_space<hbm>> -> memref<640x16xf32, #tpu.memory_space<hbm>>
        %dma_wait3A_204 = arith.constant 0 : i32
        %dma_wait3A_205 = tpu.memref_slice %arg12[%mul3A_9, %dma_wait3A_204] : memref<10240x16xf32, #tpu.memory_space<vmem_shared>> -> memref<640x16xf32, #tpu.memory_space<vmem_shared>>
        tpu.wait_dma2 semaphore(%run_scoped3A : memref<!tpu.dma_semaphore, #tpu.memory_space<semaphore_mem>>) src(%dma_wait3A_205 : memref<640x16xf32, #tpu.memory_space<vmem_shared>>) dst(%dma_wait3A_203 : memref<640x16xf32, #tpu.memory_space<hbm>>)
        tpu.yield
      }) : () -> ()
    } else {
    }
    %eq3A_193 = arith.constant 1 : i32
    %eq3A_194 = arith.cmpi eq, %arg0, %eq3A_193 : i32
    %convert_element_type3A_195 = arith.extui %eq3A_194 : i1 to i32
    %cond3A_196 = arith.constant 0 : i32
    %cond3A_197 = arith.cmpi ne, %convert_element_type3A_195, %cond3A_196 : i32
    scf.if %cond3A_197 {
      "tpu.region"() ({
        %run_scoped3A = tpu.sem_alloc : memref<!tpu.dma_semaphore, #tpu.memory_space<semaphore_mem>>
        %dma_start3A_198 = arith.constant 0 : i32
        %dma_start3A_199 = tpu.memref_slice %arg5[%mul3A_9, %dma_start3A_198] : memref<10240x16xf32, #tpu.memory_space<hbm>> -> memref<640x16xf32, #tpu.memory_space<hbm>>
        %dma_start3A_200 = arith.constant 0 : i32
        %dma_start3A_201 = tpu.memref_slice %arg12[%mul3A_9, %dma_start3A_200] : memref<10240x16xf32, #tpu.memory_space<vmem_shared>> -> memref<640x16xf32, #tpu.memory_space<vmem_shared>>
        tpu.enqueue_dma source(%dma_start3A_201 : memref<640x16xf32, #tpu.memory_space<vmem_shared>>) target(%dma_start3A_199 : memref<640x16xf32, #tpu.memory_space<hbm>>) target_semaphore(%run_scoped3A : memref<!tpu.dma_semaphore, #tpu.memory_space<semaphore_mem>>)
        %dma_wait3A_202 = arith.constant 0 : i32
        %dma_wait3A_203 = tpu.memref_slice %arg5[%mul3A_9, %dma_wait3A_202] : memref<10240x16xf32, #tpu.memory_space<hbm>> -> memref<640x16xf32, #tpu.memory_space<hbm>>
        %dma_wait3A_204 = arith.constant 0 : i32
        %dma_wait3A_205 = tpu.memref_slice %arg12[%mul3A_9, %dma_wait3A_204] : memref<10240x16xf32, #tpu.memory_space<vmem_shared>> -> memref<640x16xf32, #tpu.memory_space<vmem_shared>>
        tpu.wait_dma2 semaphore(%run_scoped3A : memref<!tpu.dma_semaphore, #tpu.memory_space<semaphore_mem>>) src(%dma_wait3A_205 : memref<640x16xf32, #tpu.memory_space<vmem_shared>>) dst(%dma_wait3A_203 : memref<640x16xf32, #tpu.memory_space<hbm>>)
        tpu.yield
      }) : () -> ()
    } else {
    }
    return
  }
}

#map = affine_map<(d0, d1) -> (0, 0)>
#map1 = affine_map<(d0, d1) -> (0, 0, 0)>
module attributes {stable_mosaic.version = 14 : i64} {
  func.func @sc_edge_pass_deg1(%arg0: i32, %arg1: i32, %arg2: memref<10240x16xf32, #tpu.memory_space<hbm>>, %arg3: memref<2500x2x128xi32, #tpu.memory_space<hbm>>, %arg4: memref<10240x16xf32, #tpu.memory_space<hbm>>, %arg5: memref<10240x16xf32, #tpu.memory_space<hbm>>, %arg6: memref<10240x16xf32, #tpu.memory_space<hbm>>, %arg7: memref<10240x16xf32, #tpu.memory_space<hbm>>, %arg8: memref<79x2x128xi32, #tpu.memory_space<vmem>>, %arg9: memref<128x16xf32, #tpu.memory_space<vmem>>, %arg10: memref<128x16xf32, #tpu.memory_space<vmem>>, %arg11: memref<128x16xf32, #tpu.memory_space<vmem>>, %arg12: memref<128x16xf32, #tpu.memory_space<vmem>>, %arg13: memref<128xf32, #tpu.memory_space<vmem>>, %arg14: memref<128x16xf32, #tpu.memory_space<vmem>>, %arg15: memref<640xf32, #tpu.memory_space<vmem>>, %arg16: memref<640xf32, #tpu.memory_space<vmem>>, %arg17: memref<640x16xf32, #tpu.memory_space<vmem>>, %arg18: memref<10240x16xf32, #tpu.memory_space<vmem_shared>>, %arg19: memref<10240xf32, #tpu.memory_space<vmem_shared>>, %arg20: memref<10240x16xf32, #tpu.memory_space<vmem_shared>>, %arg21: memref<!tpu.dma_semaphore, #tpu.memory_space<semaphore_mem>>, %arg22: memref<!tpu.dma_semaphore, #tpu.memory_space<semaphore_mem>>, %arg23: memref<!tpu.dma_semaphore, #tpu.memory_space<semaphore_mem>>, %arg24: memref<!tpu.dma_semaphore, #tpu.memory_space<semaphore_mem>>, %arg25: memref<!tpu.dma_semaphore, #tpu.memory_space<semaphore_mem>>, %arg26: memref<!tpu.dma_semaphore, #tpu.memory_space<semaphore_mem>>, %arg27: memref<!tpu.dma_semaphore, #tpu.memory_space<semaphore_mem>>, %arg28: memref<!tpu.dma_semaphore, #tpu.memory_space<semaphore_mem>>, %arg29: memref<!tpu.dma_semaphore, #tpu.memory_space<semaphore_mem>>, %arg30: memref<!tpu.dma_semaphore, #tpu.memory_space<semaphore_mem>>, %arg31: memref<!tpu.dma_semaphore, #tpu.memory_space<semaphore_mem>>, %arg32: memref<!tpu.dma_semaphore, #tpu.memory_space<semaphore_mem>>) attributes {dimension_semantics = [#tpu.dimension_semantics<core_parallel>, #tpu.dimension_semantics<subcore_parallel>], iteration_bounds = array<i64: 2, 16>, scalar_prefetch = 0 : i64, scratch_operands = 25 : i64, tpu.core_type = #tpu.core_type<sc_vector_subcore>, window_params = [{transform_indices = #map}, {transform_indices = #map1}, {transform_indices = #map}, {transform_indices = #map}, {transform_indices = #map}, {transform_indices = #map}]} {
    %mul3A = arith.constant 2 : i32
    %mul3A_0 = arith.muli %arg1, %mul3A : i32
    %add3A = arith.addi %mul3A_0, %arg0 : i32
    %broadcast_in_dim3A = arith.constant 0.000000e+00 : f32
    %broadcast_in_dim3A_1 = vector.broadcast %broadcast_in_dim3A : f32 to vector<16xf32>
    %scan3A = arith.constant 0 : i32
    %scan3A_2 = arith.constant 0 : i32
    %scan3A_3 = arith.constant 128 : i32
    %scan3A_4 = arith.addi %scan3A_2, %scan3A_3 : i32
    %scan3A_5 = arith.constant 1 : i32
    %scan3A_6 = scf.for %scan3A_267 = %scan3A_2 to %scan3A_4 step %scan3A_5 iter_args(%scan3A_268 = %scan3A) -> (i32)  : i32 {
      %swap3A = arith.index_cast %scan3A_267 : i32 to index
      %swap3A_269 = arith.constant 0 : index
      %swap3A_270 = tpu.vector_load %arg14[%swap3A, %swap3A_269] {strides = array<i32>} : memref<128x16xf32, #tpu.memory_space<vmem>>, vector<16xf32>,
      tpu.vector_store %arg14[%swap3A, %swap3A_269], %broadcast_in_dim3A_1 {strides = array<i32>} : memref<128x16xf32, #tpu.memory_space<vmem>>, vector<16xf32>,
      %scan3A_271 = arith.constant 0 : i32
      scf.yield %scan3A_271 : i32
    }
    %scan3A_7 = arith.constant 128 : i32
    %scan3A_8 = arith.constant 0 : i32
    %scan3A_9 = arith.constant 0 : i32
    %scan3A_10 = arith.constant 40 : i32
    %scan3A_11 = arith.addi %scan3A_9, %scan3A_10 : i32
    %scan3A_12 = arith.constant 1 : i32
    %scan3A_13 = scf.for %scan3A_267 = %scan3A_9 to %scan3A_11 step %scan3A_12 iter_args(%scan3A_268 = %scan3A_8) -> (i32)  : i32 {
      %mul3A_269 = arith.constant 16 : i32
      %mul3A_270 = arith.muli %scan3A_267, %mul3A_269 : i32
      %swap3A = arith.index_cast %mul3A_270 : i32 to index
      %swap3A_271 = tpu.vector_load %arg15[%swap3A] {strides = array<i32>} : memref<640xf32, #tpu.memory_space<vmem>>, vector<16xf32>,
      tpu.vector_store %arg15[%swap3A], %broadcast_in_dim3A_1 {strides = array<i32>} : memref<640xf32, #tpu.memory_space<vmem>>, vector<16xf32>,
      %scan3A_272 = arith.constant 0 : i32
      scf.yield %scan3A_272 : i32
    }
    %scan3A_14 = arith.constant 40 : i32
    %broadcast_in_dim3A_15 = arith.constant 1.000000e+00 : f32
    %broadcast_in_dim3A_16 = vector.broadcast %broadcast_in_dim3A_15 : f32 to vector<16xf32>
    %scan3A_17 = arith.constant 0 : i32
    %scan3A_18 = arith.constant 0 : i32
    %scan3A_19 = arith.constant 8 : i32
    %scan3A_20 = arith.addi %scan3A_18, %scan3A_19 : i32
    %scan3A_21 = arith.constant 1 : i32
    %scan3A_22 = scf.for %scan3A_267 = %scan3A_18 to %scan3A_20 step %scan3A_21 iter_args(%scan3A_268 = %scan3A_17) -> (i32)  : i32 {
      %mul3A_269 = arith.constant 16 : i32
      %mul3A_270 = arith.muli %scan3A_267, %mul3A_269 : i32
      %swap3A = arith.index_cast %mul3A_270 : i32 to index
      %swap3A_271 = tpu.vector_load %arg13[%swap3A] {strides = array<i32>} : memref<128xf32, #tpu.memory_space<vmem>>, vector<16xf32>,
      tpu.vector_store %arg13[%swap3A], %broadcast_in_dim3A_16 {strides = array<i32>} : memref<128xf32, #tpu.memory_space<vmem>>, vector<16xf32>,
      %scan3A_272 = arith.constant 0 : i32
      scf.yield %scan3A_272 : i32
    }
    %scan3A_23 = arith.constant 8 : i32
    %mul3A_24 = arith.constant 640 : i32
    %mul3A_25 = arith.muli %arg1, %mul3A_24 : i32
    %mul3A_26 = arith.constant 78 : i32
    %mul3A_27 = arith.muli %add3A, %mul3A_26 : i32
    %dma_start3A = arith.constant 0 : i32
    %dma_start3A_28 = tpu.memref_slice %arg20[%mul3A_25, %dma_start3A] : memref<10240x16xf32, #tpu.memory_space<vmem_shared>> -> memref<640x16xf32, #tpu.memory_space<vmem_shared>>
    %dma_start3A_29 = arith.constant 0 : i32
    %dma_start3A_30 = tpu.memref_slice %arg2[%mul3A_25, %dma_start3A_29] : memref<10240x16xf32, #tpu.memory_space<hbm>> -> memref<640x16xf32, #tpu.memory_space<hbm>>
    tpu.enqueue_dma source(%dma_start3A_30 : memref<640x16xf32, #tpu.memory_space<hbm>>) target(%dma_start3A_28 : memref<640x16xf32, #tpu.memory_space<vmem_shared>>) target_semaphore(%arg21 : memref<!tpu.dma_semaphore, #tpu.memory_space<semaphore_mem>>)
    %dma_start3A_31 = arith.constant 0 : i32
    %dma_start3A_32 = arith.constant 0 : i32
    %dma_start3A_33 = arith.constant 0 : i32
    %dma_start3A_34 = tpu.memref_slice %arg8[%dma_start3A_31, %dma_start3A_32, %dma_start3A_33] : memref<79x2x128xi32, #tpu.memory_space<vmem>> -> memref<78x2x128xi32, #tpu.memory_space<vmem>>
    %dma_start3A_35 = arith.constant 0 : i32
    %dma_start3A_36 = arith.constant 0 : i32
    %dma_start3A_37 = tpu.memref_slice %arg3[%mul3A_27, %dma_start3A_35, %dma_start3A_36] : memref<2500x2x128xi32, #tpu.memory_space<hbm>> -> memref<78x2x128xi32, #tpu.memory_space<hbm>>
    %dma_start3A_38 = arith.constant 0 : i32
    %dma_start3A_39 = arith.constant 0 : i32
    %dma_start3A_40 = arith.constant 0 : i32
    %dma_start3A_41 = tpu.memref_slice %arg8[%dma_start3A_38, %dma_start3A_39, %dma_start3A_40] : memref<79x2x128xi32, #tpu.memory_space<vmem>> -> memref<78x2x128xi32, #tpu.memory_space<vmem>>
    %dma_start3A_42 = arith.constant 0 : i32
    %dma_start3A_43 = arith.constant 0 : i32
    %dma_start3A_44 = tpu.memref_slice %arg3[%mul3A_27, %dma_start3A_42, %dma_start3A_43] : memref<2500x2x128xi32, #tpu.memory_space<hbm>> -> memref<78x2x128xi32, #tpu.memory_space<hbm>>
    tpu.enqueue_dma source(%dma_start3A_44 : memref<78x2x128xi32, #tpu.memory_space<hbm>>) target(%dma_start3A_41 : memref<78x2x128xi32, #tpu.memory_space<vmem>>) target_semaphore(%arg22 : memref<!tpu.dma_semaphore, #tpu.memory_space<semaphore_mem>>)
    %add3A_45 = arith.constant 0 : i32
    %add3A_46 = arith.addi %mul3A_25, %add3A_45 : i32
    %dma_start3A_47 = arith.constant 0 : i32
    %dma_start3A_48 = tpu.memref_slice %arg18[%add3A_46, %dma_start3A_47] : memref<10240x16xf32, #tpu.memory_space<vmem_shared>> -> memref<128x16xf32, #tpu.memory_space<vmem_shared>>
    %dma_start3A_49 = arith.constant 0 : i32
    %dma_start3A_50 = tpu.memref_slice %arg18[%add3A_46, %dma_start3A_49] : memref<10240x16xf32, #tpu.memory_space<vmem_shared>> -> memref<128x16xf32, #tpu.memory_space<vmem_shared>>
    tpu.enqueue_dma source(%arg14 : memref<128x16xf32, #tpu.memory_space<vmem>>) target(%dma_start3A_50 : memref<128x16xf32, #tpu.memory_space<vmem_shared>>) target_semaphore(%arg25 : memref<!tpu.dma_semaphore, #tpu.memory_space<semaphore_mem>>)
    %add3A_51 = arith.constant 128 : i32
    %add3A_52 = arith.addi %mul3A_25, %add3A_51 : i32
    %dma_start3A_53 = arith.constant 0 : i32
    %dma_start3A_54 = tpu.memref_slice %arg18[%add3A_52, %dma_start3A_53] : memref<10240x16xf32, #tpu.memory_space<vmem_shared>> -> memref<128x16xf32, #tpu.memory_space<vmem_shared>>
    %dma_start3A_55 = arith.constant 0 : i32
    %dma_start3A_56 = tpu.memref_slice %arg18[%add3A_52, %dma_start3A_55] : memref<10240x16xf32, #tpu.memory_space<vmem_shared>> -> memref<128x16xf32, #tpu.memory_space<vmem_shared>>
    tpu.enqueue_dma source(%arg14 : memref<128x16xf32, #tpu.memory_space<vmem>>) target(%dma_start3A_56 : memref<128x16xf32, #tpu.memory_space<vmem_shared>>) target_semaphore(%arg26 : memref<!tpu.dma_semaphore, #tpu.memory_space<semaphore_mem>>)
    %add3A_57 = arith.constant 256 : i32
    %add3A_58 = arith.addi %mul3A_25, %add3A_57 : i32
    %dma_start3A_59 = arith.constant 0 : i32
    %dma_start3A_60 = tpu.memref_slice %arg18[%add3A_58, %dma_start3A_59] : memref<10240x16xf32, #tpu.memory_space<vmem_shared>> -> memref<128x16xf32, #tpu.memory_space<vmem_shared>>
    %dma_start3A_61 = arith.constant 0 : i32
    %dma_start3A_62 = tpu.memref_slice %arg18[%add3A_58, %dma_start3A_61] : memref<10240x16xf32, #tpu.memory_space<vmem_shared>> -> memref<128x16xf32, #tpu.memory_space<vmem_shared>>
    tpu.enqueue_dma source(%arg14 : memref<128x16xf32, #tpu.memory_space<vmem>>) target(%dma_start3A_62 : memref<128x16xf32, #tpu.memory_space<vmem_shared>>) target_semaphore(%arg27 : memref<!tpu.dma_semaphore, #tpu.memory_space<semaphore_mem>>)
    %add3A_63 = arith.constant 384 : i32
    %add3A_64 = arith.addi %mul3A_25, %add3A_63 : i32
    %dma_start3A_65 = arith.constant 0 : i32
    %dma_start3A_66 = tpu.memref_slice %arg18[%add3A_64, %dma_start3A_65] : memref<10240x16xf32, #tpu.memory_space<vmem_shared>> -> memref<128x16xf32, #tpu.memory_space<vmem_shared>>
    %dma_start3A_67 = arith.constant 0 : i32
    %dma_start3A_68 = tpu.memref_slice %arg18[%add3A_64, %dma_start3A_67] : memref<10240x16xf32, #tpu.memory_space<vmem_shared>> -> memref<128x16xf32, #tpu.memory_space<vmem_shared>>
    tpu.enqueue_dma source(%arg14 : memref<128x16xf32, #tpu.memory_space<vmem>>) target(%dma_start3A_68 : memref<128x16xf32, #tpu.memory_space<vmem_shared>>) target_semaphore(%arg28 : memref<!tpu.dma_semaphore, #tpu.memory_space<semaphore_mem>>)
    %add3A_69 = arith.constant 512 : i32
    %add3A_70 = arith.addi %mul3A_25, %add3A_69 : i32
    %dma_start3A_71 = arith.constant 0 : i32
    %dma_start3A_72 = tpu.memref_slice %arg18[%add3A_70, %dma_start3A_71] : memref<10240x16xf32, #tpu.memory_space<vmem_shared>> -> memref<128x16xf32, #tpu.memory_space<vmem_shared>>
    %dma_start3A_73 = arith.constant 0 : i32
    %dma_start3A_74 = tpu.memref_slice %arg18[%add3A_70, %dma_start3A_73] : memref<10240x16xf32, #tpu.memory_space<vmem_shared>> -> memref<128x16xf32, #tpu.memory_space<vmem_shared>>
    tpu.enqueue_dma source(%arg14 : memref<128x16xf32, #tpu.memory_space<vmem>>) target(%dma_start3A_74 : memref<128x16xf32, #tpu.memory_space<vmem_shared>>) target_semaphore(%arg25 : memref<!tpu.dma_semaphore, #tpu.memory_space<semaphore_mem>>)
    %dma_start3A_75 = tpu.memref_slice %arg19[%mul3A_25] : memref<10240xf32, #tpu.memory_space<vmem_shared>> -> memref<640xf32, #tpu.memory_space<vmem_shared>>
    %dma_start3A_76 = tpu.memref_slice %arg19[%mul3A_25] : memref<10240xf32, #tpu.memory_space<vmem_shared>> -> memref<640xf32, #tpu.memory_space<vmem_shared>>
    tpu.enqueue_dma source(%arg15 : memref<640xf32, #tpu.memory_space<vmem>>) target(%dma_start3A_76 : memref<640xf32, #tpu.memory_space<vmem_shared>>) target_semaphore(%arg29 : memref<!tpu.dma_semaphore, #tpu.memory_space<semaphore_mem>>)
    %lt3A = arith.constant 4 : i32
    %lt3A_77 = arith.cmpi slt, %add3A, %lt3A : i32
    %convert_element_type3A = arith.extui %lt3A_77 : i1 to i32
    %cond3A = arith.constant 0 : i32
    %cond3A_78 = arith.cmpi ne, %convert_element_type3A, %cond3A : i32
    scf.if %cond3A_78 {
      %add3A_267 = arith.constant 2496 : i32
      %add3A_268 = arith.addi %add3A_267, %add3A : i32
      %dma_start3A_269 = arith.constant 78 : i32
      %dma_start3A_270 = arith.constant 0 : i32
      %dma_start3A_271 = arith.constant 0 : i32
      %dma_start3A_272 = tpu.memref_slice %arg8[%dma_start3A_269, %dma_start3A_270, %dma_start3A_271] : memref<79x2x128xi32, #tpu.memory_space<vmem>> -> memref<1x2x128xi32, #tpu.memory_space<vmem>>
      %dma_start3A_273 = arith.constant 0 : i32
      %dma_start3A_274 = arith.constant 0 : i32
      %dma_start3A_275 = tpu.memref_slice %arg3[%add3A_268, %dma_start3A_273, %dma_start3A_274] : memref<2500x2x128xi32, #tpu.memory_space<hbm>> -> memref<1x2x128xi32, #tpu.memory_space<hbm>>
      %dma_start3A_276 = arith.constant 78 : i32
      %dma_start3A_277 = arith.constant 0 : i32
      %dma_start3A_278 = arith.constant 0 : i32
      %dma_start3A_279 = tpu.memref_slice %arg8[%dma_start3A_276, %dma_start3A_277, %dma_start3A_278] : memref<79x2x128xi32, #tpu.memory_space<vmem>> -> memref<1x2x128xi32, #tpu.memory_space<vmem>>
      %dma_start3A_280 = arith.constant 0 : i32
      %dma_start3A_281 = arith.constant 0 : i32
      %dma_start3A_282 = tpu.memref_slice %arg3[%add3A_268, %dma_start3A_280, %dma_start3A_281] : memref<2500x2x128xi32, #tpu.memory_space<hbm>> -> memref<1x2x128xi32, #tpu.memory_space<hbm>>
      tpu.enqueue_dma source(%dma_start3A_282 : memref<1x2x128xi32, #tpu.memory_space<hbm>>) target(%dma_start3A_279 : memref<1x2x128xi32, #tpu.memory_space<vmem>>) target_semaphore(%arg23 : memref<!tpu.dma_semaphore, #tpu.memory_space<semaphore_mem>>)
      %dma_wait3A_283 = arith.constant 78 : i32
      %dma_wait3A_284 = arith.constant 0 : i32
      %dma_wait3A_285 = arith.constant 0 : i32
      %dma_wait3A_286 = tpu.memref_slice %arg8[%dma_wait3A_283, %dma_wait3A_284, %dma_wait3A_285] : memref<79x2x128xi32, #tpu.memory_space<vmem>> -> memref<1x2x128xi32, #tpu.memory_space<vmem>>
      %dma_wait3A_287 = arith.constant 0 : i32
      %dma_wait3A_288 = arith.constant 0 : i32
      %dma_wait3A_289 = tpu.memref_slice %arg3[%add3A_268, %dma_wait3A_287, %dma_wait3A_288] : memref<2500x2x128xi32, #tpu.memory_space<hbm>> -> memref<1x2x128xi32, #tpu.memory_space<hbm>>
      %dma_wait3A_290 = arith.constant 78 : i32
      %dma_wait3A_291 = arith.constant 0 : i32
      %dma_wait3A_292 = arith.constant 0 : i32
      %dma_wait3A_293 = tpu.memref_slice %arg8[%dma_wait3A_290, %dma_wait3A_291, %dma_wait3A_292] : memref<79x2x128xi32, #tpu.memory_space<vmem>> -> memref<1x2x128xi32, #tpu.memory_space<vmem>>
      %dma_wait3A_294 = arith.constant 0 : i32
      %dma_wait3A_295 = arith.constant 0 : i32
      %dma_wait3A_296 = tpu.memref_slice %arg3[%add3A_268, %dma_wait3A_294, %dma_wait3A_295] : memref<2500x2x128xi32, #tpu.memory_space<hbm>> -> memref<1x2x128xi32, #tpu.memory_space<hbm>>
      tpu.wait_dma2 semaphore(%arg23 : memref<!tpu.dma_semaphore, #tpu.memory_space<semaphore_mem>>) src(%dma_wait3A_296 : memref<1x2x128xi32, #tpu.memory_space<hbm>>) dst(%dma_wait3A_293 : memref<1x2x128xi32, #tpu.memory_space<vmem>>)
    } else {
    }
    %dma_wait3A = arith.constant 0 : i32
    %dma_wait3A_79 = tpu.memref_slice %arg20[%mul3A_25, %dma_wait3A] : memref<10240x16xf32, #tpu.memory_space<vmem_shared>> -> memref<640x16xf32, #tpu.memory_space<vmem_shared>>
    %dma_wait3A_80 = arith.constant 0 : i32
    %dma_wait3A_81 = tpu.memref_slice %arg2[%mul3A_25, %dma_wait3A_80] : memref<10240x16xf32, #tpu.memory_space<hbm>> -> memref<640x16xf32, #tpu.memory_space<hbm>>
    tpu.wait_dma2 semaphore(%arg21 : memref<!tpu.dma_semaphore, #tpu.memory_space<semaphore_mem>>) src(%dma_wait3A_81 : memref<640x16xf32, #tpu.memory_space<hbm>>) dst(%dma_wait3A_79 : memref<640x16xf32, #tpu.memory_space<vmem_shared>>)
    %dma_wait3A_82 = arith.constant 0 : i32
    %dma_wait3A_83 = arith.constant 0 : i32
    %dma_wait3A_84 = arith.constant 0 : i32
    %dma_wait3A_85 = tpu.memref_slice %arg8[%dma_wait3A_82, %dma_wait3A_83, %dma_wait3A_84] : memref<79x2x128xi32, #tpu.memory_space<vmem>> -> memref<78x2x128xi32, #tpu.memory_space<vmem>>
    %dma_wait3A_86 = arith.constant 0 : i32
    %dma_wait3A_87 = arith.constant 0 : i32
    %dma_wait3A_88 = tpu.memref_slice %arg3[%mul3A_27, %dma_wait3A_86, %dma_wait3A_87] : memref<2500x2x128xi32, #tpu.memory_space<hbm>> -> memref<78x2x128xi32, #tpu.memory_space<hbm>>
    %dma_wait3A_89 = arith.constant 0 : i32
    %dma_wait3A_90 = arith.constant 0 : i32
    %dma_wait3A_91 = arith.constant 0 : i32
    %dma_wait3A_92 = tpu.memref_slice %arg8[%dma_wait3A_89, %dma_wait3A_90, %dma_wait3A_91] : memref<79x2x128xi32, #tpu.memory_space<vmem>> -> memref<78x2x128xi32, #tpu.memory_space<vmem>>
    %dma_wait3A_93 = arith.constant 0 : i32
    %dma_wait3A_94 = arith.constant 0 : i32
    %dma_wait3A_95 = tpu.memref_slice %arg3[%mul3A_27, %dma_wait3A_93, %dma_wait3A_94] : memref<2500x2x128xi32, #tpu.memory_space<hbm>> -> memref<78x2x128xi32, #tpu.memory_space<hbm>>
    tpu.wait_dma2 semaphore(%arg22 : memref<!tpu.dma_semaphore, #tpu.memory_space<semaphore_mem>>) src(%dma_wait3A_95 : memref<78x2x128xi32, #tpu.memory_space<hbm>>) dst(%dma_wait3A_92 : memref<78x2x128xi32, #tpu.memory_space<vmem>>)
    %dma_wait3A_96 = arith.constant 0 : i32
    %dma_wait3A_97 = tpu.memref_slice %arg18[%add3A_46, %dma_wait3A_96] : memref<10240x16xf32, #tpu.memory_space<vmem_shared>> -> memref<128x16xf32, #tpu.memory_space<vmem_shared>>
    %dma_wait3A_98 = arith.constant 0 : i32
    %dma_wait3A_99 = tpu.memref_slice %arg18[%add3A_46, %dma_wait3A_98] : memref<10240x16xf32, #tpu.memory_space<vmem_shared>> -> memref<128x16xf32, #tpu.memory_space<vmem_shared>>
    tpu.wait_dma2 semaphore(%arg25 : memref<!tpu.dma_semaphore, #tpu.memory_space<semaphore_mem>>) src(%arg14 : memref<128x16xf32, #tpu.memory_space<vmem>>) dst(%dma_wait3A_99 : memref<128x16xf32, #tpu.memory_space<vmem_shared>>)
    %dma_wait3A_100 = arith.constant 0 : i32
    %dma_wait3A_101 = tpu.memref_slice %arg18[%add3A_52, %dma_wait3A_100] : memref<10240x16xf32, #tpu.memory_space<vmem_shared>> -> memref<128x16xf32, #tpu.memory_space<vmem_shared>>
    %dma_wait3A_102 = arith.constant 0 : i32
    %dma_wait3A_103 = tpu.memref_slice %arg18[%add3A_52, %dma_wait3A_102] : memref<10240x16xf32, #tpu.memory_space<vmem_shared>> -> memref<128x16xf32, #tpu.memory_space<vmem_shared>>
    tpu.wait_dma2 semaphore(%arg26 : memref<!tpu.dma_semaphore, #tpu.memory_space<semaphore_mem>>) src(%arg14 : memref<128x16xf32, #tpu.memory_space<vmem>>) dst(%dma_wait3A_103 : memref<128x16xf32, #tpu.memory_space<vmem_shared>>)
    %dma_wait3A_104 = arith.constant 0 : i32
    %dma_wait3A_105 = tpu.memref_slice %arg18[%add3A_58, %dma_wait3A_104] : memref<10240x16xf32, #tpu.memory_space<vmem_shared>> -> memref<128x16xf32, #tpu.memory_space<vmem_shared>>
    %dma_wait3A_106 = arith.constant 0 : i32
    %dma_wait3A_107 = tpu.memref_slice %arg18[%add3A_58, %dma_wait3A_106] : memref<10240x16xf32, #tpu.memory_space<vmem_shared>> -> memref<128x16xf32, #tpu.memory_space<vmem_shared>>
    tpu.wait_dma2 semaphore(%arg27 : memref<!tpu.dma_semaphore, #tpu.memory_space<semaphore_mem>>) src(%arg14 : memref<128x16xf32, #tpu.memory_space<vmem>>) dst(%dma_wait3A_107 : memref<128x16xf32, #tpu.memory_space<vmem_shared>>)
    %dma_wait3A_108 = arith.constant 0 : i32
    %dma_wait3A_109 = tpu.memref_slice %arg18[%add3A_64, %dma_wait3A_108] : memref<10240x16xf32, #tpu.memory_space<vmem_shared>> -> memref<128x16xf32, #tpu.memory_space<vmem_shared>>
    %dma_wait3A_110 = arith.constant 0 : i32
    %dma_wait3A_111 = tpu.memref_slice %arg18[%add3A_64, %dma_wait3A_110] : memref<10240x16xf32, #tpu.memory_space<vmem_shared>> -> memref<128x16xf32, #tpu.memory_space<vmem_shared>>
    tpu.wait_dma2 semaphore(%arg28 : memref<!tpu.dma_semaphore, #tpu.memory_space<semaphore_mem>>) src(%arg14 : memref<128x16xf32, #tpu.memory_space<vmem>>) dst(%dma_wait3A_111 : memref<128x16xf32, #tpu.memory_space<vmem_shared>>)
    %dma_wait3A_112 = arith.constant 0 : i32
    %dma_wait3A_113 = tpu.memref_slice %arg18[%add3A_70, %dma_wait3A_112] : memref<10240x16xf32, #tpu.memory_space<vmem_shared>> -> memref<128x16xf32, #tpu.memory_space<vmem_shared>>
    %dma_wait3A_114 = arith.constant 0 : i32
    %dma_wait3A_115 = tpu.memref_slice %arg18[%add3A_70, %dma_wait3A_114] : memref<10240x16xf32, #tpu.memory_space<vmem_shared>> -> memref<128x16xf32, #tpu.memory_space<vmem_shared>>
    tpu.wait_dma2 semaphore(%arg25 : memref<!tpu.dma_semaphore, #tpu.memory_space<semaphore_mem>>) src(%arg14 : memref<128x16xf32, #tpu.memory_space<vmem>>) dst(%dma_wait3A_115 : memref<128x16xf32, #tpu.memory_space<vmem_shared>>)
    %dma_wait3A_116 = tpu.memref_slice %arg19[%mul3A_25] : memref<10240xf32, #tpu.memory_space<vmem_shared>> -> memref<640xf32, #tpu.memory_space<vmem_shared>>
    %dma_wait3A_117 = tpu.memref_slice %arg19[%mul3A_25] : memref<10240xf32, #tpu.memory_space<vmem_shared>> -> memref<640xf32, #tpu.memory_space<vmem_shared>>
    tpu.wait_dma2 semaphore(%arg29 : memref<!tpu.dma_semaphore, #tpu.memory_space<semaphore_mem>>) src(%arg15 : memref<640xf32, #tpu.memory_space<vmem>>) dst(%dma_wait3A_117 : memref<640xf32, #tpu.memory_space<vmem_shared>>)
    %barrier3A = arith.constant 0 : index
    tpu.barrier barrier_id(%barrier3A)
    %dma_start3A_118 = arith.constant 0 : i32
    %dma_start3A_119 = arith.constant 0 : i32
    %dma_start3A_120 = arith.constant 0 : i32
    %dma_start3A_121 = tpu.memref_slice %arg8[%dma_start3A_118, %dma_start3A_119, %dma_start3A_120] : memref<79x2x128xi32, #tpu.memory_space<vmem>> -> memref<1x1x128xi32, #tpu.memory_space<vmem>>
    %dma_start3A_122 = tpu.memref_squeeze %dma_start3A_121 : memref<1x1x128xi32, #tpu.memory_space<vmem>> -> memref<128xi32, #tpu.memory_space<vmem>>
    %dma_start3A_123 = arith.constant 0 : i32
    %dma_start3A_124 = arith.constant 0 : i32
    %dma_start3A_125 = tpu.memref_slice %arg20[%dma_start3A_123, %dma_start3A_124] : memref<10240x16xf32, #tpu.memory_space<vmem_shared>> -> memref<10240x16xf32, #tpu.memory_space<vmem_shared>>
    tpu.enqueue_indirect_dma source(%dma_start3A_125 : memref<10240x16xf32, #tpu.memory_space<vmem_shared>>) target(%arg9 : memref<128x16xf32, #tpu.memory_space<vmem>>) offsets(%dma_start3A_122 : memref<128xi32, #tpu.memory_space<vmem>>) semaphore(%arg21 : memref<!tpu.dma_semaphore, #tpu.memory_space<semaphore_mem>>)
    %dma_start3A_126 = arith.constant 1 : i32
    %dma_start3A_127 = arith.constant 0 : i32
    %dma_start3A_128 = arith.constant 0 : i32
    %dma_start3A_129 = tpu.memref_slice %arg8[%dma_start3A_126, %dma_start3A_127, %dma_start3A_128] : memref<79x2x128xi32, #tpu.memory_space<vmem>> -> memref<1x1x128xi32, #tpu.memory_space<vmem>>
    %dma_start3A_130 = tpu.memref_squeeze %dma_start3A_129 : memref<1x1x128xi32, #tpu.memory_space<vmem>> -> memref<128xi32, #tpu.memory_space<vmem>>
    %dma_start3A_131 = arith.constant 0 : i32
    %dma_start3A_132 = arith.constant 0 : i32
    %dma_start3A_133 = tpu.memref_slice %arg20[%dma_start3A_131, %dma_start3A_132] : memref<10240x16xf32, #tpu.memory_space<vmem_shared>> -> memref<10240x16xf32, #tpu.memory_space<vmem_shared>>
    tpu.enqueue_indirect_dma source(%dma_start3A_133 : memref<10240x16xf32, #tpu.memory_space<vmem_shared>>) target(%arg10 : memref<128x16xf32, #tpu.memory_space<vmem>>) offsets(%dma_start3A_130 : memref<128xi32, #tpu.memory_space<vmem>>) semaphore(%arg22 : memref<!tpu.dma_semaphore, #tpu.memory_space<semaphore_mem>>)
    %scan3A_134 = arith.constant 0 : i32
    %scan3A_135 = arith.constant 19 : i32
    %scan3A_136 = arith.addi %scan3A_134, %scan3A_135 : i32
    %scan3A_137 = arith.constant 1 : i32
    scf.for %scan3A_267 = %scan3A_134 to %scan3A_136 step %scan3A_137  : i32 {
      %mul3A_268 = arith.constant 1 : i32
      %mul3A_269 = arith.muli %scan3A_267, %mul3A_268 : i32
      %add3A_270 = arith.constant 0 : i32
      %add3A_271 = arith.addi %add3A_270, %mul3A_269 : i32
      %mul3A_272 = arith.constant 4 : i32
      %mul3A_273 = arith.muli %mul3A_272, %add3A_271 : i32
      %add3A_274 = arith.constant 0 : i32
      %add3A_275 = arith.addi %mul3A_273, %add3A_274 : i32
      %ge3A = arith.constant 2 : i32
      %ge3A_276 = arith.cmpi sge, %add3A_275, %ge3A : i32
      %convert_element_type3A_277 = arith.extui %ge3A_276 : i1 to i32
      %cond3A_278 = arith.constant 0 : i32
      %cond3A_279 = arith.cmpi ne, %convert_element_type3A_277, %cond3A_278 : i32
      scf.if %cond3A_279 {
        %dma_wait3A_419 = arith.constant 0 : i32
        %dma_wait3A_420 = arith.constant 1 : i32
        %dma_wait3A_421 = arith.constant 0 : i32
        %dma_wait3A_422 = tpu.memref_slice %arg8[%dma_wait3A_419, %dma_wait3A_420, %dma_wait3A_421] : memref<79x2x128xi32, #tpu.memory_space<vmem>> -> memref<1x1x128xi32, #tpu.memory_space<vmem>>
        %dma_wait3A_423 = tpu.memref_squeeze %dma_wait3A_422 : memref<1x1x128xi32, #tpu.memory_space<vmem>> -> memref<128xi32, #tpu.memory_space<vmem>>
        %dma_wait3A_424 = arith.constant 0 : i32
        %dma_wait3A_425 = arith.constant 0 : i32
        %dma_wait3A_426 = tpu.memref_slice %arg18[%dma_wait3A_424, %dma_wait3A_425] : memref<10240x16xf32, #tpu.memory_space<vmem_shared>> -> memref<10240x16xf32, #tpu.memory_space<vmem_shared>>
        tpu.wait_indirect_dma semaphore(%arg27 : memref<!tpu.dma_semaphore, #tpu.memory_space<semaphore_mem>>) src(%arg11 : memref<128x16xf32, #tpu.memory_space<vmem>>) dst(%dma_wait3A_426 : memref<10240x16xf32, #tpu.memory_space<vmem_shared>>)
        %dma_wait3A_427 = arith.constant 0 : i32
        %dma_wait3A_428 = arith.constant 1 : i32
        %dma_wait3A_429 = arith.constant 0 : i32
        %dma_wait3A_430 = tpu.memref_slice %arg8[%dma_wait3A_427, %dma_wait3A_428, %dma_wait3A_429] : memref<79x2x128xi32, #tpu.memory_space<vmem>> -> memref<1x1x128xi32, #tpu.memory_space<vmem>>
        %dma_wait3A_431 = tpu.memref_squeeze %dma_wait3A_430 : memref<1x1x128xi32, #tpu.memory_space<vmem>> -> memref<128xi32, #tpu.memory_space<vmem>>
        %dma_wait3A_432 = arith.constant 0 : i32
        %dma_wait3A_433 = tpu.memref_slice %arg19[%dma_wait3A_432] : memref<10240xf32, #tpu.memory_space<vmem_shared>> -> memref<10240xf32, #tpu.memory_space<vmem_shared>>
        tpu.wait_indirect_dma semaphore(%arg31 : memref<!tpu.dma_semaphore, #tpu.memory_space<semaphore_mem>>) src(%arg13 : memref<128xf32, #tpu.memory_space<vmem>>) dst(%dma_wait3A_433 : memref<10240xf32, #tpu.memory_space<vmem_shared>>)
      } else {
      }
      %add3A_280 = arith.constant 2 : i32
      %add3A_281 = arith.addi %add3A_275, %add3A_280 : i32
      %lt3A_282 = arith.constant 78 : i32
      %lt3A_283 = arith.cmpi slt, %add3A_281, %lt3A_282 : i32
      %convert_element_type3A_284 = arith.extui %lt3A_283 : i1 to i32
      %cond3A_285 = arith.constant 0 : i32
      %cond3A_286 = arith.cmpi ne, %convert_element_type3A_284, %cond3A_285 : i32
      scf.if %cond3A_286 {
        %add3A_419 = arith.constant 2 : i32
        %add3A_420 = arith.addi %add3A_275, %add3A_419 : i32
        %dma_start3A_421 = arith.constant 0 : i32
        %dma_start3A_422 = arith.constant 0 : i32
        %dma_start3A_423 = tpu.memref_slice %arg8[%add3A_420, %dma_start3A_421, %dma_start3A_422] : memref<79x2x128xi32, #tpu.memory_space<vmem>> -> memref<1x1x128xi32, #tpu.memory_space<vmem>>
        %dma_start3A_424 = tpu.memref_squeeze %dma_start3A_423 : memref<1x1x128xi32, #tpu.memory_space<vmem>> -> memref<128xi32, #tpu.memory_space<vmem>>
        %dma_start3A_425 = arith.constant 0 : i32
        %dma_start3A_426 = arith.constant 0 : i32
        %dma_start3A_427 = tpu.memref_slice %arg20[%dma_start3A_425, %dma_start3A_426] : memref<10240x16xf32, #tpu.memory_space<vmem_shared>> -> memref<10240x16xf32, #tpu.memory_space<vmem_shared>>
        tpu.enqueue_indirect_dma source(%dma_start3A_427 : memref<10240x16xf32, #tpu.memory_space<vmem_shared>>) target(%arg11 : memref<128x16xf32, #tpu.memory_space<vmem>>) offsets(%dma_start3A_424 : memref<128xi32, #tpu.memory_space<vmem>>) semaphore(%arg23 : memref<!tpu.dma_semaphore, #tpu.memory_space<semaphore_mem>>)
      } else {
      }
      %dma_wait3A_287 = arith.constant 0 : i32
      %dma_wait3A_288 = arith.constant 0 : i32
      %dma_wait3A_289 = arith.constant 0 : i32
      %dma_wait3A_290 = tpu.memref_slice %arg8[%dma_wait3A_287, %dma_wait3A_288, %dma_wait3A_289] : memref<79x2x128xi32, #tpu.memory_space<vmem>> -> memref<1x1x128xi32, #tpu.memory_space<vmem>>
      %dma_wait3A_291 = tpu.memref_squeeze %dma_wait3A_290 : memref<1x1x128xi32, #tpu.memory_space<vmem>> -> memref<128xi32, #tpu.memory_space<vmem>>
      %dma_wait3A_292 = arith.constant 0 : i32
      %dma_wait3A_293 = arith.constant 0 : i32
      %dma_wait3A_294 = tpu.memref_slice %arg20[%dma_wait3A_292, %dma_wait3A_293] : memref<10240x16xf32, #tpu.memory_space<vmem_shared>> -> memref<10240x16xf32, #tpu.memory_space<vmem_shared>>
      tpu.wait_indirect_dma semaphore(%arg21 : memref<!tpu.dma_semaphore, #tpu.memory_space<semaphore_mem>>) src(%dma_wait3A_294 : memref<10240x16xf32, #tpu.memory_space<vmem_shared>>) dst(%arg9 : memref<128x16xf32, #tpu.memory_space<vmem>>)
      %dma_start3A_295 = arith.constant 1 : i32
      %dma_start3A_296 = arith.constant 0 : i32
      %dma_start3A_297 = tpu.memref_slice %arg8[%add3A_275, %dma_start3A_295, %dma_start3A_296] : memref<79x2x128xi32, #tpu.memory_space<vmem>> -> memref<1x1x128xi32, #tpu.memory_space<vmem>>
      %dma_start3A_298 = tpu.memref_squeeze %dma_start3A_297 : memref<1x1x128xi32, #tpu.memory_space<vmem>> -> memref<128xi32, #tpu.memory_space<vmem>>
      %dma_start3A_299 = arith.constant 0 : i32
      %dma_start3A_300 = arith.constant 0 : i32
      %dma_start3A_301 = tpu.memref_slice %arg18[%dma_start3A_299, %dma_start3A_300] : memref<10240x16xf32, #tpu.memory_space<vmem_shared>> -> memref<10240x16xf32, #tpu.memory_space<vmem_shared>>
      tpu.enqueue_indirect_dma source(%arg9 : memref<128x16xf32, #tpu.memory_space<vmem>>) target(%dma_start3A_301 : memref<10240x16xf32, #tpu.memory_space<vmem_shared>>) offsets(%dma_start3A_298 : memref<128xi32, #tpu.memory_space<vmem>>) semaphore(%arg25 : memref<!tpu.dma_semaphore, #tpu.memory_space<semaphore_mem>>) {add = true}
      %dma_start3A_302 = arith.constant 1 : i32
      %dma_start3A_303 = arith.constant 0 : i32
      %dma_start3A_304 = tpu.memref_slice %arg8[%add3A_275, %dma_start3A_302, %dma_start3A_303] : memref<79x2x128xi32, #tpu.memory_space<vmem>> -> memref<1x1x128xi32, #tpu.memory_space<vmem>>
      %dma_start3A_305 = tpu.memref_squeeze %dma_start3A_304 : memref<1x1x128xi32, #tpu.memory_space<vmem>> -> memref<128xi32, #tpu.memory_space<vmem>>
      %dma_start3A_306 = arith.constant 0 : i32
      %dma_start3A_307 = tpu.memref_slice %arg19[%dma_start3A_306] : memref<10240xf32, #tpu.memory_space<vmem_shared>> -> memref<10240xf32, #tpu.memory_space<vmem_shared>>
      tpu.enqueue_indirect_dma source(%arg13 : memref<128xf32, #tpu.memory_space<vmem>>) target(%dma_start3A_307 : memref<10240xf32, #tpu.memory_space<vmem_shared>>) offsets(%dma_start3A_305 : memref<128xi32, #tpu.memory_space<vmem>>) semaphore(%arg29 : memref<!tpu.dma_semaphore, #tpu.memory_space<semaphore_mem>>) {add = true}
      %mul3A_308 = arith.constant 4 : i32
      %mul3A_309 = arith.muli %mul3A_308, %add3A_271 : i32
      %add3A_310 = arith.constant 1 : i32
      %add3A_311 = arith.addi %mul3A_309, %add3A_310 : i32
      %ge3A_312 = arith.constant 2 : i32
      %ge3A_313 = arith.cmpi sge, %add3A_311, %ge3A_312 : i32
      %convert_element_type3A_314 = arith.extui %ge3A_313 : i1 to i32
      %cond3A_315 = arith.constant 0 : i32
      %cond3A_316 = arith.cmpi ne, %convert_element_type3A_314, %cond3A_315 : i32
      scf.if %cond3A_316 {
        %dma_wait3A_419 = arith.constant 0 : i32
        %dma_wait3A_420 = arith.constant 1 : i32
        %dma_wait3A_421 = arith.constant 0 : i32
        %dma_wait3A_422 = tpu.memref_slice %arg8[%dma_wait3A_419, %dma_wait3A_420, %dma_wait3A_421] : memref<79x2x128xi32, #tpu.memory_space<vmem>> -> memref<1x1x128xi32, #tpu.memory_space<vmem>>
        %dma_wait3A_423 = tpu.memref_squeeze %dma_wait3A_422 : memref<1x1x128xi32, #tpu.memory_space<vmem>> -> memref<128xi32, #tpu.memory_space<vmem>>
        %dma_wait3A_424 = arith.constant 0 : i32
        %dma_wait3A_425 = arith.constant 0 : i32
        %dma_wait3A_426 = tpu.memref_slice %arg18[%dma_wait3A_424, %dma_wait3A_425] : memref<10240x16xf32, #tpu.memory_space<vmem_shared>> -> memref<10240x16xf32, #tpu.memory_space<vmem_shared>>
        tpu.wait_indirect_dma semaphore(%arg28 : memref<!tpu.dma_semaphore, #tpu.memory_space<semaphore_mem>>) src(%arg12 : memref<128x16xf32, #tpu.memory_space<vmem>>) dst(%dma_wait3A_426 : memref<10240x16xf32, #tpu.memory_space<vmem_shared>>)
        %dma_wait3A_427 = arith.constant 0 : i32
        %dma_wait3A_428 = arith.constant 1 : i32
        %dma_wait3A_429 = arith.constant 0 : i32
        %dma_wait3A_430 = tpu.memref_slice %arg8[%dma_wait3A_427, %dma_wait3A_428, %dma_wait3A_429] : memref<79x2x128xi32, #tpu.memory_space<vmem>> -> memref<1x1x128xi32, #tpu.memory_space<vmem>>
        %dma_wait3A_431 = tpu.memref_squeeze %dma_wait3A_430 : memref<1x1x128xi32, #tpu.memory_space<vmem>> -> memref<128xi32, #tpu.memory_space<vmem>>
        %dma_wait3A_432 = arith.constant 0 : i32
        %dma_wait3A_433 = tpu.memref_slice %arg19[%dma_wait3A_432] : memref<10240xf32, #tpu.memory_space<vmem_shared>> -> memref<10240xf32, #tpu.memory_space<vmem_shared>>
        tpu.wait_indirect_dma semaphore(%arg32 : memref<!tpu.dma_semaphore, #tpu.memory_space<semaphore_mem>>) src(%arg13 : memref<128xf32, #tpu.memory_space<vmem>>) dst(%dma_wait3A_433 : memref<10240xf32, #tpu.memory_space<vmem_shared>>)
      } else {
      }
      %add3A_317 = arith.constant 2 : i32
      %add3A_318 = arith.addi %add3A_311, %add3A_317 : i32
      %lt3A_319 = arith.constant 78 : i32
      %lt3A_320 = arith.cmpi slt, %add3A_318, %lt3A_319 : i32
      %convert_element_type3A_321 = arith.extui %lt3A_320 : i1 to i32
      %cond3A_322 = arith.constant 0 : i32
      %cond3A_323 = arith.cmpi ne, %convert_element_type3A_321, %cond3A_322 : i32
      scf.if %cond3A_323 {
        %add3A_419 = arith.constant 2 : i32
        %add3A_420 = arith.addi %add3A_311, %add3A_419 : i32
        %dma_start3A_421 = arith.constant 0 : i32
        %dma_start3A_422 = arith.constant 0 : i32
        %dma_start3A_423 = tpu.memref_slice %arg8[%add3A_420, %dma_start3A_421, %dma_start3A_422] : memref<79x2x128xi32, #tpu.memory_space<vmem>> -> memref<1x1x128xi32, #tpu.memory_space<vmem>>
        %dma_start3A_424 = tpu.memref_squeeze %dma_start3A_423 : memref<1x1x128xi32, #tpu.memory_space<vmem>> -> memref<128xi32, #tpu.memory_space<vmem>>
        %dma_start3A_425 = arith.constant 0 : i32
        %dma_start3A_426 = arith.constant 0 : i32
        %dma_start3A_427 = tpu.memref_slice %arg20[%dma_start3A_425, %dma_start3A_426] : memref<10240x16xf32, #tpu.memory_space<vmem_shared>> -> memref<10240x16xf32, #tpu.memory_space<vmem_shared>>
        tpu.enqueue_indirect_dma source(%dma_start3A_427 : memref<10240x16xf32, #tpu.memory_space<vmem_shared>>) target(%arg12 : memref<128x16xf32, #tpu.memory_space<vmem>>) offsets(%dma_start3A_424 : memref<128xi32, #tpu.memory_space<vmem>>) semaphore(%arg24 : memref<!tpu.dma_semaphore, #tpu.memory_space<semaphore_mem>>)
      } else {
      }
      %dma_wait3A_324 = arith.constant 0 : i32
      %dma_wait3A_325 = arith.constant 0 : i32
      %dma_wait3A_326 = arith.constant 0 : i32
      %dma_wait3A_327 = tpu.memref_slice %arg8[%dma_wait3A_324, %dma_wait3A_325, %dma_wait3A_326] : memref<79x2x128xi32, #tpu.memory_space<vmem>> -> memref<1x1x128xi32, #tpu.memory_space<vmem>>
      %dma_wait3A_328 = tpu.memref_squeeze %dma_wait3A_327 : memref<1x1x128xi32, #tpu.memory_space<vmem>> -> memref<128xi32, #tpu.memory_space<vmem>>
      %dma_wait3A_329 = arith.constant 0 : i32
      %dma_wait3A_330 = arith.constant 0 : i32
      %dma_wait3A_331 = tpu.memref_slice %arg20[%dma_wait3A_329, %dma_wait3A_330] : memref<10240x16xf32, #tpu.memory_space<vmem_shared>> -> memref<10240x16xf32, #tpu.memory_space<vmem_shared>>
      tpu.wait_indirect_dma semaphore(%arg22 : memref<!tpu.dma_semaphore, #tpu.memory_space<semaphore_mem>>) src(%dma_wait3A_331 : memref<10240x16xf32, #tpu.memory_space<vmem_shared>>) dst(%arg10 : memref<128x16xf32, #tpu.memory_space<vmem>>)
      %dma_start3A_332 = arith.constant 1 : i32
      %dma_start3A_333 = arith.constant 0 : i32
      %dma_start3A_334 = tpu.memref_slice %arg8[%add3A_311, %dma_start3A_332, %dma_start3A_333] : memref<79x2x128xi32, #tpu.memory_space<vmem>> -> memref<1x1x128xi32, #tpu.memory_space<vmem>>
      %dma_start3A_335 = tpu.memref_squeeze %dma_start3A_334 : memref<1x1x128xi32, #tpu.memory_space<vmem>> -> memref<128xi32, #tpu.memory_space<vmem>>
      %dma_start3A_336 = arith.constant 0 : i32
      %dma_start3A_337 = arith.constant 0 : i32
      %dma_start3A_338 = tpu.memref_slice %arg18[%dma_start3A_336, %dma_start3A_337] : memref<10240x16xf32, #tpu.memory_space<vmem_shared>> -> memref<10240x16xf32, #tpu.memory_space<vmem_shared>>
      tpu.enqueue_indirect_dma source(%arg10 : memref<128x16xf32, #tpu.memory_space<vmem>>) target(%dma_start3A_338 : memref<10240x16xf32, #tpu.memory_space<vmem_shared>>) offsets(%dma_start3A_335 : memref<128xi32, #tpu.memory_space<vmem>>) semaphore(%arg26 : memref<!tpu.dma_semaphore, #tpu.memory_space<semaphore_mem>>) {add = true}
      %dma_start3A_339 = arith.constant 1 : i32
      %dma_start3A_340 = arith.constant 0 : i32
      %dma_start3A_341 = tpu.memref_slice %arg8[%add3A_311, %dma_start3A_339, %dma_start3A_340] : memref<79x2x128xi32, #tpu.memory_space<vmem>> -> memref<1x1x128xi32, #tpu.memory_space<vmem>>
      %dma_start3A_342 = tpu.memref_squeeze %dma_start3A_341 : memref<1x1x128xi32, #tpu.memory_space<vmem>> -> memref<128xi32, #tpu.memory_space<vmem>>
      %dma_start3A_343 = arith.constant 0 : i32
      %dma_start3A_344 = tpu.memref_slice %arg19[%dma_start3A_343] : memref<10240xf32, #tpu.memory_space<vmem_shared>> -> memref<10240xf32, #tpu.memory_space<vmem_shared>>
      tpu.enqueue_indirect_dma source(%arg13 : memref<128xf32, #tpu.memory_space<vmem>>) target(%dma_start3A_344 : memref<10240xf32, #tpu.memory_space<vmem_shared>>) offsets(%dma_start3A_342 : memref<128xi32, #tpu.memory_space<vmem>>) semaphore(%arg30 : memref<!tpu.dma_semaphore, #tpu.memory_space<semaphore_mem>>) {add = true}
      %mul3A_345 = arith.constant 4 : i32
      %mul3A_346 = arith.muli %mul3A_345, %add3A_271 : i32
      %add3A_347 = arith.constant 2 : i32
      %add3A_348 = arith.addi %mul3A_346, %add3A_347 : i32
      %ge3A_349 = arith.constant 2 : i32
      %ge3A_350 = arith.cmpi sge, %add3A_348, %ge3A_349 : i32
      %convert_element_type3A_351 = arith.extui %ge3A_350 : i1 to i32
      %cond3A_352 = arith.constant 0 : i32
      %cond3A_353 = arith.cmpi ne, %convert_element_type3A_351, %cond3A_352 : i32
      scf.if %cond3A_353 {
        %dma_wait3A_419 = arith.constant 0 : i32
        %dma_wait3A_420 = arith.constant 1 : i32
        %dma_wait3A_421 = arith.constant 0 : i32
        %dma_wait3A_422 = tpu.memref_slice %arg8[%dma_wait3A_419, %dma_wait3A_420, %dma_wait3A_421] : memref<79x2x128xi32, #tpu.memory_space<vmem>> -> memref<1x1x128xi32, #tpu.memory_space<vmem>>
        %dma_wait3A_423 = tpu.memref_squeeze %dma_wait3A_422 : memref<1x1x128xi32, #tpu.memory_space<vmem>> -> memref<128xi32, #tpu.memory_space<vmem>>
        %dma_wait3A_424 = arith.constant 0 : i32
        %dma_wait3A_425 = arith.constant 0 : i32
        %dma_wait3A_426 = tpu.memref_slice %arg18[%dma_wait3A_424, %dma_wait3A_425] : memref<10240x16xf32, #tpu.memory_space<vmem_shared>> -> memref<10240x16xf32, #tpu.memory_space<vmem_shared>>
        tpu.wait_indirect_dma semaphore(%arg25 : memref<!tpu.dma_semaphore, #tpu.memory_space<semaphore_mem>>) src(%arg9 : memref<128x16xf32, #tpu.memory_space<vmem>>) dst(%dma_wait3A_426 : memref<10240x16xf32, #tpu.memory_space<vmem_shared>>)
        %dma_wait3A_427 = arith.constant 0 : i32
        %dma_wait3A_428 = arith.constant 1 : i32
        %dma_wait3A_429 = arith.constant 0 : i32
        %dma_wait3A_430 = tpu.memref_slice %arg8[%dma_wait3A_427, %dma_wait3A_428, %dma_wait3A_429] : memref<79x2x128xi32, #tpu.memory_space<vmem>> -> memref<1x1x128xi32, #tpu.memory_space<vmem>>
        %dma_wait3A_431 = tpu.memref_squeeze %dma_wait3A_430 : memref<1x1x128xi32, #tpu.memory_space<vmem>> -> memref<128xi32, #tpu.memory_space<vmem>>
        %dma_wait3A_432 = arith.constant 0 : i32
        %dma_wait3A_433 = tpu.memref_slice %arg19[%dma_wait3A_432] : memref<10240xf32, #tpu.memory_space<vmem_shared>> -> memref<10240xf32, #tpu.memory_space<vmem_shared>>
        tpu.wait_indirect_dma semaphore(%arg29 : memref<!tpu.dma_semaphore, #tpu.memory_space<semaphore_mem>>) src(%arg13 : memref<128xf32, #tpu.memory_space<vmem>>) dst(%dma_wait3A_433 : memref<10240xf32, #tpu.memory_space<vmem_shared>>)
      } else {
      }
      %add3A_354 = arith.constant 2 : i32
      %add3A_355 = arith.addi %add3A_348, %add3A_354 : i32
      %lt3A_356 = arith.constant 78 : i32
      %lt3A_357 = arith.cmpi slt, %add3A_355, %lt3A_356 : i32
      %convert_element_type3A_358 = arith.extui %lt3A_357 : i1 to i32
      %cond3A_359 = arith.constant 0 : i32
      %cond3A_360 = arith.cmpi ne, %convert_element_type3A_358, %cond3A_359 : i32
      scf.if %cond3A_360 {
        %add3A_419 = arith.constant 2 : i32
        %add3A_420 = arith.addi %add3A_348, %add3A_419 : i32
        %dma_start3A_421 = arith.constant 0 : i32
        %dma_start3A_422 = arith.constant 0 : i32
        %dma_start3A_423 = tpu.memref_slice %arg8[%add3A_420, %dma_start3A_421, %dma_start3A_422] : memref<79x2x128xi32, #tpu.memory_space<vmem>> -> memref<1x1x128xi32, #tpu.memory_space<vmem>>
        %dma_start3A_424 = tpu.memref_squeeze %dma_start3A_423 : memref<1x1x128xi32, #tpu.memory_space<vmem>> -> memref<128xi32, #tpu.memory_space<vmem>>
        %dma_start3A_425 = arith.constant 0 : i32
        %dma_start3A_426 = arith.constant 0 : i32
        %dma_start3A_427 = tpu.memref_slice %arg20[%dma_start3A_425, %dma_start3A_426] : memref<10240x16xf32, #tpu.memory_space<vmem_shared>> -> memref<10240x16xf32, #tpu.memory_space<vmem_shared>>
        tpu.enqueue_indirect_dma source(%dma_start3A_427 : memref<10240x16xf32, #tpu.memory_space<vmem_shared>>) target(%arg9 : memref<128x16xf32, #tpu.memory_space<vmem>>) offsets(%dma_start3A_424 : memref<128xi32, #tpu.memory_space<vmem>>) semaphore(%arg21 : memref<!tpu.dma_semaphore, #tpu.memory_space<semaphore_mem>>)
      } else {
      }
      %dma_wait3A_361 = arith.constant 0 : i32
      %dma_wait3A_362 = arith.constant 0 : i32
      %dma_wait3A_363 = arith.constant 0 : i32
      %dma_wait3A_364 = tpu.memref_slice %arg8[%dma_wait3A_361, %dma_wait3A_362, %dma_wait3A_363] : memref<79x2x128xi32, #tpu.memory_space<vmem>> -> memref<1x1x128xi32, #tpu.memory_space<vmem>>
      %dma_wait3A_365 = tpu.memref_squeeze %dma_wait3A_364 : memref<1x1x128xi32, #tpu.memory_space<vmem>> -> memref<128xi32, #tpu.memory_space<vmem>>
      %dma_wait3A_366 = arith.constant 0 : i32
      %dma_wait3A_367 = arith.constant 0 : i32
      %dma_wait3A_368 = tpu.memref_slice %arg20[%dma_wait3A_366, %dma_wait3A_367] : memref<10240x16xf32, #tpu.memory_space<vmem_shared>> -> memref<10240x16xf32, #tpu.memory_space<vmem_shared>>
      tpu.wait_indirect_dma semaphore(%arg23 : memref<!tpu.dma_semaphore, #tpu.memory_space<semaphore_mem>>) src(%dma_wait3A_368 : memref<10240x16xf32, #tpu.memory_space<vmem_shared>>) dst(%arg11 : memref<128x16xf32, #tpu.memory_space<vmem>>)
      %dma_start3A_369 = arith.constant 1 : i32
      %dma_start3A_370 = arith.constant 0 : i32
      %dma_start3A_371 = tpu.memref_slice %arg8[%add3A_348, %dma_start3A_369, %dma_start3A_370] : memref<79x2x128xi32, #tpu.memory_space<vmem>> -> memref<1x1x128xi32, #tpu.memory_space<vmem>>
      %dma_start3A_372 = tpu.memref_squeeze %dma_start3A_371 : memref<1x1x128xi32, #tpu.memory_space<vmem>> -> memref<128xi32, #tpu.memory_space<vmem>>
      %dma_start3A_373 = arith.constant 0 : i32
      %dma_start3A_374 = arith.constant 0 : i32
      %dma_start3A_375 = tpu.memref_slice %arg18[%dma_start3A_373, %dma_start3A_374] : memref<10240x16xf32, #tpu.memory_space<vmem_shared>> -> memref<10240x16xf32, #tpu.memory_space<vmem_shared>>
      tpu.enqueue_indirect_dma source(%arg11 : memref<128x16xf32, #tpu.memory_space<vmem>>) target(%dma_start3A_375 : memref<10240x16xf32, #tpu.memory_space<vmem_shared>>) offsets(%dma_start3A_372 : memref<128xi32, #tpu.memory_space<vmem>>) semaphore(%arg27 : memref<!tpu.dma_semaphore, #tpu.memory_space<semaphore_mem>>) {add = true}
      %dma_start3A_376 = arith.constant 1 : i32
      %dma_start3A_377 = arith.constant 0 : i32
      %dma_start3A_378 = tpu.memref_slice %arg8[%add3A_348, %dma_start3A_376, %dma_start3A_377] : memref<79x2x128xi32, #tpu.memory_space<vmem>> -> memref<1x1x128xi32, #tpu.memory_space<vmem>>
      %dma_start3A_379 = tpu.memref_squeeze %dma_start3A_378 : memref<1x1x128xi32, #tpu.memory_space<vmem>> -> memref<128xi32, #tpu.memory_space<vmem>>
      %dma_start3A_380 = arith.constant 0 : i32
      %dma_start3A_381 = tpu.memref_slice %arg19[%dma_start3A_380] : memref<10240xf32, #tpu.memory_space<vmem_shared>> -> memref<10240xf32, #tpu.memory_space<vmem_shared>>
      tpu.enqueue_indirect_dma source(%arg13 : memref<128xf32, #tpu.memory_space<vmem>>) target(%dma_start3A_381 : memref<10240xf32, #tpu.memory_space<vmem_shared>>) offsets(%dma_start3A_379 : memref<128xi32, #tpu.memory_space<vmem>>) semaphore(%arg31 : memref<!tpu.dma_semaphore, #tpu.memory_space<semaphore_mem>>) {add = true}
      %mul3A_382 = arith.constant 4 : i32
      %mul3A_383 = arith.muli %mul3A_382, %add3A_271 : i32
      %add3A_384 = arith.constant 3 : i32
      %add3A_385 = arith.addi %mul3A_383, %add3A_384 : i32
      %ge3A_386 = arith.constant 2 : i32
      %ge3A_387 = arith.cmpi sge, %add3A_385, %ge3A_386 : i32
      %convert_element_type3A_388 = arith.extui %ge3A_387 : i1 to i32
      %cond3A_389 = arith.constant 0 : i32
      %cond3A_390 = arith.cmpi ne, %convert_element_type3A_388, %cond3A_389 : i32
      scf.if %cond3A_390 {
        %dma_wait3A_419 = arith.constant 0 : i32
        %dma_wait3A_420 = arith.constant 1 : i32
        %dma_wait3A_421 = arith.constant 0 : i32
        %dma_wait3A_422 = tpu.memref_slice %arg8[%dma_wait3A_419, %dma_wait3A_420, %dma_wait3A_421] : memref<79x2x128xi32, #tpu.memory_space<vmem>> -> memref<1x1x128xi32, #tpu.memory_space<vmem>>
        %dma_wait3A_423 = tpu.memref_squeeze %dma_wait3A_422 : memref<1x1x128xi32, #tpu.memory_space<vmem>> -> memref<128xi32, #tpu.memory_space<vmem>>
        %dma_wait3A_424 = arith.constant 0 : i32
        %dma_wait3A_425 = arith.constant 0 : i32
        %dma_wait3A_426 = tpu.memref_slice %arg18[%dma_wait3A_424, %dma_wait3A_425] : memref<10240x16xf32, #tpu.memory_space<vmem_shared>> -> memref<10240x16xf32, #tpu.memory_space<vmem_shared>>
        tpu.wait_indirect_dma semaphore(%arg26 : memref<!tpu.dma_semaphore, #tpu.memory_space<semaphore_mem>>) src(%arg10 : memref<128x16xf32, #tpu.memory_space<vmem>>) dst(%dma_wait3A_426 : memref<10240x16xf32, #tpu.memory_space<vmem_shared>>)
        %dma_wait3A_427 = arith.constant 0 : i32
        %dma_wait3A_428 = arith.constant 1 : i32
        %dma_wait3A_429 = arith.constant 0 : i32
        %dma_wait3A_430 = tpu.memref_slice %arg8[%dma_wait3A_427, %dma_wait3A_428, %dma_wait3A_429] : memref<79x2x128xi32, #tpu.memory_space<vmem>> -> memref<1x1x128xi32, #tpu.memory_space<vmem>>
        %dma_wait3A_431 = tpu.memref_squeeze %dma_wait3A_430 : memref<1x1x128xi32, #tpu.memory_space<vmem>> -> memref<128xi32, #tpu.memory_space<vmem>>
        %dma_wait3A_432 = arith.constant 0 : i32
        %dma_wait3A_433 = tpu.memref_slice %arg19[%dma_wait3A_432] : memref<10240xf32, #tpu.memory_space<vmem_shared>> -> memref<10240xf32, #tpu.memory_space<vmem_shared>>
        tpu.wait_indirect_dma semaphore(%arg30 : memref<!tpu.dma_semaphore, #tpu.memory_space<semaphore_mem>>) src(%arg13 : memref<128xf32, #tpu.memory_space<vmem>>) dst(%dma_wait3A_433 : memref<10240xf32, #tpu.memory_space<vmem_shared>>)
      } else {
      }
      %add3A_391 = arith.constant 2 : i32
      %add3A_392 = arith.addi %add3A_385, %add3A_391 : i32
      %lt3A_393 = arith.constant 78 : i32
      %lt3A_394 = arith.cmpi slt, %add3A_392, %lt3A_393 : i32
      %convert_element_type3A_395 = arith.extui %lt3A_394 : i1 to i32
      %cond3A_396 = arith.constant 0 : i32
      %cond3A_397 = arith.cmpi ne, %convert_element_type3A_395, %cond3A_396 : i32
      scf.if %cond3A_397 {
        %add3A_419 = arith.constant 2 : i32
        %add3A_420 = arith.addi %add3A_385, %add3A_419 : i32
        %dma_start3A_421 = arith.constant 0 : i32
        %dma_start3A_422 = arith.constant 0 : i32
        %dma_start3A_423 = tpu.memref_slice %arg8[%add3A_420, %dma_start3A_421, %dma_start3A_422] : memref<79x2x128xi32, #tpu.memory_space<vmem>> -> memref<1x1x128xi32, #tpu.memory_space<vmem>>
        %dma_start3A_424 = tpu.memref_squeeze %dma_start3A_423 : memref<1x1x128xi32, #tpu.memory_space<vmem>> -> memref<128xi32, #tpu.memory_space<vmem>>
        %dma_start3A_425 = arith.constant 0 : i32
        %dma_start3A_426 = arith.constant 0 : i32
        %dma_start3A_427 = tpu.memref_slice %arg20[%dma_start3A_425, %dma_start3A_426] : memref<10240x16xf32, #tpu.memory_space<vmem_shared>> -> memref<10240x16xf32, #tpu.memory_space<vmem_shared>>
        tpu.enqueue_indirect_dma source(%dma_start3A_427 : memref<10240x16xf32, #tpu.memory_space<vmem_shared>>) target(%arg10 : memref<128x16xf32, #tpu.memory_space<vmem>>) offsets(%dma_start3A_424 : memref<128xi32, #tpu.memory_space<vmem>>) semaphore(%arg22 : memref<!tpu.dma_semaphore, #tpu.memory_space<semaphore_mem>>)
      } else {
      }
      %dma_wait3A_398 = arith.constant 0 : i32
      %dma_wait3A_399 = arith.constant 0 : i32
      %dma_wait3A_400 = arith.constant 0 : i32
      %dma_wait3A_401 = tpu.memref_slice %arg8[%dma_wait3A_398, %dma_wait3A_399, %dma_wait3A_400] : memref<79x2x128xi32, #tpu.memory_space<vmem>> -> memref<1x1x128xi32, #tpu.memory_space<vmem>>
      %dma_wait3A_402 = tpu.memref_squeeze %dma_wait3A_401 : memref<1x1x128xi32, #tpu.memory_space<vmem>> -> memref<128xi32, #tpu.memory_space<vmem>>
      %dma_wait3A_403 = arith.constant 0 : i32
      %dma_wait3A_404 = arith.constant 0 : i32
      %dma_wait3A_405 = tpu.memref_slice %arg20[%dma_wait3A_403, %dma_wait3A_404] : memref<10240x16xf32, #tpu.memory_space<vmem_shared>> -> memref<10240x16xf32, #tpu.memory_space<vmem_shared>>
      tpu.wait_indirect_dma semaphore(%arg24 : memref<!tpu.dma_semaphore, #tpu.memory_space<semaphore_mem>>) src(%dma_wait3A_405 : memref<10240x16xf32, #tpu.memory_space<vmem_shared>>) dst(%arg12 : memref<128x16xf32, #tpu.memory_space<vmem>>)
      %dma_start3A_406 = arith.constant 1 : i32
      %dma_start3A_407 = arith.constant 0 : i32
      %dma_start3A_408 = tpu.memref_slice %arg8[%add3A_385, %dma_start3A_406, %dma_start3A_407] : memref<79x2x128xi32, #tpu.memory_space<vmem>> -> memref<1x1x128xi32, #tpu.memory_space<vmem>>
      %dma_start3A_409 = tpu.memref_squeeze %dma_start3A_408 : memref<1x1x128xi32, #tpu.memory_space<vmem>> -> memref<128xi32, #tpu.memory_space<vmem>>
      %dma_start3A_410 = arith.constant 0 : i32
      %dma_start3A_411 = arith.constant 0 : i32
      %dma_start3A_412 = tpu.memref_slice %arg18[%dma_start3A_410, %dma_start3A_411] : memref<10240x16xf32, #tpu.memory_space<vmem_shared>> -> memref<10240x16xf32, #tpu.memory_space<vmem_shared>>
      tpu.enqueue_indirect_dma source(%arg12 : memref<128x16xf32, #tpu.memory_space<vmem>>) target(%dma_start3A_412 : memref<10240x16xf32, #tpu.memory_space<vmem_shared>>) offsets(%dma_start3A_409 : memref<128xi32, #tpu.memory_space<vmem>>) semaphore(%arg28 : memref<!tpu.dma_semaphore, #tpu.memory_space<semaphore_mem>>) {add = true}
      %dma_start3A_413 = arith.constant 1 : i32
      %dma_start3A_414 = arith.constant 0 : i32
      %dma_start3A_415 = tpu.memref_slice %arg8[%add3A_385, %dma_start3A_413, %dma_start3A_414] : memref<79x2x128xi32, #tpu.memory_space<vmem>> -> memref<1x1x128xi32, #tpu.memory_space<vmem>>
      %dma_start3A_416 = tpu.memref_squeeze %dma_start3A_415 : memref<1x1x128xi32, #tpu.memory_space<vmem>> -> memref<128xi32, #tpu.memory_space<vmem>>
      %dma_start3A_417 = arith.constant 0 : i32
      %dma_start3A_418 = tpu.memref_slice %arg19[%dma_start3A_417] : memref<10240xf32, #tpu.memory_space<vmem_shared>> -> memref<10240xf32, #tpu.memory_space<vmem_shared>>
      tpu.enqueue_indirect_dma source(%arg13 : memref<128xf32, #tpu.memory_space<vmem>>) target(%dma_start3A_418 : memref<10240xf32, #tpu.memory_space<vmem_shared>>) offsets(%dma_start3A_416 : memref<128xi32, #tpu.memory_space<vmem>>) semaphore(%arg32 : memref<!tpu.dma_semaphore, #tpu.memory_space<semaphore_mem>>) {add = true}
    }
    %scan3A_138 = arith.constant 19 : i32
    %dma_wait3A_139 = arith.constant 0 : i32
    %dma_wait3A_140 = arith.constant 1 : i32
    %dma_wait3A_141 = arith.constant 0 : i32
    %dma_wait3A_142 = tpu.memref_slice %arg8[%dma_wait3A_139, %dma_wait3A_140, %dma_wait3A_141] : memref<79x2x128xi32, #tpu.memory_space<vmem>> -> memref<1x1x128xi32, #tpu.memory_space<vmem>>
    %dma_wait3A_143 = tpu.memref_squeeze %dma_wait3A_142 : memref<1x1x128xi32, #tpu.memory_space<vmem>> -> memref<128xi32, #tpu.memory_space<vmem>>
    %dma_wait3A_144 = arith.constant 0 : i32
    %dma_wait3A_145 = arith.constant 0 : i32
    %dma_wait3A_146 = tpu.memref_slice %arg18[%dma_wait3A_144, %dma_wait3A_145] : memref<10240x16xf32, #tpu.memory_space<vmem_shared>> -> memref<10240x16xf32, #tpu.memory_space<vmem_shared>>
    tpu.wait_indirect_dma semaphore(%arg27 : memref<!tpu.dma_semaphore, #tpu.memory_space<semaphore_mem>>) src(%arg11 : memref<128x16xf32, #tpu.memory_space<vmem>>) dst(%dma_wait3A_146 : memref<10240x16xf32, #tpu.memory_space<vmem_shared>>)
    %dma_wait3A_147 = arith.constant 0 : i32
    %dma_wait3A_148 = arith.constant 1 : i32
    %dma_wait3A_149 = arith.constant 0 : i32
    %dma_wait3A_150 = tpu.memref_slice %arg8[%dma_wait3A_147, %dma_wait3A_148, %dma_wait3A_149] : memref<79x2x128xi32, #tpu.memory_space<vmem>> -> memref<1x1x128xi32, #tpu.memory_space<vmem>>
    %dma_wait3A_151 = tpu.memref_squeeze %dma_wait3A_150 : memref<1x1x128xi32, #tpu.memory_space<vmem>> -> memref<128xi32, #tpu.memory_space<vmem>>
    %dma_wait3A_152 = arith.constant 0 : i32
    %dma_wait3A_153 = tpu.memref_slice %arg19[%dma_wait3A_152] : memref<10240xf32, #tpu.memory_space<vmem_shared>> -> memref<10240xf32, #tpu.memory_space<vmem_shared>>
    tpu.wait_indirect_dma semaphore(%arg31 : memref<!tpu.dma_semaphore, #tpu.memory_space<semaphore_mem>>) src(%arg13 : memref<128xf32, #tpu.memory_space<vmem>>) dst(%dma_wait3A_153 : memref<10240xf32, #tpu.memory_space<vmem_shared>>)
    %dma_wait3A_154 = arith.constant 0 : i32
    %dma_wait3A_155 = arith.constant 0 : i32
    %dma_wait3A_156 = arith.constant 0 : i32
    %dma_wait3A_157 = tpu.memref_slice %arg8[%dma_wait3A_154, %dma_wait3A_155, %dma_wait3A_156] : memref<79x2x128xi32, #tpu.memory_space<vmem>> -> memref<1x1x128xi32, #tpu.memory_space<vmem>>
    %dma_wait3A_158 = tpu.memref_squeeze %dma_wait3A_157 : memref<1x1x128xi32, #tpu.memory_space<vmem>> -> memref<128xi32, #tpu.memory_space<vmem>>
    %dma_wait3A_159 = arith.constant 0 : i32
    %dma_wait3A_160 = arith.constant 0 : i32
    %dma_wait3A_161 = tpu.memref_slice %arg20[%dma_wait3A_159, %dma_wait3A_160] : memref<10240x16xf32, #tpu.memory_space<vmem_shared>> -> memref<10240x16xf32, #tpu.memory_space<vmem_shared>>
    tpu.wait_indirect_dma semaphore(%arg21 : memref<!tpu.dma_semaphore, #tpu.memory_space<semaphore_mem>>) src(%dma_wait3A_161 : memref<10240x16xf32, #tpu.memory_space<vmem_shared>>) dst(%arg9 : memref<128x16xf32, #tpu.memory_space<vmem>>)
    %dma_start3A_162 = arith.constant 76 : i32
    %dma_start3A_163 = arith.constant 1 : i32
    %dma_start3A_164 = arith.constant 0 : i32
    %dma_start3A_165 = tpu.memref_slice %arg8[%dma_start3A_162, %dma_start3A_163, %dma_start3A_164] : memref<79x2x128xi32, #tpu.memory_space<vmem>> -> memref<1x1x128xi32, #tpu.memory_space<vmem>>
    %dma_start3A_166 = tpu.memref_squeeze %dma_start3A_165 : memref<1x1x128xi32, #tpu.memory_space<vmem>> -> memref<128xi32, #tpu.memory_space<vmem>>
    %dma_start3A_167 = arith.constant 0 : i32
    %dma_start3A_168 = arith.constant 0 : i32
    %dma_start3A_169 = tpu.memref_slice %arg18[%dma_start3A_167, %dma_start3A_168] : memref<10240x16xf32, #tpu.memory_space<vmem_shared>> -> memref<10240x16xf32, #tpu.memory_space<vmem_shared>>
    tpu.enqueue_indirect_dma source(%arg9 : memref<128x16xf32, #tpu.memory_space<vmem>>) target(%dma_start3A_169 : memref<10240x16xf32, #tpu.memory_space<vmem_shared>>) offsets(%dma_start3A_166 : memref<128xi32, #tpu.memory_space<vmem>>) semaphore(%arg25 : memref<!tpu.dma_semaphore, #tpu.memory_space<semaphore_mem>>) {add = true}
    %dma_start3A_170 = arith.constant 76 : i32
    %dma_start3A_171 = arith.constant 1 : i32
    %dma_start3A_172 = arith.constant 0 : i32
    %dma_start3A_173 = tpu.memref_slice %arg8[%dma_start3A_170, %dma_start3A_171, %dma_start3A_172] : memref<79x2x128xi32, #tpu.memory_space<vmem>> -> memref<1x1x128xi32, #tpu.memory_space<vmem>>
    %dma_start3A_174 = tpu.memref_squeeze %dma_start3A_173 : memref<1x1x128xi32, #tpu.memory_space<vmem>> -> memref<128xi32, #tpu.memory_space<vmem>>
    %dma_start3A_175 = arith.constant 0 : i32
    %dma_start3A_176 = tpu.memref_slice %arg19[%dma_start3A_175] : memref<10240xf32, #tpu.memory_space<vmem_shared>> -> memref<10240xf32, #tpu.memory_space<vmem_shared>>
    tpu.enqueue_indirect_dma source(%arg13 : memref<128xf32, #tpu.memory_space<vmem>>) target(%dma_start3A_176 : memref<10240xf32, #tpu.memory_space<vmem_shared>>) offsets(%dma_start3A_174 : memref<128xi32, #tpu.memory_space<vmem>>) semaphore(%arg29 : memref<!tpu.dma_semaphore, #tpu.memory_space<semaphore_mem>>) {add = true}
    %dma_wait3A_177 = arith.constant 0 : i32
    %dma_wait3A_178 = arith.constant 1 : i32
    %dma_wait3A_179 = arith.constant 0 : i32
    %dma_wait3A_180 = tpu.memref_slice %arg8[%dma_wait3A_177, %dma_wait3A_178, %dma_wait3A_179] : memref<79x2x128xi32, #tpu.memory_space<vmem>> -> memref<1x1x128xi32, #tpu.memory_space<vmem>>
    %dma_wait3A_181 = tpu.memref_squeeze %dma_wait3A_180 : memref<1x1x128xi32, #tpu.memory_space<vmem>> -> memref<128xi32, #tpu.memory_space<vmem>>
    %dma_wait3A_182 = arith.constant 0 : i32
    %dma_wait3A_183 = arith.constant 0 : i32
    %dma_wait3A_184 = tpu.memref_slice %arg18[%dma_wait3A_182, %dma_wait3A_183] : memref<10240x16xf32, #tpu.memory_space<vmem_shared>> -> memref<10240x16xf32, #tpu.memory_space<vmem_shared>>
    tpu.wait_indirect_dma semaphore(%arg28 : memref<!tpu.dma_semaphore, #tpu.memory_space<semaphore_mem>>) src(%arg12 : memref<128x16xf32, #tpu.memory_space<vmem>>) dst(%dma_wait3A_184 : memref<10240x16xf32, #tpu.memory_space<vmem_shared>>)
    %dma_wait3A_185 = arith.constant 0 : i32
    %dma_wait3A_186 = arith.constant 1 : i32
    %dma_wait3A_187 = arith.constant 0 : i32
    %dma_wait3A_188 = tpu.memref_slice %arg8[%dma_wait3A_185, %dma_wait3A_186, %dma_wait3A_187] : memref<79x2x128xi32, #tpu.memory_space<vmem>> -> memref<1x1x128xi32, #tpu.memory_space<vmem>>
    %dma_wait3A_189 = tpu.memref_squeeze %dma_wait3A_188 : memref<1x1x128xi32, #tpu.memory_space<vmem>> -> memref<128xi32, #tpu.memory_space<vmem>>
    %dma_wait3A_190 = arith.constant 0 : i32
    %dma_wait3A_191 = tpu.memref_slice %arg19[%dma_wait3A_190] : memref<10240xf32, #tpu.memory_space<vmem_shared>> -> memref<10240xf32, #tpu.memory_space<vmem_shared>>
    tpu.wait_indirect_dma semaphore(%arg32 : memref<!tpu.dma_semaphore, #tpu.memory_space<semaphore_mem>>) src(%arg13 : memref<128xf32, #tpu.memory_space<vmem>>) dst(%dma_wait3A_191 : memref<10240xf32, #tpu.memory_space<vmem_shared>>)
    %dma_wait3A_192 = arith.constant 0 : i32
    %dma_wait3A_193 = arith.constant 0 : i32
    %dma_wait3A_194 = arith.constant 0 : i32
    %dma_wait3A_195 = tpu.memref_slice %arg8[%dma_wait3A_192, %dma_wait3A_193, %dma_wait3A_194] : memref<79x2x128xi32, #tpu.memory_space<vmem>> -> memref<1x1x128xi32, #tpu.memory_space<vmem>>
    %dma_wait3A_196 = tpu.memref_squeeze %dma_wait3A_195 : memref<1x1x128xi32, #tpu.memory_space<vmem>> -> memref<128xi32, #tpu.memory_space<vmem>>
    %dma_wait3A_197 = arith.constant 0 : i32
    %dma_wait3A_198 = arith.constant 0 : i32
    %dma_wait3A_199 = tpu.memref_slice %arg20[%dma_wait3A_197, %dma_wait3A_198] : memref<10240x16xf32, #tpu.memory_space<vmem_shared>> -> memref<10240x16xf32, #tpu.memory_space<vmem_shared>>
    tpu.wait_indirect_dma semaphore(%arg22 : memref<!tpu.dma_semaphore, #tpu.memory_space<semaphore_mem>>) src(%dma_wait3A_199 : memref<10240x16xf32, #tpu.memory_space<vmem_shared>>) dst(%arg10 : memref<128x16xf32, #tpu.memory_space<vmem>>)
    %dma_start3A_200 = arith.constant 77 : i32
    %dma_start3A_201 = arith.constant 1 : i32
    %dma_start3A_202 = arith.constant 0 : i32
    %dma_start3A_203 = tpu.memref_slice %arg8[%dma_start3A_200, %dma_start3A_201, %dma_start3A_202] : memref<79x2x128xi32, #tpu.memory_space<vmem>> -> memref<1x1x128xi32, #tpu.memory_space<vmem>>
    %dma_start3A_204 = tpu.memref_squeeze %dma_start3A_203 : memref<1x1x128xi32, #tpu.memory_space<vmem>> -> memref<128xi32, #tpu.memory_space<vmem>>
    %dma_start3A_205 = arith.constant 0 : i32
    %dma_start3A_206 = arith.constant 0 : i32
    %dma_start3A_207 = tpu.memref_slice %arg18[%dma_start3A_205, %dma_start3A_206] : memref<10240x16xf32, #tpu.memory_space<vmem_shared>> -> memref<10240x16xf32, #tpu.memory_space<vmem_shared>>
    tpu.enqueue_indirect_dma source(%arg10 : memref<128x16xf32, #tpu.memory_space<vmem>>) target(%dma_start3A_207 : memref<10240x16xf32, #tpu.memory_space<vmem_shared>>) offsets(%dma_start3A_204 : memref<128xi32, #tpu.memory_space<vmem>>) semaphore(%arg26 : memref<!tpu.dma_semaphore, #tpu.memory_space<semaphore_mem>>) {add = true}
    %dma_start3A_208 = arith.constant 77 : i32
    %dma_start3A_209 = arith.constant 1 : i32
    %dma_start3A_210 = arith.constant 0 : i32
    %dma_start3A_211 = tpu.memref_slice %arg8[%dma_start3A_208, %dma_start3A_209, %dma_start3A_210] : memref<79x2x128xi32, #tpu.memory_space<vmem>> -> memref<1x1x128xi32, #tpu.memory_space<vmem>>
    %dma_start3A_212 = tpu.memref_squeeze %dma_start3A_211 : memref<1x1x128xi32, #tpu.memory_space<vmem>> -> memref<128xi32, #tpu.memory_space<vmem>>
    %dma_start3A_213 = arith.constant 0 : i32
    %dma_start3A_214 = tpu.memref_slice %arg19[%dma_start3A_213] : memref<10240xf32, #tpu.memory_space<vmem_shared>> -> memref<10240xf32, #tpu.memory_space<vmem_shared>>
    tpu.enqueue_indirect_dma source(%arg13 : memref<128xf32, #tpu.memory_space<vmem>>) target(%dma_start3A_214 : memref<10240xf32, #tpu.memory_space<vmem_shared>>) offsets(%dma_start3A_212 : memref<128xi32, #tpu.memory_space<vmem>>) semaphore(%arg30 : memref<!tpu.dma_semaphore, #tpu.memory_space<semaphore_mem>>) {add = true}
    %dma_wait3A_215 = arith.constant 0 : i32
    %dma_wait3A_216 = arith.constant 1 : i32
    %dma_wait3A_217 = arith.constant 0 : i32
    %dma_wait3A_218 = tpu.memref_slice %arg8[%dma_wait3A_215, %dma_wait3A_216, %dma_wait3A_217] : memref<79x2x128xi32, #tpu.memory_space<vmem>> -> memref<1x1x128xi32, #tpu.memory_space<vmem>>
    %dma_wait3A_219 = tpu.memref_squeeze %dma_wait3A_218 : memref<1x1x128xi32, #tpu.memory_space<vmem>> -> memref<128xi32, #tpu.memory_space<vmem>>
    %dma_wait3A_220 = arith.constant 0 : i32
    %dma_wait3A_221 = arith.constant 0 : i32
    %dma_wait3A_222 = tpu.memref_slice %arg18[%dma_wait3A_220, %dma_wait3A_221] : memref<10240x16xf32, #tpu.memory_space<vmem_shared>> -> memref<10240x16xf32, #tpu.memory_space<vmem_shared>>
    tpu.wait_indirect_dma semaphore(%arg25 : memref<!tpu.dma_semaphore, #tpu.memory_space<semaphore_mem>>) src(%arg9 : memref<128x16xf32, #tpu.memory_space<vmem>>) dst(%dma_wait3A_222 : memref<10240x16xf32, #tpu.memory_space<vmem_shared>>)
    %dma_wait3A_223 = arith.constant 0 : i32
    %dma_wait3A_224 = arith.constant 1 : i32
    %dma_wait3A_225 = arith.constant 0 : i32
    %dma_wait3A_226 = tpu.memref_slice %arg8[%dma_wait3A_223, %dma_wait3A_224, %dma_wait3A_225] : memref<79x2x128xi32, #tpu.memory_space<vmem>> -> memref<1x1x128xi32, #tpu.memory_space<vmem>>
    %dma_wait3A_227 = tpu.memref_squeeze %dma_wait3A_226 : memref<1x1x128xi32, #tpu.memory_space<vmem>> -> memref<128xi32, #tpu.memory_space<vmem>>
    %dma_wait3A_228 = arith.constant 0 : i32
    %dma_wait3A_229 = tpu.memref_slice %arg19[%dma_wait3A_228] : memref<10240xf32, #tpu.memory_space<vmem_shared>> -> memref<10240xf32, #tpu.memory_space<vmem_shared>>
    tpu.wait_indirect_dma semaphore(%arg29 : memref<!tpu.dma_semaphore, #tpu.memory_space<semaphore_mem>>) src(%arg13 : memref<128xf32, #tpu.memory_space<vmem>>) dst(%dma_wait3A_229 : memref<10240xf32, #tpu.memory_space<vmem_shared>>)
    %dma_wait3A_230 = arith.constant 0 : i32
    %dma_wait3A_231 = arith.constant 1 : i32
    %dma_wait3A_232 = arith.constant 0 : i32
    %dma_wait3A_233 = tpu.memref_slice %arg8[%dma_wait3A_230, %dma_wait3A_231, %dma_wait3A_232] : memref<79x2x128xi32, #tpu.memory_space<vmem>> -> memref<1x1x128xi32, #tpu.memory_space<vmem>>
    %dma_wait3A_234 = tpu.memref_squeeze %dma_wait3A_233 : memref<1x1x128xi32, #tpu.memory_space<vmem>> -> memref<128xi32, #tpu.memory_space<vmem>>
    %dma_wait3A_235 = arith.constant 0 : i32
    %dma_wait3A_236 = arith.constant 0 : i32
    %dma_wait3A_237 = tpu.memref_slice %arg18[%dma_wait3A_235, %dma_wait3A_236] : memref<10240x16xf32, #tpu.memory_space<vmem_shared>> -> memref<10240x16xf32, #tpu.memory_space<vmem_shared>>
    tpu.wait_indirect_dma semaphore(%arg26 : memref<!tpu.dma_semaphore, #tpu.memory_space<semaphore_mem>>) src(%arg10 : memref<128x16xf32, #tpu.memory_space<vmem>>) dst(%dma_wait3A_237 : memref<10240x16xf32, #tpu.memory_space<vmem_shared>>)
    %dma_wait3A_238 = arith.constant 0 : i32
    %dma_wait3A_239 = arith.constant 1 : i32
    %dma_wait3A_240 = arith.constant 0 : i32
    %dma_wait3A_241 = tpu.memref_slice %arg8[%dma_wait3A_238, %dma_wait3A_239, %dma_wait3A_240] : memref<79x2x128xi32, #tpu.memory_space<vmem>> -> memref<1x1x128xi32, #tpu.memory_space<vmem>>
    %dma_wait3A_242 = tpu.memref_squeeze %dma_wait3A_241 : memref<1x1x128xi32, #tpu.memory_space<vmem>> -> memref<128xi32, #tpu.memory_space<vmem>>
    %dma_wait3A_243 = arith.constant 0 : i32
    %dma_wait3A_244 = tpu.memref_slice %arg19[%dma_wait3A_243] : memref<10240xf32, #tpu.memory_space<vmem_shared>> -> memref<10240xf32, #tpu.memory_space<vmem_shared>>
    tpu.wait_indirect_dma semaphore(%arg30 : memref<!tpu.dma_semaphore, #tpu.memory_space<semaphore_mem>>) src(%arg13 : memref<128xf32, #tpu.memory_space<vmem>>) dst(%dma_wait3A_244 : memref<10240xf32, #tpu.memory_space<vmem_shared>>)
    %lt3A_245 = arith.constant 4 : i32
    %lt3A_246 = arith.cmpi slt, %add3A, %lt3A_245 : i32
    %convert_element_type3A_247 = arith.extui %lt3A_246 : i1 to i32
    %cond3A_248 = arith.constant 0 : i32
    %cond3A_249 = arith.cmpi ne, %convert_element_type3A_247, %cond3A_248 : i32
    scf.if %cond3A_249 {
      %dma_start3A_267 = arith.constant 78 : i32
      %dma_start3A_268 = arith.constant 0 : i32
      %dma_start3A_269 = arith.constant 0 : i32
      %dma_start3A_270 = tpu.memref_slice %arg8[%dma_start3A_267, %dma_start3A_268, %dma_start3A_269] : memref<79x2x128xi32, #tpu.memory_space<vmem>> -> memref<1x1x128xi32, #tpu.memory_space<vmem>>
      %dma_start3A_271 = tpu.memref_squeeze %dma_start3A_270 : memref<1x1x128xi32, #tpu.memory_space<vmem>> -> memref<128xi32, #tpu.memory_space<vmem>>
      %dma_start3A_272 = arith.constant 0 : i32
      %dma_start3A_273 = arith.constant 0 : i32
      %dma_start3A_274 = tpu.memref_slice %arg20[%dma_start3A_272, %dma_start3A_273] : memref<10240x16xf32, #tpu.memory_space<vmem_shared>> -> memref<10240x16xf32, #tpu.memory_space<vmem_shared>>
      tpu.enqueue_indirect_dma source(%dma_start3A_274 : memref<10240x16xf32, #tpu.memory_space<vmem_shared>>) target(%arg9 : memref<128x16xf32, #tpu.memory_space<vmem>>) offsets(%dma_start3A_271 : memref<128xi32, #tpu.memory_space<vmem>>) semaphore(%arg21 : memref<!tpu.dma_semaphore, #tpu.memory_space<semaphore_mem>>)
      %dma_wait3A_275 = arith.constant 78 : i32
      %dma_wait3A_276 = arith.constant 0 : i32
      %dma_wait3A_277 = arith.constant 0 : i32
      %dma_wait3A_278 = tpu.memref_slice %arg8[%dma_wait3A_275, %dma_wait3A_276, %dma_wait3A_277] : memref<79x2x128xi32, #tpu.memory_space<vmem>> -> memref<1x1x128xi32, #tpu.memory_space<vmem>>
      %dma_wait3A_279 = tpu.memref_squeeze %dma_wait3A_278 : memref<1x1x128xi32, #tpu.memory_space<vmem>> -> memref<128xi32, #tpu.memory_space<vmem>>
      %dma_wait3A_280 = arith.constant 0 : i32
      %dma_wait3A_281 = arith.constant 0 : i32
      %dma_wait3A_282 = tpu.memref_slice %arg20[%dma_wait3A_280, %dma_wait3A_281] : memref<10240x16xf32, #tpu.memory_space<vmem_shared>> -> memref<10240x16xf32, #tpu.memory_space<vmem_shared>>
      tpu.wait_indirect_dma semaphore(%arg21 : memref<!tpu.dma_semaphore, #tpu.memory_space<semaphore_mem>>) src(%dma_wait3A_282 : memref<10240x16xf32, #tpu.memory_space<vmem_shared>>) dst(%arg9 : memref<128x16xf32, #tpu.memory_space<vmem>>)
      %dma_start3A_283 = arith.constant 78 : i32
      %dma_start3A_284 = arith.constant 1 : i32
      %dma_start3A_285 = arith.constant 0 : i32
      %dma_start3A_286 = tpu.memref_slice %arg8[%dma_start3A_283, %dma_start3A_284, %dma_start3A_285] : memref<79x2x128xi32, #tpu.memory_space<vmem>> -> memref<1x1x128xi32, #tpu.memory_space<vmem>>
      %dma_start3A_287 = tpu.memref_squeeze %dma_start3A_286 : memref<1x1x128xi32, #tpu.memory_space<vmem>> -> memref<128xi32, #tpu.memory_space<vmem>>
      %dma_start3A_288 = arith.constant 0 : i32
      %dma_start3A_289 = arith.constant 0 : i32
      %dma_start3A_290 = tpu.memref_slice %arg18[%dma_start3A_288, %dma_start3A_289] : memref<10240x16xf32, #tpu.memory_space<vmem_shared>> -> memref<10240x16xf32, #tpu.memory_space<vmem_shared>>
      tpu.enqueue_indirect_dma source(%arg9 : memref<128x16xf32, #tpu.memory_space<vmem>>) target(%dma_start3A_290 : memref<10240x16xf32, #tpu.memory_space<vmem_shared>>) offsets(%dma_start3A_287 : memref<128xi32, #tpu.memory_space<vmem>>) semaphore(%arg25 : memref<!tpu.dma_semaphore, #tpu.memory_space<semaphore_mem>>) {add = true}
      %dma_start3A_291 = arith.constant 78 : i32
      %dma_start3A_292 = arith.constant 1 : i32
      %dma_start3A_293 = arith.constant 0 : i32
      %dma_start3A_294 = tpu.memref_slice %arg8[%dma_start3A_291, %dma_start3A_292, %dma_start3A_293] : memref<79x2x128xi32, #tpu.memory_space<vmem>> -> memref<1x1x128xi32, #tpu.memory_space<vmem>>
      %dma_start3A_295 = tpu.memref_squeeze %dma_start3A_294 : memref<1x1x128xi32, #tpu.memory_space<vmem>> -> memref<128xi32, #tpu.memory_space<vmem>>
      %dma_start3A_296 = arith.constant 0 : i32
      %dma_start3A_297 = tpu.memref_slice %arg19[%dma_start3A_296] : memref<10240xf32, #tpu.memory_space<vmem_shared>> -> memref<10240xf32, #tpu.memory_space<vmem_shared>>
      tpu.enqueue_indirect_dma source(%arg13 : memref<128xf32, #tpu.memory_space<vmem>>) target(%dma_start3A_297 : memref<10240xf32, #tpu.memory_space<vmem_shared>>) offsets(%dma_start3A_295 : memref<128xi32, #tpu.memory_space<vmem>>) semaphore(%arg29 : memref<!tpu.dma_semaphore, #tpu.memory_space<semaphore_mem>>) {add = true}
      %dma_wait3A_298 = arith.constant 0 : i32
      %dma_wait3A_299 = arith.constant 1 : i32
      %dma_wait3A_300 = arith.constant 0 : i32
      %dma_wait3A_301 = tpu.memref_slice %arg8[%dma_wait3A_298, %dma_wait3A_299, %dma_wait3A_300] : memref<79x2x128xi32, #tpu.memory_space<vmem>> -> memref<1x1x128xi32, #tpu.memory_space<vmem>>
      %dma_wait3A_302 = tpu.memref_squeeze %dma_wait3A_301 : memref<1x1x128xi32, #tpu.memory_space<vmem>> -> memref<128xi32, #tpu.memory_space<vmem>>
      %dma_wait3A_303 = arith.constant 0 : i32
      %dma_wait3A_304 = arith.constant 0 : i32
      %dma_wait3A_305 = tpu.memref_slice %arg18[%dma_wait3A_303, %dma_wait3A_304] : memref<10240x16xf32, #tpu.memory_space<vmem_shared>> -> memref<10240x16xf32, #tpu.memory_space<vmem_shared>>
      tpu.wait_indirect_dma semaphore(%arg25 : memref<!tpu.dma_semaphore, #tpu.memory_space<semaphore_mem>>) src(%arg9 : memref<128x16xf32, #tpu.memory_space<vmem>>) dst(%dma_wait3A_305 : memref<10240x16xf32, #tpu.memory_space<vmem_shared>>)
      %dma_wait3A_306 = arith.constant 0 : i32
      %dma_wait3A_307 = arith.constant 1 : i32
      %dma_wait3A_308 = arith.constant 0 : i32
      %dma_wait3A_309 = tpu.memref_slice %arg8[%dma_wait3A_306, %dma_wait3A_307, %dma_wait3A_308] : memref<79x2x128xi32, #tpu.memory_space<vmem>> -> memref<1x1x128xi32, #tpu.memory_space<vmem>>
      %dma_wait3A_310 = tpu.memref_squeeze %dma_wait3A_309 : memref<1x1x128xi32, #tpu.memory_space<vmem>> -> memref<128xi32, #tpu.memory_space<vmem>>
      %dma_wait3A_311 = arith.constant 0 : i32
      %dma_wait3A_312 = tpu.memref_slice %arg19[%dma_wait3A_311] : memref<10240xf32, #tpu.memory_space<vmem_shared>> -> memref<10240xf32, #tpu.memory_space<vmem_shared>>
      tpu.wait_indirect_dma semaphore(%arg29 : memref<!tpu.dma_semaphore, #tpu.memory_space<semaphore_mem>>) src(%arg13 : memref<128xf32, #tpu.memory_space<vmem>>) dst(%dma_wait3A_312 : memref<10240xf32, #tpu.memory_space<vmem_shared>>)
    } else {
    }
    %barrier3A_250 = arith.constant 0 : index
    tpu.barrier barrier_id(%barrier3A_250)
    "tpu.region"() ({
      %run_scoped3A = tpu.sem_alloc : memref<!tpu.dma_semaphore, #tpu.memory_space<semaphore_mem>>
      %dma_start3A_267 = tpu.memref_slice %arg19[%mul3A_25] : memref<10240xf32, #tpu.memory_space<vmem_shared>> -> memref<640xf32, #tpu.memory_space<vmem_shared>>
      %dma_start3A_268 = tpu.memref_slice %arg19[%mul3A_25] : memref<10240xf32, #tpu.memory_space<vmem_shared>> -> memref<640xf32, #tpu.memory_space<vmem_shared>>
      tpu.enqueue_dma source(%dma_start3A_268 : memref<640xf32, #tpu.memory_space<vmem_shared>>) target(%arg16 : memref<640xf32, #tpu.memory_space<vmem>>) target_semaphore(%run_scoped3A : memref<!tpu.dma_semaphore, #tpu.memory_space<semaphore_mem>>)
      %dma_wait3A_269 = tpu.memref_slice %arg19[%mul3A_25] : memref<10240xf32, #tpu.memory_space<vmem_shared>> -> memref<640xf32, #tpu.memory_space<vmem_shared>>
      %dma_wait3A_270 = tpu.memref_slice %arg19[%mul3A_25] : memref<10240xf32, #tpu.memory_space<vmem_shared>> -> memref<640xf32, #tpu.memory_space<vmem_shared>>
      tpu.wait_dma2 semaphore(%run_scoped3A : memref<!tpu.dma_semaphore, #tpu.memory_space<semaphore_mem>>) src(%dma_wait3A_270 : memref<640xf32, #tpu.memory_space<vmem_shared>>) dst(%arg16 : memref<640xf32, #tpu.memory_space<vmem>>)
      tpu.yield
    }) : () -> ()
    %scan3A_251 = arith.constant 0 : i32
    %scan3A_252 = arith.constant 0 : i32
    %scan3A_253 = arith.constant 640 : i32
    %scan3A_254 = arith.addi %scan3A_252, %scan3A_253 : i32
    %scan3A_255 = arith.constant 1 : i32
    %scan3A_256 = scf.for %scan3A_267 = %scan3A_252 to %scan3A_254 step %scan3A_255 iter_args(%scan3A_268 = %scan3A_251) -> (i32)  : i32 {
      %broadcast_in_dim3A_269 = vector.broadcast %scan3A_267 : i32 to vector<16xi32>
      %gather3A = tpu.vector_load_idx %arg16[%broadcast_in_dim3A_269] : memref<640xf32, #tpu.memory_space<vmem>>[vector<16xi32>], vector<16xf32>,
      %swap3A = arith.index_cast %scan3A_267 : i32 to index
      %swap3A_270 = arith.constant 0 : index
      %swap3A_271 = tpu.vector_load %arg17[%swap3A, %swap3A_270] {strides = array<i32>} : memref<640x16xf32, #tpu.memory_space<vmem>>, vector<16xf32>,
      tpu.vector_store %arg17[%swap3A, %swap3A_270], %gather3A {strides = array<i32>} : memref<640x16xf32, #tpu.memory_space<vmem>>, vector<16xf32>,
      %scan3A_272 = arith.constant 0 : i32
      scf.yield %scan3A_272 : i32
    }
    %scan3A_257 = arith.constant 640 : i32
    %eq3A = arith.constant 0 : i32
    %eq3A_258 = arith.cmpi eq, %arg0, %eq3A : i32
    %convert_element_type3A_259 = arith.extui %eq3A_258 : i1 to i32
    %cond3A_260 = arith.constant 0 : i32
    %cond3A_261 = arith.cmpi ne, %convert_element_type3A_259, %cond3A_260 : i32
    scf.if %cond3A_261 {
      "tpu.region"() ({
        %run_scoped3A = tpu.sem_alloc : memref<!tpu.dma_semaphore, #tpu.memory_space<semaphore_mem>>
        %dma_start3A_267 = arith.constant 0 : i32
        %dma_start3A_268 = tpu.memref_slice %arg4[%mul3A_25, %dma_start3A_267] : memref<10240x16xf32, #tpu.memory_space<hbm>> -> memref<640x16xf32, #tpu.memory_space<hbm>>
        %dma_start3A_269 = arith.constant 0 : i32
        %dma_start3A_270 = tpu.memref_slice %arg18[%mul3A_25, %dma_start3A_269] : memref<10240x16xf32, #tpu.memory_space<vmem_shared>> -> memref<640x16xf32, #tpu.memory_space<vmem_shared>>
        tpu.enqueue_dma source(%dma_start3A_270 : memref<640x16xf32, #tpu.memory_space<vmem_shared>>) target(%dma_start3A_268 : memref<640x16xf32, #tpu.memory_space<hbm>>) target_semaphore(%run_scoped3A : memref<!tpu.dma_semaphore, #tpu.memory_space<semaphore_mem>>)
        %dma_wait3A_271 = arith.constant 0 : i32
        %dma_wait3A_272 = tpu.memref_slice %arg4[%mul3A_25, %dma_wait3A_271] : memref<10240x16xf32, #tpu.memory_space<hbm>> -> memref<640x16xf32, #tpu.memory_space<hbm>>
        %dma_wait3A_273 = arith.constant 0 : i32
        %dma_wait3A_274 = tpu.memref_slice %arg18[%mul3A_25, %dma_wait3A_273] : memref<10240x16xf32, #tpu.memory_space<vmem_shared>> -> memref<640x16xf32, #tpu.memory_space<vmem_shared>>
        tpu.wait_dma2 semaphore(%run_scoped3A : memref<!tpu.dma_semaphore, #tpu.memory_space<semaphore_mem>>) src(%dma_wait3A_274 : memref<640x16xf32, #tpu.memory_space<vmem_shared>>) dst(%dma_wait3A_272 : memref<640x16xf32, #tpu.memory_space<hbm>>)
        tpu.yield
      }) : () -> ()
      "tpu.region"() ({
        %run_scoped3A = tpu.sem_alloc : memref<!tpu.dma_semaphore, #tpu.memory_space<semaphore_mem>>
        %dma_start3A_267 = arith.constant 0 : i32
        %dma_start3A_268 = tpu.memref_slice %arg6[%mul3A_25, %dma_start3A_267] : memref<10240x16xf32, #tpu.memory_space<hbm>> -> memref<640x16xf32, #tpu.memory_space<hbm>>
        %dma_start3A_269 = arith.constant 0 : i32
        %dma_start3A_270 = tpu.memref_slice %arg6[%mul3A_25, %dma_start3A_269] : memref<10240x16xf32, #tpu.memory_space<hbm>> -> memref<640x16xf32, #tpu.memory_space<hbm>>
        tpu.enqueue_dma source(%arg17 : memref<640x16xf32, #tpu.memory_space<vmem>>) target(%dma_start3A_270 : memref<640x16xf32, #tpu.memory_space<hbm>>) target_semaphore(%run_scoped3A : memref<!tpu.dma_semaphore, #tpu.memory_space<semaphore_mem>>)
        %dma_wait3A_271 = arith.constant 0 : i32
        %dma_wait3A_272 = tpu.memref_slice %arg6[%mul3A_25, %dma_wait3A_271] : memref<10240x16xf32, #tpu.memory_space<hbm>> -> memref<640x16xf32, #tpu.memory_space<hbm>>
        %dma_wait3A_273 = arith.constant 0 : i32
        %dma_wait3A_274 = tpu.memref_slice %arg6[%mul3A_25, %dma_wait3A_273] : memref<10240x16xf32, #tpu.memory_space<hbm>> -> memref<640x16xf32, #tpu.memory_space<hbm>>
        tpu.wait_dma2 semaphore(%run_scoped3A : memref<!tpu.dma_semaphore, #tpu.memory_space<semaphore_mem>>) src(%arg17 : memref<640x16xf32, #tpu.memory_space<vmem>>) dst(%dma_wait3A_274 : memref<640x16xf32, #tpu.memory_space<hbm>>)
        tpu.yield
      }) : () -> ()
    } else {
    }
    %eq3A_262 = arith.constant 1 : i32
    %eq3A_263 = arith.cmpi eq, %arg0, %eq3A_262 : i32
    %convert_element_type3A_264 = arith.extui %eq3A_263 : i1 to i32
    %cond3A_265 = arith.constant 0 : i32
    %cond3A_266 = arith.cmpi ne, %convert_element_type3A_264, %cond3A_265 : i32
    scf.if %cond3A_266 {
      "tpu.region"() ({
        %run_scoped3A = tpu.sem_alloc : memref<!tpu.dma_semaphore, #tpu.memory_space<semaphore_mem>>
        %dma_start3A_267 = arith.constant 0 : i32
        %dma_start3A_268 = tpu.memref_slice %arg5[%mul3A_25, %dma_start3A_267] : memref<10240x16xf32, #tpu.memory_space<hbm>> -> memref<640x16xf32, #tpu.memory_space<hbm>>
        %dma_start3A_269 = arith.constant 0 : i32
        %dma_start3A_270 = tpu.memref_slice %arg18[%mul3A_25, %dma_start3A_269] : memref<10240x16xf32, #tpu.memory_space<vmem_shared>> -> memref<640x16xf32, #tpu.memory_space<vmem_shared>>
        tpu.enqueue_dma source(%dma_start3A_270 : memref<640x16xf32, #tpu.memory_space<vmem_shared>>) target(%dma_start3A_268 : memref<640x16xf32, #tpu.memory_space<hbm>>) target_semaphore(%run_scoped3A : memref<!tpu.dma_semaphore, #tpu.memory_space<semaphore_mem>>)
        %dma_wait3A_271 = arith.constant 0 : i32
        %dma_wait3A_272 = tpu.memref_slice %arg5[%mul3A_25, %dma_wait3A_271] : memref<10240x16xf32, #tpu.memory_space<hbm>> -> memref<640x16xf32, #tpu.memory_space<hbm>>
        %dma_wait3A_273 = arith.constant 0 : i32
        %dma_wait3A_274 = tpu.memref_slice %arg18[%mul3A_25, %dma_wait3A_273] : memref<10240x16xf32, #tpu.memory_space<vmem_shared>> -> memref<640x16xf32, #tpu.memory_space<vmem_shared>>
        tpu.wait_dma2 semaphore(%run_scoped3A : memref<!tpu.dma_semaphore, #tpu.memory_space<semaphore_mem>>) src(%dma_wait3A_274 : memref<640x16xf32, #tpu.memory_space<vmem_shared>>) dst(%dma_wait3A_272 : memref<640x16xf32, #tpu.memory_space<hbm>>)
        tpu.yield
      }) : () -> ()
      "tpu.region"() ({
        %run_scoped3A = tpu.sem_alloc : memref<!tpu.dma_semaphore, #tpu.memory_space<semaphore_mem>>
        %dma_start3A_267 = arith.constant 0 : i32
        %dma_start3A_268 = tpu.memref_slice %arg7[%mul3A_25, %dma_start3A_267] : memref<10240x16xf32, #tpu.memory_space<hbm>> -> memref<640x16xf32, #tpu.memory_space<hbm>>
        %dma_start3A_269 = arith.constant 0 : i32
        %dma_start3A_270 = tpu.memref_slice %arg7[%mul3A_25, %dma_start3A_269] : memref<10240x16xf32, #tpu.memory_space<hbm>> -> memref<640x16xf32, #tpu.memory_space<hbm>>
        tpu.enqueue_dma source(%arg17 : memref<640x16xf32, #tpu.memory_space<vmem>>) target(%dma_start3A_270 : memref<640x16xf32, #tpu.memory_space<hbm>>) target_semaphore(%run_scoped3A : memref<!tpu.dma_semaphore, #tpu.memory_space<semaphore_mem>>)
        %dma_wait3A_271 = arith.constant 0 : i32
        %dma_wait3A_272 = tpu.memref_slice %arg7[%mul3A_25, %dma_wait3A_271] : memref<10240x16xf32, #tpu.memory_space<hbm>> -> memref<640x16xf32, #tpu.memory_space<hbm>>
        %dma_wait3A_273 = arith.constant 0 : i32
        %dma_wait3A_274 = tpu.memref_slice %arg7[%mul3A_25, %dma_wait3A_273] : memref<10240x16xf32, #tpu.memory_space<hbm>> -> memref<640x16xf32, #tpu.memory_space<hbm>>
        tpu.wait_dma2 semaphore(%run_scoped3A : memref<!tpu.dma_semaphore, #tpu.memory_space<semaphore_mem>>) src(%arg17 : memref<640x16xf32, #tpu.memory_space<vmem>>) dst(%dma_wait3A_274 : memref<640x16xf32, #tpu.memory_space<hbm>>)
        tpu.yield
      }) : () -> ()
    } else {
    }
    return
  }
}

module attributes {stable_mosaic.version = 14 : i64} {
  func.func @_tc1_body(%arg0: memref<10000x128xf32, #tpu.memory_space<vmem>>, %arg1: memref<128x32xf32, #tpu.memory_space<vmem>>, %arg2: memref<1280x128xf32, #tpu.memory_space<vmem>>, %arg3: memref<1280x128xf32, #tpu.memory_space<vmem>>) attributes {dimension_semantics = [], scalar_prefetch = 0 : i64, scratch_operands = 0 : i64, tpu.core_type = #tpu.core_type<tc>} {
    %get3A = arith.constant 0 : index
    %get3A_0 = arith.constant 0 : index
    %get3A_1 = vector.load %arg0[%get3A, %get3A_0] : memref<10000x128xf32, #tpu.memory_space<vmem>>, vector<10000x128xf32>
    %broadcast_in_dim3A = arith.constant 0.000000e+00 : f32
    %broadcast_in_dim3A_2 = vector.broadcast %broadcast_in_dim3A : f32 to vector<240x128xf32>
    %concatenate3A = tpu.concatenate %get3A_1, %broadcast_in_dim3A_2 in 0 : vector<10000x128xf32>, vector<240x128xf32> -> vector<10240x128xf32>
    %reshape3A = vector.shape_cast %concatenate3A : vector<10240x128xf32> to vector<1280x8x128xf32>
    %get3A_3 = arith.constant 0 : index
    %get3A_4 = arith.constant 0 : index
    %get3A_5 = vector.load %arg1[%get3A_3, %get3A_4] : memref<128x32xf32, #tpu.memory_space<vmem>>, vector<128x32xf32>
    %broadcast_in_dim3A_6 = arith.constant 0.000000e+00 : f32
    %broadcast_in_dim3A_7 = vector.broadcast %broadcast_in_dim3A_6 : f32 to vector<1280x256xf32>
    %slice3A = vector.extract_strided_slice %get3A_5 {offsets = [0, 0], sizes = [128, 16], strides = [1, 1]} : vector<128x32xf32> to vector<128x16xf32>
    %broadcast_in_dim3A_8 = arith.constant 0.000000e+00 : f32
    %broadcast_in_dim3A_9 = vector.broadcast %broadcast_in_dim3A_8 : f32 to vector<128x112xf32>
    %concatenate3A_10 = tpu.concatenate %slice3A, %broadcast_in_dim3A_9 in 1 : vector<128x16xf32>, vector<128x112xf32> -> vector<128x128xf32>
    %slice3A_11 = vector.extract_strided_slice %get3A_5 {offsets = [0, 16], sizes = [128, 16], strides = [1, 1]} : vector<128x32xf32> to vector<128x16xf32>
    %broadcast_in_dim3A_12 = arith.constant 0.000000e+00 : f32
    %broadcast_in_dim3A_13 = vector.broadcast %broadcast_in_dim3A_12 : f32 to vector<128x112xf32>
    %concatenate3A_14 = tpu.concatenate %slice3A_11, %broadcast_in_dim3A_13 in 1 : vector<128x16xf32>, vector<128x112xf32> -> vector<128x128xf32>
    %concatenate3A_15 = tpu.concatenate %concatenate3A_10, %concatenate3A_14 in 1 : vector<128x128xf32>, vector<128x128xf32> -> vector<128x256xf32>
    %slice3A_16 = vector.extract_strided_slice %reshape3A {offsets = [0, 0, 0], sizes = [1280, 1, 128], strides = [1, 1, 1]} : vector<1280x8x128xf32> to vector<1280x1x128xf32>
    %squeeze3A = vector.shape_cast %slice3A_16 : vector<1280x1x128xf32> to vector<1280x128xf32>
    %dot_general3A = arith.constant dense<0.000000e+00> : vector<1280x256xf32>
    %dot_general3A_17 = tpu.matmul %squeeze3A, %concatenate3A_15, %dot_general3A {dimension_numbers = #tpu.dot_dimension_numbers<[1], [0], [0], [1], [0, 0, 1, 1], [], []>, transpose_lhs_hint = false} : vector<1280x128xf32>, vector<128x256xf32>, vector<1280x256xf32> -> vector<1280x256xf32>
    %add3A = arith.addf %broadcast_in_dim3A_7, %dot_general3A_17 : vector<1280x256xf32>
    %slice3A_18 = vector.extract_strided_slice %get3A_5 {offsets = [0, 0], sizes = [128, 16], strides = [1, 1]} : vector<128x32xf32> to vector<128x16xf32>
    %broadcast_in_dim3A_19 = arith.constant 0.000000e+00 : f32
    %broadcast_in_dim3A_20 = vector.broadcast %broadcast_in_dim3A_19 : f32 to vector<128x16xf32>
    %broadcast_in_dim3A_21 = arith.constant 0.000000e+00 : f32
    %broadcast_in_dim3A_22 = vector.broadcast %broadcast_in_dim3A_21 : f32 to vector<128x96xf32>
    %concatenate3A_23 = tpu.concatenate %broadcast_in_dim3A_20, %slice3A_18, %broadcast_in_dim3A_22 in 1 : vector<128x16xf32>, vector<128x16xf32>, vector<128x96xf32> -> vector<128x128xf32>
    %slice3A_24 = vector.extract_strided_slice %get3A_5 {offsets = [0, 16], sizes = [128, 16], strides = [1, 1]} : vector<128x32xf32> to vector<128x16xf32>
    %broadcast_in_dim3A_25 = arith.constant 0.000000e+00 : f32
    %broadcast_in_dim3A_26 = vector.broadcast %broadcast_in_dim3A_25 : f32 to vector<128x16xf32>
    %broadcast_in_dim3A_27 = arith.constant 0.000000e+00 : f32
    %broadcast_in_dim3A_28 = vector.broadcast %broadcast_in_dim3A_27 : f32 to vector<128x96xf32>
    %concatenate3A_29 = tpu.concatenate %broadcast_in_dim3A_26, %slice3A_24, %broadcast_in_dim3A_28 in 1 : vector<128x16xf32>, vector<128x16xf32>, vector<128x96xf32> -> vector<128x128xf32>
    %concatenate3A_30 = tpu.concatenate %concatenate3A_23, %concatenate3A_29 in 1 : vector<128x128xf32>, vector<128x128xf32> -> vector<128x256xf32>
    %slice3A_31 = vector.extract_strided_slice %reshape3A {offsets = [0, 1, 0], sizes = [1280, 1, 128], strides = [1, 1, 1]} : vector<1280x8x128xf32> to vector<1280x1x128xf32>
    %squeeze3A_32 = vector.shape_cast %slice3A_31 : vector<1280x1x128xf32> to vector<1280x128xf32>
    %dot_general3A_33 = arith.constant dense<0.000000e+00> : vector<1280x256xf32>
    %dot_general3A_34 = tpu.matmul %squeeze3A_32, %concatenate3A_30, %dot_general3A_33 {dimension_numbers = #tpu.dot_dimension_numbers<[1], [0], [0], [1], [0, 0, 1, 1], [], []>, transpose_lhs_hint = false} : vector<1280x128xf32>, vector<128x256xf32>, vector<1280x256xf32> -> vector<1280x256xf32>
    %add3A_35 = arith.addf %add3A, %dot_general3A_34 : vector<1280x256xf32>
    %slice3A_36 = vector.extract_strided_slice %get3A_5 {offsets = [0, 0], sizes = [128, 16], strides = [1, 1]} : vector<128x32xf32> to vector<128x16xf32>
    %broadcast_in_dim3A_37 = arith.constant 0.000000e+00 : f32
    %broadcast_in_dim3A_38 = vector.broadcast %broadcast_in_dim3A_37 : f32 to vector<128x32xf32>
    %broadcast_in_dim3A_39 = arith.constant 0.000000e+00 : f32
    %broadcast_in_dim3A_40 = vector.broadcast %broadcast_in_dim3A_39 : f32 to vector<128x80xf32>
    %concatenate3A_41 = tpu.concatenate %broadcast_in_dim3A_38, %slice3A_36, %broadcast_in_dim3A_40 in 1 : vector<128x32xf32>, vector<128x16xf32>, vector<128x80xf32> -> vector<128x128xf32>
    %slice3A_42 = vector.extract_strided_slice %get3A_5 {offsets = [0, 16], sizes = [128, 16], strides = [1, 1]} : vector<128x32xf32> to vector<128x16xf32>
    %broadcast_in_dim3A_43 = arith.constant 0.000000e+00 : f32
    %broadcast_in_dim3A_44 = vector.broadcast %broadcast_in_dim3A_43 : f32 to vector<128x32xf32>
    %broadcast_in_dim3A_45 = arith.constant 0.000000e+00 : f32
    %broadcast_in_dim3A_46 = vector.broadcast %broadcast_in_dim3A_45 : f32 to vector<128x80xf32>
    %concatenate3A_47 = tpu.concatenate %broadcast_in_dim3A_44, %slice3A_42, %broadcast_in_dim3A_46 in 1 : vector<128x32xf32>, vector<128x16xf32>, vector<128x80xf32> -> vector<128x128xf32>
    %concatenate3A_48 = tpu.concatenate %concatenate3A_41, %concatenate3A_47 in 1 : vector<128x128xf32>, vector<128x128xf32> -> vector<128x256xf32>
    %slice3A_49 = vector.extract_strided_slice %reshape3A {offsets = [0, 2, 0], sizes = [1280, 1, 128], strides = [1, 1, 1]} : vector<1280x8x128xf32> to vector<1280x1x128xf32>
    %squeeze3A_50 = vector.shape_cast %slice3A_49 : vector<1280x1x128xf32> to vector<1280x128xf32>
    %dot_general3A_51 = arith.constant dense<0.000000e+00> : vector<1280x256xf32>
    %dot_general3A_52 = tpu.matmul %squeeze3A_50, %concatenate3A_48, %dot_general3A_51 {dimension_numbers = #tpu.dot_dimension_numbers<[1], [0], [0], [1], [0, 0, 1, 1], [], []>, transpose_lhs_hint = false} : vector<1280x128xf32>, vector<128x256xf32>, vector<1280x256xf32> -> vector<1280x256xf32>
    %add3A_53 = arith.addf %add3A_35, %dot_general3A_52 : vector<1280x256xf32>
    %slice3A_54 = vector.extract_strided_slice %get3A_5 {offsets = [0, 0], sizes = [128, 16], strides = [1, 1]} : vector<128x32xf32> to vector<128x16xf32>
    %broadcast_in_dim3A_55 = arith.constant 0.000000e+00 : f32
    %broadcast_in_dim3A_56 = vector.broadcast %broadcast_in_dim3A_55 : f32 to vector<128x48xf32>
    %broadcast_in_dim3A_57 = arith.constant 0.000000e+00 : f32
    %broadcast_in_dim3A_58 = vector.broadcast %broadcast_in_dim3A_57 : f32 to vector<128x64xf32>
    %concatenate3A_59 = tpu.concatenate %broadcast_in_dim3A_56, %slice3A_54, %broadcast_in_dim3A_58 in 1 : vector<128x48xf32>, vector<128x16xf32>, vector<128x64xf32> -> vector<128x128xf32>
    %slice3A_60 = vector.extract_strided_slice %get3A_5 {offsets = [0, 16], sizes = [128, 16], strides = [1, 1]} : vector<128x32xf32> to vector<128x16xf32>
    %broadcast_in_dim3A_61 = arith.constant 0.000000e+00 : f32
    %broadcast_in_dim3A_62 = vector.broadcast %broadcast_in_dim3A_61 : f32 to vector<128x48xf32>
    %broadcast_in_dim3A_63 = arith.constant 0.000000e+00 : f32
    %broadcast_in_dim3A_64 = vector.broadcast %broadcast_in_dim3A_63 : f32 to vector<128x64xf32>
    %concatenate3A_65 = tpu.concatenate %broadcast_in_dim3A_62, %slice3A_60, %broadcast_in_dim3A_64 in 1 : vector<128x48xf32>, vector<128x16xf32>, vector<128x64xf32> -> vector<128x128xf32>
    %concatenate3A_66 = tpu.concatenate %concatenate3A_59, %concatenate3A_65 in 1 : vector<128x128xf32>, vector<128x128xf32> -> vector<128x256xf32>
    %slice3A_67 = vector.extract_strided_slice %reshape3A {offsets = [0, 3, 0], sizes = [1280, 1, 128], strides = [1, 1, 1]} : vector<1280x8x128xf32> to vector<1280x1x128xf32>
    %squeeze3A_68 = vector.shape_cast %slice3A_67 : vector<1280x1x128xf32> to vector<1280x128xf32>
    %dot_general3A_69 = arith.constant dense<0.000000e+00> : vector<1280x256xf32>
    %dot_general3A_70 = tpu.matmul %squeeze3A_68, %concatenate3A_66, %dot_general3A_69 {dimension_numbers = #tpu.dot_dimension_numbers<[1], [0], [0], [1], [0, 0, 1, 1], [], []>, transpose_lhs_hint = false} : vector<1280x128xf32>, vector<128x256xf32>, vector<1280x256xf32> -> vector<1280x256xf32>
    %add3A_71 = arith.addf %add3A_53, %dot_general3A_70 : vector<1280x256xf32>
    %slice3A_72 = vector.extract_strided_slice %get3A_5 {offsets = [0, 0], sizes = [128, 16], strides = [1, 1]} : vector<128x32xf32> to vector<128x16xf32>
    %broadcast_in_dim3A_73 = arith.constant 0.000000e+00 : f32
    %broadcast_in_dim3A_74 = vector.broadcast %broadcast_in_dim3A_73 : f32 to vector<128x64xf32>
    %broadcast_in_dim3A_75 = arith.constant 0.000000e+00 : f32
    %broadcast_in_dim3A_76 = vector.broadcast %broadcast_in_dim3A_75 : f32 to vector<128x48xf32>
    %concatenate3A_77 = tpu.concatenate %broadcast_in_dim3A_74, %slice3A_72, %broadcast_in_dim3A_76 in 1 : vector<128x64xf32>, vector<128x16xf32>, vector<128x48xf32> -> vector<128x128xf32>
    %slice3A_78 = vector.extract_strided_slice %get3A_5 {offsets = [0, 16], sizes = [128, 16], strides = [1, 1]} : vector<128x32xf32> to vector<128x16xf32>
    %broadcast_in_dim3A_79 = arith.constant 0.000000e+00 : f32
    %broadcast_in_dim3A_80 = vector.broadcast %broadcast_in_dim3A_79 : f32 to vector<128x64xf32>
    %broadcast_in_dim3A_81 = arith.constant 0.000000e+00 : f32
    %broadcast_in_dim3A_82 = vector.broadcast %broadcast_in_dim3A_81 : f32 to vector<128x48xf32>
    %concatenate3A_83 = tpu.concatenate %broadcast_in_dim3A_80, %slice3A_78, %broadcast_in_dim3A_82 in 1 : vector<128x64xf32>, vector<128x16xf32>, vector<128x48xf32> -> vector<128x128xf32>
    %concatenate3A_84 = tpu.concatenate %concatenate3A_77, %concatenate3A_83 in 1 : vector<128x128xf32>, vector<128x128xf32> -> vector<128x256xf32>
    %slice3A_85 = vector.extract_strided_slice %reshape3A {offsets = [0, 4, 0], sizes = [1280, 1, 128], strides = [1, 1, 1]} : vector<1280x8x128xf32> to vector<1280x1x128xf32>
    %squeeze3A_86 = vector.shape_cast %slice3A_85 : vector<1280x1x128xf32> to vector<1280x128xf32>
    %dot_general3A_87 = arith.constant dense<0.000000e+00> : vector<1280x256xf32>
    %dot_general3A_88 = tpu.matmul %squeeze3A_86, %concatenate3A_84, %dot_general3A_87 {dimension_numbers = #tpu.dot_dimension_numbers<[1], [0], [0], [1], [0, 0, 1, 1], [], []>, transpose_lhs_hint = false} : vector<1280x128xf32>, vector<128x256xf32>, vector<1280x256xf32> -> vector<1280x256xf32>
    %add3A_89 = arith.addf %add3A_71, %dot_general3A_88 : vector<1280x256xf32>
    %slice3A_90 = vector.extract_strided_slice %get3A_5 {offsets = [0, 0], sizes = [128, 16], strides = [1, 1]} : vector<128x32xf32> to vector<128x16xf32>
    %broadcast_in_dim3A_91 = arith.constant 0.000000e+00 : f32
    %broadcast_in_dim3A_92 = vector.broadcast %broadcast_in_dim3A_91 : f32 to vector<128x80xf32>
    %broadcast_in_dim3A_93 = arith.constant 0.000000e+00 : f32
    %broadcast_in_dim3A_94 = vector.broadcast %broadcast_in_dim3A_93 : f32 to vector<128x32xf32>
    %concatenate3A_95 = tpu.concatenate %broadcast_in_dim3A_92, %slice3A_90, %broadcast_in_dim3A_94 in 1 : vector<128x80xf32>, vector<128x16xf32>, vector<128x32xf32> -> vector<128x128xf32>
    %slice3A_96 = vector.extract_strided_slice %get3A_5 {offsets = [0, 16], sizes = [128, 16], strides = [1, 1]} : vector<128x32xf32> to vector<128x16xf32>
    %broadcast_in_dim3A_97 = arith.constant 0.000000e+00 : f32
    %broadcast_in_dim3A_98 = vector.broadcast %broadcast_in_dim3A_97 : f32 to vector<128x80xf32>
    %broadcast_in_dim3A_99 = arith.constant 0.000000e+00 : f32
    %broadcast_in_dim3A_100 = vector.broadcast %broadcast_in_dim3A_99 : f32 to vector<128x32xf32>
    %concatenate3A_101 = tpu.concatenate %broadcast_in_dim3A_98, %slice3A_96, %broadcast_in_dim3A_100 in 1 : vector<128x80xf32>, vector<128x16xf32>, vector<128x32xf32> -> vector<128x128xf32>
    %concatenate3A_102 = tpu.concatenate %concatenate3A_95, %concatenate3A_101 in 1 : vector<128x128xf32>, vector<128x128xf32> -> vector<128x256xf32>
    %slice3A_103 = vector.extract_strided_slice %reshape3A {offsets = [0, 5, 0], sizes = [1280, 1, 128], strides = [1, 1, 1]} : vector<1280x8x128xf32> to vector<1280x1x128xf32>
    %squeeze3A_104 = vector.shape_cast %slice3A_103 : vector<1280x1x128xf32> to vector<1280x128xf32>
    %dot_general3A_105 = arith.constant dense<0.000000e+00> : vector<1280x256xf32>
    %dot_general3A_106 = tpu.matmul %squeeze3A_104, %concatenate3A_102, %dot_general3A_105 {dimension_numbers = #tpu.dot_dimension_numbers<[1], [0], [0], [1], [0, 0, 1, 1], [], []>, transpose_lhs_hint = false} : vector<1280x128xf32>, vector<128x256xf32>, vector<1280x256xf32> -> vector<1280x256xf32>
    %add3A_107 = arith.addf %add3A_89, %dot_general3A_106 : vector<1280x256xf32>
    %slice3A_108 = vector.extract_strided_slice %get3A_5 {offsets = [0, 0], sizes = [128, 16], strides = [1, 1]} : vector<128x32xf32> to vector<128x16xf32>
    %broadcast_in_dim3A_109 = arith.constant 0.000000e+00 : f32
    %broadcast_in_dim3A_110 = vector.broadcast %broadcast_in_dim3A_109 : f32 to vector<128x96xf32>
    %broadcast_in_dim3A_111 = arith.constant 0.000000e+00 : f32
    %broadcast_in_dim3A_112 = vector.broadcast %broadcast_in_dim3A_111 : f32 to vector<128x16xf32>
    %concatenate3A_113 = tpu.concatenate %broadcast_in_dim3A_110, %slice3A_108, %broadcast_in_dim3A_112 in 1 : vector<128x96xf32>, vector<128x16xf32>, vector<128x16xf32> -> vector<128x128xf32>
    %slice3A_114 = vector.extract_strided_slice %get3A_5 {offsets = [0, 16], sizes = [128, 16], strides = [1, 1]} : vector<128x32xf32> to vector<128x16xf32>
    %broadcast_in_dim3A_115 = arith.constant 0.000000e+00 : f32
    %broadcast_in_dim3A_116 = vector.broadcast %broadcast_in_dim3A_115 : f32 to vector<128x96xf32>
    %broadcast_in_dim3A_117 = arith.constant 0.000000e+00 : f32
    %broadcast_in_dim3A_118 = vector.broadcast %broadcast_in_dim3A_117 : f32 to vector<128x16xf32>
    %concatenate3A_119 = tpu.concatenate %broadcast_in_dim3A_116, %slice3A_114, %broadcast_in_dim3A_118 in 1 : vector<128x96xf32>, vector<128x16xf32>, vector<128x16xf32> -> vector<128x128xf32>
    %concatenate3A_120 = tpu.concatenate %concatenate3A_113, %concatenate3A_119 in 1 : vector<128x128xf32>, vector<128x128xf32> -> vector<128x256xf32>
    %slice3A_121 = vector.extract_strided_slice %reshape3A {offsets = [0, 6, 0], sizes = [1280, 1, 128], strides = [1, 1, 1]} : vector<1280x8x128xf32> to vector<1280x1x128xf32>
    %squeeze3A_122 = vector.shape_cast %slice3A_121 : vector<1280x1x128xf32> to vector<1280x128xf32>
    %dot_general3A_123 = arith.constant dense<0.000000e+00> : vector<1280x256xf32>
    %dot_general3A_124 = tpu.matmul %squeeze3A_122, %concatenate3A_120, %dot_general3A_123 {dimension_numbers = #tpu.dot_dimension_numbers<[1], [0], [0], [1], [0, 0, 1, 1], [], []>, transpose_lhs_hint = false} : vector<1280x128xf32>, vector<128x256xf32>, vector<1280x256xf32> -> vector<1280x256xf32>
    %add3A_125 = arith.addf %add3A_107, %dot_general3A_124 : vector<1280x256xf32>
    %slice3A_126 = vector.extract_strided_slice %get3A_5 {offsets = [0, 0], sizes = [128, 16], strides = [1, 1]} : vector<128x32xf32> to vector<128x16xf32>
    %broadcast_in_dim3A_127 = arith.constant 0.000000e+00 : f32
    %broadcast_in_dim3A_128 = vector.broadcast %broadcast_in_dim3A_127 : f32 to vector<128x112xf32>
    %concatenate3A_129 = tpu.concatenate %broadcast_in_dim3A_128, %slice3A_126 in 1 : vector<128x112xf32>, vector<128x16xf32> -> vector<128x128xf32>
    %slice3A_130 = vector.extract_strided_slice %get3A_5 {offsets = [0, 16], sizes = [128, 16], strides = [1, 1]} : vector<128x32xf32> to vector<128x16xf32>
    %broadcast_in_dim3A_131 = arith.constant 0.000000e+00 : f32
    %broadcast_in_dim3A_132 = vector.broadcast %broadcast_in_dim3A_131 : f32 to vector<128x112xf32>
    %concatenate3A_133 = tpu.concatenate %broadcast_in_dim3A_132, %slice3A_130 in 1 : vector<128x112xf32>, vector<128x16xf32> -> vector<128x128xf32>
    %concatenate3A_134 = tpu.concatenate %concatenate3A_129, %concatenate3A_133 in 1 : vector<128x128xf32>, vector<128x128xf32> -> vector<128x256xf32>
    %slice3A_135 = vector.extract_strided_slice %reshape3A {offsets = [0, 7, 0], sizes = [1280, 1, 128], strides = [1, 1, 1]} : vector<1280x8x128xf32> to vector<1280x1x128xf32>
    %squeeze3A_136 = vector.shape_cast %slice3A_135 : vector<1280x1x128xf32> to vector<1280x128xf32>
    %dot_general3A_137 = arith.constant dense<0.000000e+00> : vector<1280x256xf32>
    %dot_general3A_138 = tpu.matmul %squeeze3A_136, %concatenate3A_134, %dot_general3A_137 {dimension_numbers = #tpu.dot_dimension_numbers<[1], [0], [0], [1], [0, 0, 1, 1], [], []>, transpose_lhs_hint = false} : vector<1280x128xf32>, vector<128x256xf32>, vector<1280x256xf32> -> vector<1280x256xf32>
    %add3A_139 = arith.addf %add3A_125, %dot_general3A_138 : vector<1280x256xf32>
    %slice3A_140 = vector.extract_strided_slice %add3A_139 {offsets = [0, 0], sizes = [1280, 128], strides = [1, 1]} : vector<1280x256xf32> to vector<1280x128xf32>
    %swap3A = arith.constant 0 : index
    %swap3A_141 = arith.constant 0 : index
    %swap3A_142 = vector.load %arg2[%swap3A, %swap3A_141] : memref<1280x128xf32, #tpu.memory_space<vmem>>, vector<1280x128xf32>
    tpu.vector_store %arg2[%swap3A, %swap3A_141], %slice3A_140 {strides = array<i32>} : memref<1280x128xf32, #tpu.memory_space<vmem>>, vector<1280x128xf32>,
    %slice3A_143 = vector.extract_strided_slice %add3A_139 {offsets = [0, 128], sizes = [1280, 128], strides = [1, 1]} : vector<1280x256xf32> to vector<1280x128xf32>
    %swap3A_144 = arith.constant 0 : index
    %swap3A_145 = arith.constant 0 : index
    %swap3A_146 = vector.load %arg3[%swap3A_144, %swap3A_145] : memref<1280x128xf32, #tpu.memory_space<vmem>>, vector<1280x128xf32>
    tpu.vector_store %arg3[%swap3A_144, %swap3A_145], %slice3A_143 {strides = array<i32>} : memref<1280x128xf32, #tpu.memory_space<vmem>>, vector<1280x128xf32>,
    return
  }
}

module attributes {stable_mosaic.version = 14 : i64} {
  func.func @_tc2_body(%arg0: memref<1280x128xf32, #tpu.memory_space<vmem>>, %arg1: memref<1280x128xf32, #tpu.memory_space<vmem>>, %arg2: memref<1280x128xf32, #tpu.memory_space<vmem>>, %arg3: memref<1280x128xf32, #tpu.memory_space<vmem>>, %arg4: memref<1280x128xf32, #tpu.memory_space<vmem>>, %arg5: memref<16xf32, #tpu.memory_space<vmem>>, %arg6: memref<16x14xf32, #tpu.memory_space<vmem>>, %arg7: memref<1280x128xf32, #tpu.memory_space<vmem>>, %arg8: memref<1280x128xf32, #tpu.memory_space<vmem>>) attributes {dimension_semantics = [], scalar_prefetch = 0 : i64, scratch_operands = 0 : i64, tpu.core_type = #tpu.core_type<tc>} {
    %get3A = arith.constant 0 : index
    %get3A_0 = arith.constant 0 : index
    %get3A_1 = vector.load %arg0[%get3A, %get3A_0] : memref<1280x128xf32, #tpu.memory_space<vmem>>, vector<1280x128xf32>
    %get3A_2 = arith.constant 0 : index
    %get3A_3 = arith.constant 0 : index
    %get3A_4 = vector.load %arg1[%get3A_2, %get3A_3] : memref<1280x128xf32, #tpu.memory_space<vmem>>, vector<1280x128xf32>
    %add3A = arith.addf %get3A_1, %get3A_4 : vector<1280x128xf32>
    %get3A_5 = arith.constant 0 : index
    %get3A_6 = arith.constant 0 : index
    %get3A_7 = vector.load %arg2[%get3A_5, %get3A_6] : memref<1280x128xf32, #tpu.memory_space<vmem>>, vector<1280x128xf32>
    %get3A_8 = arith.constant 0 : index
    %get3A_9 = arith.constant 0 : index
    %get3A_10 = vector.load %arg3[%get3A_8, %get3A_9] : memref<1280x128xf32, #tpu.memory_space<vmem>>, vector<1280x128xf32>
    %add3A_11 = arith.addf %get3A_7, %get3A_10 : vector<1280x128xf32>
    %max3A = arith.constant 1.000000e+00 : f32
    %max3A_12 = vector.broadcast %max3A : f32 to vector<1280x128xf32>
    %max3A_13 = arith.maximumf %add3A_11, %max3A_12 : vector<1280x128xf32>
    %get3A_14 = arith.constant 0 : index
    %get3A_15 = vector.load %arg5[%get3A_14] : memref<16xf32, #tpu.memory_space<vmem>>, vector<16xf32>
    %concatenate3A = tpu.concatenate %get3A_15, %get3A_15, %get3A_15, %get3A_15, %get3A_15, %get3A_15, %get3A_15, %get3A_15 in 0 : vector<16xf32>, vector<16xf32>, vector<16xf32>, vector<16xf32>, vector<16xf32>, vector<16xf32>, vector<16xf32>, vector<16xf32> -> vector<128xf32>
    %reshape3A = vector.shape_cast %concatenate3A : vector<128xf32> to vector<1x128xf32>
    %div3A = arith.divf %add3A, %max3A_13 : vector<1280x128xf32>
    %add3A_16 = vector.broadcast %reshape3A : vector<1x128xf32> to vector<1280x128xf32>
    %add3A_17 = arith.addf %div3A, %add3A_16 : vector<1280x128xf32>
    %get3A_18 = arith.constant 0 : index
    %get3A_19 = arith.constant 0 : index
    %get3A_20 = vector.load %arg4[%get3A_18, %get3A_19] : memref<1280x128xf32, #tpu.memory_space<vmem>>, vector<1280x128xf32>
    %add3A_21 = arith.addf %add3A_17, %get3A_20 : vector<1280x128xf32>
    %max3A_22 = arith.constant 0.000000e+00 : f32
    %max3A_23 = vector.broadcast %max3A_22 : f32 to vector<1280x128xf32>
    %max3A_24 = arith.maximumf %add3A_21, %max3A_23 : vector<1280x128xf32>
    %get3A_25 = arith.constant 0 : index
    %get3A_26 = arith.constant 0 : index
    %get3A_27 = vector.load %arg6[%get3A_25, %get3A_26] : memref<16x14xf32, #tpu.memory_space<vmem>>, vector<16x14xf32>
    %broadcast_in_dim3A = arith.constant 0.000000e+00 : f32
    %broadcast_in_dim3A_28 = vector.broadcast %broadcast_in_dim3A : f32 to vector<16x9xf32>
    %slice3A = vector.extract_strided_slice %get3A_27 {offsets = [0, 0], sizes = [16, 7], strides = [1, 1]} : vector<16x14xf32> to vector<16x7xf32>
    %concatenate3A_29 = tpu.concatenate %slice3A, %broadcast_in_dim3A_28 in 1 : vector<16x7xf32>, vector<16x9xf32> -> vector<16x16xf32>
    %broadcast_in_dim3A_30 = arith.constant 0.000000e+00 : f32
    %broadcast_in_dim3A_31 = vector.broadcast %broadcast_in_dim3A_30 : f32 to vector<16x112xf32>
    %concatenate3A_32 = tpu.concatenate %concatenate3A_29, %broadcast_in_dim3A_31 in 1 : vector<16x16xf32>, vector<16x112xf32> -> vector<16x128xf32>
    %broadcast_in_dim3A_33 = arith.constant 0.000000e+00 : f32
    %broadcast_in_dim3A_34 = vector.broadcast %broadcast_in_dim3A_33 : f32 to vector<16x16xf32>
    %broadcast_in_dim3A_35 = arith.constant 0.000000e+00 : f32
    %broadcast_in_dim3A_36 = vector.broadcast %broadcast_in_dim3A_35 : f32 to vector<16x96xf32>
    %concatenate3A_37 = tpu.concatenate %broadcast_in_dim3A_34, %concatenate3A_29, %broadcast_in_dim3A_36 in 1 : vector<16x16xf32>, vector<16x16xf32>, vector<16x96xf32> -> vector<16x128xf32>
    %broadcast_in_dim3A_38 = arith.constant 0.000000e+00 : f32
    %broadcast_in_dim3A_39 = vector.broadcast %broadcast_in_dim3A_38 : f32 to vector<16x32xf32>
    %broadcast_in_dim3A_40 = arith.constant 0.000000e+00 : f32
    %broadcast_in_dim3A_41 = vector.broadcast %broadcast_in_dim3A_40 : f32 to vector<16x80xf32>
    %concatenate3A_42 = tpu.concatenate %broadcast_in_dim3A_39, %concatenate3A_29, %broadcast_in_dim3A_41 in 1 : vector<16x32xf32>, vector<16x16xf32>, vector<16x80xf32> -> vector<16x128xf32>
    %broadcast_in_dim3A_43 = arith.constant 0.000000e+00 : f32
    %broadcast_in_dim3A_44 = vector.broadcast %broadcast_in_dim3A_43 : f32 to vector<16x48xf32>
    %broadcast_in_dim3A_45 = arith.constant 0.000000e+00 : f32
    %broadcast_in_dim3A_46 = vector.broadcast %broadcast_in_dim3A_45 : f32 to vector<16x64xf32>
    %concatenate3A_47 = tpu.concatenate %broadcast_in_dim3A_44, %concatenate3A_29, %broadcast_in_dim3A_46 in 1 : vector<16x48xf32>, vector<16x16xf32>, vector<16x64xf32> -> vector<16x128xf32>
    %broadcast_in_dim3A_48 = arith.constant 0.000000e+00 : f32
    %broadcast_in_dim3A_49 = vector.broadcast %broadcast_in_dim3A_48 : f32 to vector<16x64xf32>
    %broadcast_in_dim3A_50 = arith.constant 0.000000e+00 : f32
    %broadcast_in_dim3A_51 = vector.broadcast %broadcast_in_dim3A_50 : f32 to vector<16x48xf32>
    %concatenate3A_52 = tpu.concatenate %broadcast_in_dim3A_49, %concatenate3A_29, %broadcast_in_dim3A_51 in 1 : vector<16x64xf32>, vector<16x16xf32>, vector<16x48xf32> -> vector<16x128xf32>
    %broadcast_in_dim3A_53 = arith.constant 0.000000e+00 : f32
    %broadcast_in_dim3A_54 = vector.broadcast %broadcast_in_dim3A_53 : f32 to vector<16x80xf32>
    %broadcast_in_dim3A_55 = arith.constant 0.000000e+00 : f32
    %broadcast_in_dim3A_56 = vector.broadcast %broadcast_in_dim3A_55 : f32 to vector<16x32xf32>
    %concatenate3A_57 = tpu.concatenate %broadcast_in_dim3A_54, %concatenate3A_29, %broadcast_in_dim3A_56 in 1 : vector<16x80xf32>, vector<16x16xf32>, vector<16x32xf32> -> vector<16x128xf32>
    %broadcast_in_dim3A_58 = arith.constant 0.000000e+00 : f32
    %broadcast_in_dim3A_59 = vector.broadcast %broadcast_in_dim3A_58 : f32 to vector<16x96xf32>
    %broadcast_in_dim3A_60 = arith.constant 0.000000e+00 : f32
    %broadcast_in_dim3A_61 = vector.broadcast %broadcast_in_dim3A_60 : f32 to vector<16x16xf32>
    %concatenate3A_62 = tpu.concatenate %broadcast_in_dim3A_59, %concatenate3A_29, %broadcast_in_dim3A_61 in 1 : vector<16x96xf32>, vector<16x16xf32>, vector<16x16xf32> -> vector<16x128xf32>
    %broadcast_in_dim3A_63 = arith.constant 0.000000e+00 : f32
    %broadcast_in_dim3A_64 = vector.broadcast %broadcast_in_dim3A_63 : f32 to vector<16x112xf32>
    %concatenate3A_65 = tpu.concatenate %broadcast_in_dim3A_64, %concatenate3A_29 in 1 : vector<16x112xf32>, vector<16x16xf32> -> vector<16x128xf32>
    %concatenate3A_66 = tpu.concatenate %concatenate3A_32, %concatenate3A_37, %concatenate3A_42, %concatenate3A_47, %concatenate3A_52, %concatenate3A_57, %concatenate3A_62, %concatenate3A_65 in 0 : vector<16x128xf32>, vector<16x128xf32>, vector<16x128xf32>, vector<16x128xf32>, vector<16x128xf32>, vector<16x128xf32>, vector<16x128xf32>, vector<16x128xf32> -> vector<128x128xf32>
    %slice3A_67 = vector.extract_strided_slice %get3A_27 {offsets = [0, 7], sizes = [16, 7], strides = [1, 1]} : vector<16x14xf32> to vector<16x7xf32>
    %concatenate3A_68 = tpu.concatenate %slice3A_67, %broadcast_in_dim3A_28 in 1 : vector<16x7xf32>, vector<16x9xf32> -> vector<16x16xf32>
    %broadcast_in_dim3A_69 = arith.constant 0.000000e+00 : f32
    %broadcast_in_dim3A_70 = vector.broadcast %broadcast_in_dim3A_69 : f32 to vector<16x112xf32>
    %concatenate3A_71 = tpu.concatenate %concatenate3A_68, %broadcast_in_dim3A_70 in 1 : vector<16x16xf32>, vector<16x112xf32> -> vector<16x128xf32>
    %broadcast_in_dim3A_72 = arith.constant 0.000000e+00 : f32
    %broadcast_in_dim3A_73 = vector.broadcast %broadcast_in_dim3A_72 : f32 to vector<16x16xf32>
    %broadcast_in_dim3A_74 = arith.constant 0.000000e+00 : f32
    %broadcast_in_dim3A_75 = vector.broadcast %broadcast_in_dim3A_74 : f32 to vector<16x96xf32>
    %concatenate3A_76 = tpu.concatenate %broadcast_in_dim3A_73, %concatenate3A_68, %broadcast_in_dim3A_75 in 1 : vector<16x16xf32>, vector<16x16xf32>, vector<16x96xf32> -> vector<16x128xf32>
    %broadcast_in_dim3A_77 = arith.constant 0.000000e+00 : f32
    %broadcast_in_dim3A_78 = vector.broadcast %broadcast_in_dim3A_77 : f32 to vector<16x32xf32>
    %broadcast_in_dim3A_79 = arith.constant 0.000000e+00 : f32
    %broadcast_in_dim3A_80 = vector.broadcast %broadcast_in_dim3A_79 : f32 to vector<16x80xf32>
    %concatenate3A_81 = tpu.concatenate %broadcast_in_dim3A_78, %concatenate3A_68, %broadcast_in_dim3A_80 in 1 : vector<16x32xf32>, vector<16x16xf32>, vector<16x80xf32> -> vector<16x128xf32>
    %broadcast_in_dim3A_82 = arith.constant 0.000000e+00 : f32
    %broadcast_in_dim3A_83 = vector.broadcast %broadcast_in_dim3A_82 : f32 to vector<16x48xf32>
    %broadcast_in_dim3A_84 = arith.constant 0.000000e+00 : f32
    %broadcast_in_dim3A_85 = vector.broadcast %broadcast_in_dim3A_84 : f32 to vector<16x64xf32>
    %concatenate3A_86 = tpu.concatenate %broadcast_in_dim3A_83, %concatenate3A_68, %broadcast_in_dim3A_85 in 1 : vector<16x48xf32>, vector<16x16xf32>, vector<16x64xf32> -> vector<16x128xf32>
    %broadcast_in_dim3A_87 = arith.constant 0.000000e+00 : f32
    %broadcast_in_dim3A_88 = vector.broadcast %broadcast_in_dim3A_87 : f32 to vector<16x64xf32>
    %broadcast_in_dim3A_89 = arith.constant 0.000000e+00 : f32
    %broadcast_in_dim3A_90 = vector.broadcast %broadcast_in_dim3A_89 : f32 to vector<16x48xf32>
    %concatenate3A_91 = tpu.concatenate %broadcast_in_dim3A_88, %concatenate3A_68, %broadcast_in_dim3A_90 in 1 : vector<16x64xf32>, vector<16x16xf32>, vector<16x48xf32> -> vector<16x128xf32>
    %broadcast_in_dim3A_92 = arith.constant 0.000000e+00 : f32
    %broadcast_in_dim3A_93 = vector.broadcast %broadcast_in_dim3A_92 : f32 to vector<16x80xf32>
    %broadcast_in_dim3A_94 = arith.constant 0.000000e+00 : f32
    %broadcast_in_dim3A_95 = vector.broadcast %broadcast_in_dim3A_94 : f32 to vector<16x32xf32>
    %concatenate3A_96 = tpu.concatenate %broadcast_in_dim3A_93, %concatenate3A_68, %broadcast_in_dim3A_95 in 1 : vector<16x80xf32>, vector<16x16xf32>, vector<16x32xf32> -> vector<16x128xf32>
    %broadcast_in_dim3A_97 = arith.constant 0.000000e+00 : f32
    %broadcast_in_dim3A_98 = vector.broadcast %broadcast_in_dim3A_97 : f32 to vector<16x96xf32>
    %broadcast_in_dim3A_99 = arith.constant 0.000000e+00 : f32
    %broadcast_in_dim3A_100 = vector.broadcast %broadcast_in_dim3A_99 : f32 to vector<16x16xf32>
    %concatenate3A_101 = tpu.concatenate %broadcast_in_dim3A_98, %concatenate3A_68, %broadcast_in_dim3A_100 in 1 : vector<16x96xf32>, vector<16x16xf32>, vector<16x16xf32> -> vector<16x128xf32>
    %broadcast_in_dim3A_102 = arith.constant 0.000000e+00 : f32
    %broadcast_in_dim3A_103 = vector.broadcast %broadcast_in_dim3A_102 : f32 to vector<16x112xf32>
    %concatenate3A_104 = tpu.concatenate %broadcast_in_dim3A_103, %concatenate3A_68 in 1 : vector<16x112xf32>, vector<16x16xf32> -> vector<16x128xf32>
    %concatenate3A_105 = tpu.concatenate %concatenate3A_71, %concatenate3A_76, %concatenate3A_81, %concatenate3A_86, %concatenate3A_91, %concatenate3A_96, %concatenate3A_101, %concatenate3A_104 in 0 : vector<16x128xf32>, vector<16x128xf32>, vector<16x128xf32>, vector<16x128xf32>, vector<16x128xf32>, vector<16x128xf32>, vector<16x128xf32>, vector<16x128xf32> -> vector<128x128xf32>
    %dot_general3A = arith.constant dense<0.000000e+00> : vector<1280x128xf32>
    %dot_general3A_106 = tpu.matmul %max3A_24, %concatenate3A_66, %dot_general3A {dimension_numbers = #tpu.dot_dimension_numbers<[1], [0], [0], [1], [0, 0, 1, 1], [], []>, transpose_lhs_hint = false} : vector<1280x128xf32>, vector<128x128xf32>, vector<1280x128xf32> -> vector<1280x128xf32>
    %swap3A = arith.constant 0 : index
    %swap3A_107 = arith.constant 0 : index
    %swap3A_108 = vector.load %arg7[%swap3A, %swap3A_107] : memref<1280x128xf32, #tpu.memory_space<vmem>>, vector<1280x128xf32>
    tpu.vector_store %arg7[%swap3A, %swap3A_107], %dot_general3A_106 {strides = array<i32>} : memref<1280x128xf32, #tpu.memory_space<vmem>>, vector<1280x128xf32>,
    %dot_general3A_109 = arith.constant dense<0.000000e+00> : vector<1280x128xf32>
    %dot_general3A_110 = tpu.matmul %max3A_24, %concatenate3A_105, %dot_general3A_109 {dimension_numbers = #tpu.dot_dimension_numbers<[1], [0], [0], [1], [0, 0, 1, 1], [], []>, transpose_lhs_hint = false} : vector<1280x128xf32>, vector<128x128xf32>, vector<1280x128xf32> -> vector<1280x128xf32>
    %swap3A_111 = arith.constant 0 : index
    %swap3A_112 = arith.constant 0 : index
    %swap3A_113 = vector.load %arg8[%swap3A_111, %swap3A_112] : memref<1280x128xf32, #tpu.memory_space<vmem>>, vector<1280x128xf32>
    tpu.vector_store %arg8[%swap3A_111, %swap3A_112], %dot_general3A_110 {strides = array<i32>} : memref<1280x128xf32, #tpu.memory_space<vmem>>, vector<1280x128xf32>,
    return
  }
}

module attributes {stable_mosaic.version = 14 : i64} {
  func.func @_tc3_body(%arg0: memref<1280x128xf32, #tpu.memory_space<vmem>>, %arg1: memref<1280x128xf32, #tpu.memory_space<vmem>>, %arg2: memref<1280x128xf32, #tpu.memory_space<vmem>>, %arg3: memref<1280x128xf32, #tpu.memory_space<vmem>>, %arg4: memref<1280x128xf32, #tpu.memory_space<vmem>>, %arg5: memref<7xf32, #tpu.memory_space<vmem>>, %arg6: memref<10000x7xf32, #tpu.memory_space<vmem>>) attributes {dimension_semantics = [], scalar_prefetch = 0 : i64, scratch_operands = 0 : i64, tpu.core_type = #tpu.core_type<tc>} {
    %get3A = arith.constant 0 : index
    %get3A_0 = arith.constant 0 : index
    %get3A_1 = vector.load %arg0[%get3A, %get3A_0] : memref<1280x128xf32, #tpu.memory_space<vmem>>, vector<1280x128xf32>
    %get3A_2 = arith.constant 0 : index
    %get3A_3 = arith.constant 0 : index
    %get3A_4 = vector.load %arg1[%get3A_2, %get3A_3] : memref<1280x128xf32, #tpu.memory_space<vmem>>, vector<1280x128xf32>
    %add3A = arith.addf %get3A_1, %get3A_4 : vector<1280x128xf32>
    %get3A_5 = arith.constant 0 : index
    %get3A_6 = arith.constant 0 : index
    %get3A_7 = vector.load %arg2[%get3A_5, %get3A_6] : memref<1280x128xf32, #tpu.memory_space<vmem>>, vector<1280x128xf32>
    %get3A_8 = arith.constant 0 : index
    %get3A_9 = arith.constant 0 : index
    %get3A_10 = vector.load %arg3[%get3A_8, %get3A_9] : memref<1280x128xf32, #tpu.memory_space<vmem>>, vector<1280x128xf32>
    %add3A_11 = arith.addf %get3A_7, %get3A_10 : vector<1280x128xf32>
    %max3A = arith.constant 1.000000e+00 : f32
    %max3A_12 = vector.broadcast %max3A : f32 to vector<1280x128xf32>
    %max3A_13 = arith.maximumf %add3A_11, %max3A_12 : vector<1280x128xf32>
    %get3A_14 = arith.constant 0 : index
    %get3A_15 = vector.load %arg5[%get3A_14] : memref<7xf32, #tpu.memory_space<vmem>>, vector<7xf32>
    %broadcast_in_dim3A = arith.constant 0.000000e+00 : f32
    %broadcast_in_dim3A_16 = vector.broadcast %broadcast_in_dim3A : f32 to vector<9xf32>
    %concatenate3A = tpu.concatenate %get3A_15, %broadcast_in_dim3A_16 in 0 : vector<7xf32>, vector<9xf32> -> vector<16xf32>
    %concatenate3A_17 = tpu.concatenate %concatenate3A, %concatenate3A, %concatenate3A, %concatenate3A, %concatenate3A, %concatenate3A, %concatenate3A, %concatenate3A in 0 : vector<16xf32>, vector<16xf32>, vector<16xf32>, vector<16xf32>, vector<16xf32>, vector<16xf32>, vector<16xf32>, vector<16xf32> -> vector<128xf32>
    %reshape3A = vector.shape_cast %concatenate3A_17 : vector<128xf32> to vector<1x128xf32>
    %div3A = arith.divf %add3A, %max3A_13 : vector<1280x128xf32>
    %add3A_18 = vector.broadcast %reshape3A : vector<1x128xf32> to vector<1280x128xf32>
    %add3A_19 = arith.addf %div3A, %add3A_18 : vector<1280x128xf32>
    %get3A_20 = arith.constant 0 : index
    %get3A_21 = arith.constant 0 : index
    %get3A_22 = vector.load %arg4[%get3A_20, %get3A_21] : memref<1280x128xf32, #tpu.memory_space<vmem>>, vector<1280x128xf32>
    %add3A_23 = arith.addf %add3A_19, %get3A_22 : vector<1280x128xf32>
    %iota3A = tpu.iota {dimensions = array<i32: 0>} : vector<128x64xi32>
    %iota3A_24 = tpu.iota {dimensions = array<i32: 1>} : vector<128x64xi32>
    %jit3A = arith.constant 16 : i32
    %eq3A = arith.constant 0 : i32
    %eq3A_25 = arith.cmpi eq, %jit3A, %eq3A : i32
    %jit3A_26 = arith.constant 1 : i32
    %select_n3A = arith.select %eq3A_25, %jit3A_26, %jit3A : i32
    %rem3A = vector.broadcast %select_n3A : i32 to vector<128x64xi32>
    %rem3A_27 = arith.remsi %iota3A, %rem3A : vector<128x64xi32>
    %ne3A = arith.constant 0 : i32
    %ne3A_28 = vector.broadcast %ne3A : i32 to vector<128x64xi32>
    %ne3A_29 = arith.cmpi ne, %rem3A_27, %ne3A_28 : vector<128x64xi32>
    %lt3A = arith.constant 0 : i32
    %lt3A_30 = vector.broadcast %lt3A : i32 to vector<128x64xi32>
    %lt3A_31 = arith.cmpi slt, %rem3A_27, %lt3A_30 : vector<128x64xi32>
    %lt3A_32 = arith.constant 0 : i32
    %lt3A_33 = arith.cmpi slt, %select_n3A, %lt3A_32 : i32
    %ne3A_34 = vector.broadcast %lt3A_33 : i1 to vector<128x64xi1>
    %ne3A_35 = vector.broadcast %ne3A_34 : vector<128x64xi1> to vector<128x64xi1>
    %ne3A_36 = arith.xori %lt3A_31, %ne3A_35 : vector<128x64xi1>
    %and3A = arith.andi %ne3A_36, %ne3A_29 : vector<128x64xi1>
    %add3A_37 = vector.broadcast %select_n3A : i32 to vector<128x64xi32>
    %add3A_38 = arith.addi %rem3A_27, %add3A_37 : vector<128x64xi32>
    %select_n3A_39 = arith.select %and3A, %add3A_38, %rem3A_27 : vector<128x64xi1>, vector<128x64xi32>
    %jit3A_40 = arith.constant 8 : i32
    %eq3A_41 = arith.constant 0 : i32
    %eq3A_42 = arith.cmpi eq, %jit3A_40, %eq3A_41 : i32
    %jit3A_43 = arith.constant 1 : i32
    %select_n3A_44 = arith.select %eq3A_42, %jit3A_43, %jit3A_40 : i32
    %rem3A_45 = vector.broadcast %select_n3A_44 : i32 to vector<128x64xi32>
    %rem3A_46 = arith.remsi %iota3A_24, %rem3A_45 : vector<128x64xi32>
    %ne3A_47 = arith.constant 0 : i32
    %ne3A_48 = vector.broadcast %ne3A_47 : i32 to vector<128x64xi32>
    %ne3A_49 = arith.cmpi ne, %rem3A_46, %ne3A_48 : vector<128x64xi32>
    %lt3A_50 = arith.constant 0 : i32
    %lt3A_51 = vector.broadcast %lt3A_50 : i32 to vector<128x64xi32>
    %lt3A_52 = arith.cmpi slt, %rem3A_46, %lt3A_51 : vector<128x64xi32>
    %lt3A_53 = arith.constant 0 : i32
    %lt3A_54 = arith.cmpi slt, %select_n3A_44, %lt3A_53 : i32
    %ne3A_55 = vector.broadcast %lt3A_54 : i1 to vector<128x64xi1>
    %ne3A_56 = vector.broadcast %ne3A_55 : vector<128x64xi1> to vector<128x64xi1>
    %ne3A_57 = arith.xori %lt3A_52, %ne3A_56 : vector<128x64xi1>
    %and3A_58 = arith.andi %ne3A_57, %ne3A_49 : vector<128x64xi1>
    %add3A_59 = vector.broadcast %select_n3A_44 : i32 to vector<128x64xi32>
    %add3A_60 = arith.addi %rem3A_46, %add3A_59 : vector<128x64xi32>
    %select_n3A_61 = arith.select %and3A_58, %add3A_60, %rem3A_46 : vector<128x64xi1>, vector<128x64xi32>
    %eq3A_62 = arith.cmpi eq, %select_n3A_39, %select_n3A_61 : vector<128x64xi32>
    %jit3A_63 = arith.constant 16 : i32
    %div3A_64 = vector.broadcast %jit3A_63 : i32 to vector<128x64xi32>
    %div3A_65 = arith.divsi %iota3A, %div3A_64 : vector<128x64xi32>
    %sign3A = arith.constant 0 : i32
    %sign3A_66 = vector.broadcast %sign3A : i32 to vector<128x64xi32>
    %sign3A_67 = arith.cmpi sgt, %iota3A, %sign3A_66 : vector<128x64xi32>
    %sign3A_68 = arith.extui %sign3A_67 : vector<128x64xi1> to vector<128x64xi32>
    %sign3A_69 = arith.constant 0 : i32
    %sign3A_70 = vector.broadcast %sign3A_69 : i32 to vector<128x64xi32>
    %sign3A_71 = arith.cmpi slt, %iota3A, %sign3A_70 : vector<128x64xi32>
    %sign3A_72 = arith.extui %sign3A_71 : vector<128x64xi1> to vector<128x64xi32>
    %sign3A_73 = arith.subi %sign3A_68, %sign3A_72 : vector<128x64xi32>
    %sign3A_74 = arith.constant 0 : i32
    %sign3A_75 = arith.cmpi sgt, %jit3A_63, %sign3A_74 : i32
    %sign3A_76 = arith.extui %sign3A_75 : i1 to i32
    %sign3A_77 = arith.constant 0 : i32
    %sign3A_78 = arith.cmpi slt, %jit3A_63, %sign3A_77 : i32
    %sign3A_79 = arith.extui %sign3A_78 : i1 to i32
    %sign3A_80 = arith.subi %sign3A_76, %sign3A_79 : i32
    %ne3A_81 = vector.broadcast %sign3A_80 : i32 to vector<128x64xi32>
    %ne3A_82 = arith.cmpi ne, %sign3A_73, %ne3A_81 : vector<128x64xi32>
    %rem3A_83 = vector.broadcast %jit3A_63 : i32 to vector<128x64xi32>
    %rem3A_84 = arith.remsi %iota3A, %rem3A_83 : vector<128x64xi32>
    %ne3A_85 = arith.constant 0 : i32
    %ne3A_86 = vector.broadcast %ne3A_85 : i32 to vector<128x64xi32>
    %ne3A_87 = arith.cmpi ne, %rem3A_84, %ne3A_86 : vector<128x64xi32>
    %and3A_88 = arith.andi %ne3A_82, %ne3A_87 : vector<128x64xi1>
    %sub3A = arith.constant 1 : i32
    %sub3A_89 = vector.broadcast %sub3A : i32 to vector<128x64xi32>
    %sub3A_90 = arith.subi %div3A_65, %sub3A_89 : vector<128x64xi32>
    %select_n3A_91 = arith.select %and3A_88, %sub3A_90, %div3A_65 : vector<128x64xi1>, vector<128x64xi32>
    %jit3A_92 = arith.constant 8 : i32
    %div3A_93 = vector.broadcast %jit3A_92 : i32 to vector<128x64xi32>
    %div3A_94 = arith.divsi %iota3A_24, %div3A_93 : vector<128x64xi32>
    %sign3A_95 = arith.constant 0 : i32
    %sign3A_96 = vector.broadcast %sign3A_95 : i32 to vector<128x64xi32>
    %sign3A_97 = arith.cmpi sgt, %iota3A_24, %sign3A_96 : vector<128x64xi32>
    %sign3A_98 = arith.extui %sign3A_97 : vector<128x64xi1> to vector<128x64xi32>
    %sign3A_99 = arith.constant 0 : i32
    %sign3A_100 = vector.broadcast %sign3A_99 : i32 to vector<128x64xi32>
    %sign3A_101 = arith.cmpi slt, %iota3A_24, %sign3A_100 : vector<128x64xi32>
    %sign3A_102 = arith.extui %sign3A_101 : vector<128x64xi1> to vector<128x64xi32>
    %sign3A_103 = arith.subi %sign3A_98, %sign3A_102 : vector<128x64xi32>
    %sign3A_104 = arith.constant 0 : i32
    %sign3A_105 = arith.cmpi sgt, %jit3A_92, %sign3A_104 : i32
    %sign3A_106 = arith.extui %sign3A_105 : i1 to i32
    %sign3A_107 = arith.constant 0 : i32
    %sign3A_108 = arith.cmpi slt, %jit3A_92, %sign3A_107 : i32
    %sign3A_109 = arith.extui %sign3A_108 : i1 to i32
    %sign3A_110 = arith.subi %sign3A_106, %sign3A_109 : i32
    %ne3A_111 = vector.broadcast %sign3A_110 : i32 to vector<128x64xi32>
    %ne3A_112 = arith.cmpi ne, %sign3A_103, %ne3A_111 : vector<128x64xi32>
    %rem3A_113 = vector.broadcast %jit3A_92 : i32 to vector<128x64xi32>
    %rem3A_114 = arith.remsi %iota3A_24, %rem3A_113 : vector<128x64xi32>
    %ne3A_115 = arith.constant 0 : i32
    %ne3A_116 = vector.broadcast %ne3A_115 : i32 to vector<128x64xi32>
    %ne3A_117 = arith.cmpi ne, %rem3A_114, %ne3A_116 : vector<128x64xi32>
    %and3A_118 = arith.andi %ne3A_112, %ne3A_117 : vector<128x64xi1>
    %sub3A_119 = arith.constant 1 : i32
    %sub3A_120 = vector.broadcast %sub3A_119 : i32 to vector<128x64xi32>
    %sub3A_121 = arith.subi %div3A_94, %sub3A_120 : vector<128x64xi32>
    %select_n3A_122 = arith.select %and3A_118, %sub3A_121, %div3A_94 : vector<128x64xi1>, vector<128x64xi32>
    %eq3A_123 = arith.cmpi eq, %select_n3A_91, %select_n3A_122 : vector<128x64xi32>
    %and3A_124 = arith.andi %eq3A_62, %eq3A_123 : vector<128x64xi1>
    %convert_element_type3A = arith.extui %and3A_124 : vector<128x64xi1> to vector<128x64xi32>
    %convert_element_type3A_125 = arith.sitofp %convert_element_type3A : vector<128x64xi32> to vector<128x64xf32>
    %dot_general3A = arith.constant dense<0.000000e+00> : vector<1280x64xf32>
    %dot_general3A_126 = tpu.matmul %add3A_23, %convert_element_type3A_125, %dot_general3A {dimension_numbers = #tpu.dot_dimension_numbers<[1], [0], [0], [1], [0, 0, 1, 1], [], []>, transpose_lhs_hint = false} : vector<1280x128xf32>, vector<128x64xf32>, vector<1280x64xf32> -> vector<1280x64xf32>
    %slice3A = vector.extract_strided_slice %dot_general3A_126 {offsets = [0, 0], sizes = [1280, 8], strides = [1, 1]} : vector<1280x64xf32> to vector<1280x8xf32>
    %broadcast_in_dim3A_127 = vector.shape_cast %slice3A : vector<1280x8xf32> to vector<1280x1x8xf32>
    %slice3A_128 = vector.extract_strided_slice %dot_general3A_126 {offsets = [0, 8], sizes = [1280, 8], strides = [1, 1]} : vector<1280x64xf32> to vector<1280x8xf32>
    %broadcast_in_dim3A_129 = vector.shape_cast %slice3A_128 : vector<1280x8xf32> to vector<1280x1x8xf32>
    %slice3A_130 = vector.extract_strided_slice %dot_general3A_126 {offsets = [0, 16], sizes = [1280, 8], strides = [1, 1]} : vector<1280x64xf32> to vector<1280x8xf32>
    %broadcast_in_dim3A_131 = vector.shape_cast %slice3A_130 : vector<1280x8xf32> to vector<1280x1x8xf32>
    %slice3A_132 = vector.extract_strided_slice %dot_general3A_126 {offsets = [0, 24], sizes = [1280, 8], strides = [1, 1]} : vector<1280x64xf32> to vector<1280x8xf32>
    %broadcast_in_dim3A_133 = vector.shape_cast %slice3A_132 : vector<1280x8xf32> to vector<1280x1x8xf32>
    %slice3A_134 = vector.extract_strided_slice %dot_general3A_126 {offsets = [0, 32], sizes = [1280, 8], strides = [1, 1]} : vector<1280x64xf32> to vector<1280x8xf32>
    %broadcast_in_dim3A_135 = vector.shape_cast %slice3A_134 : vector<1280x8xf32> to vector<1280x1x8xf32>
    %slice3A_136 = vector.extract_strided_slice %dot_general3A_126 {offsets = [0, 40], sizes = [1280, 8], strides = [1, 1]} : vector<1280x64xf32> to vector<1280x8xf32>
    %broadcast_in_dim3A_137 = vector.shape_cast %slice3A_136 : vector<1280x8xf32> to vector<1280x1x8xf32>
    %slice3A_138 = vector.extract_strided_slice %dot_general3A_126 {offsets = [0, 48], sizes = [1280, 8], strides = [1, 1]} : vector<1280x64xf32> to vector<1280x8xf32>
    %broadcast_in_dim3A_139 = vector.shape_cast %slice3A_138 : vector<1280x8xf32> to vector<1280x1x8xf32>
    %slice3A_140 = vector.extract_strided_slice %dot_general3A_126 {offsets = [0, 56], sizes = [1280, 8], strides = [1, 1]} : vector<1280x64xf32> to vector<1280x8xf32>
    %broadcast_in_dim3A_141 = vector.shape_cast %slice3A_140 : vector<1280x8xf32> to vector<1280x1x8xf32>
    %concatenate3A_142 = tpu.concatenate %broadcast_in_dim3A_127, %broadcast_in_dim3A_129, %broadcast_in_dim3A_131, %broadcast_in_dim3A_133, %broadcast_in_dim3A_135, %broadcast_in_dim3A_137, %broadcast_in_dim3A_139, %broadcast_in_dim3A_141 in 1 : vector<1280x1x8xf32>, vector<1280x1x8xf32>, vector<1280x1x8xf32>, vector<1280x1x8xf32>, vector<1280x1x8xf32>, vector<1280x1x8xf32>, vector<1280x1x8xf32>, vector<1280x1x8xf32> -> vector<1280x8x8xf32>
    %reshape3A_143 = vector.shape_cast %concatenate3A_142 : vector<1280x8x8xf32> to vector<10240x8xf32>
    %slice3A_144 = vector.extract_strided_slice %reshape3A_143 {offsets = [0, 0], sizes = [10000, 7], strides = [1, 1]} : vector<10240x8xf32> to vector<10000x7xf32>
    %swap3A = arith.constant 0 : index
    %swap3A_145 = arith.constant 0 : index
    %swap3A_146 = vector.load %arg6[%swap3A, %swap3A_145] : memref<10000x7xf32, #tpu.memory_space<vmem>>, vector<10000x7xf32>
    tpu.vector_store %arg6[%swap3A, %swap3A_145], %slice3A_144 {strides = array<i32>} : memref<10000x7xf32, #tpu.memory_space<vmem>>, vector<10000x7xf32>,
    return
  }
}

</mosaic_0001>

<sc_bundles>
// kernel: sc_edge_pass_deg0.3.cloned.1.call-start
scs
__scs_entry_jumppad:
0x0: {  	(pc) =	sbr.rel $0x88, $3  }
0x1: {  	(tag) =	ssettag $0x0;
	lr =	simm.s32 $0x1  }
0x2: {  	[smem:$0x3F99] =	sst lr;
	_ =	strace $0xD0000000  }
0x3: {  	_ = 	snop  }
0x4: {  	_ = 	snop  }
0x5: {  	_ = 	snop  }
0x6: {  	_ = 	snop  }
0x7: {  	_ = 	snop  }
__scs_overlays_trampoline_lowered:
0x8: {  	[smem:$0x3FA8] =	sst s0  }
0x9: {  	[smem:$0x3FA9] =	sst s1  }
0xa: {  	[smem:$0x3FAA] =	sst s2  }
0xb: {  	[smem:$0x3FAB] =	sst s3  }
0xc: {  	[smem:$0x3FAC] =	sst s4  }
0xd: {  	[smem:$0x3FAD] =	sst s5  }
0xe: {  	[smem:$0x3FAE] =	sst s6  }
0xf: {  	[smem:$0x3FAF] =	sst s7  }
0x10: {  	[smem:$0x3FB0] =	sst s8  }
0x11: {  	[smem:$0x3FB1] =	sst s9;
	s0 =	simm.s32 @!p0 $0x0  }
0x12: {  	s1 =	sld [smem:$0x3F97];
	s0 =	simm.s32 @p0 $0x1  }
0x13: {  	[smem:$0x3FB2] =	sst s0;
	s0 =	simm.s32 @!p1 $0x0  }
0x14: {  	s2 =	sld [smem:$0x3F96];
	s0 =	simm.s32 @p1 $0x1  }
0x15: {  	[smem:$0x3FB3] =	sst s0;
	s0 =	simm.s32 @!p2 $0x0  }
0x16: {  	s3 =	sld [smem:$0x3FDB];
	s0 =	simm.s32 @p2 $0x1  }
0x17: {  	s4 =	simm.s32 $0x1BF5;
	[smem:$0x3FB5] =	sst s0  }
0x18: {  	s0 =	sld [smem:$0x3F98];
	_ =	swait.ge [sflag:s4], $0x0  }
0x19: {  	s7 =	sld [smem:$0x3F99]  }
0x1a: {  	s8 =	sadd.s32 $0xFFFFE003, lr  }
0x1b: {  	s9 =	sadd.s32 $0xFFFFFEF7, lr;
	s5 =	simm.s32 $0xFFFFFFFF;
	p2 =	slt.u32 s8, $0xFFFFF086  }
0x1c: {  	p1 =	slt.u32 s9, $0xF7A;
	s5 =	simm.s32 @!p2 $0x0  }
0x1d: {  	s5 =	simm.s32 @p1 $0x1;
	p0 =	seq.s32 s7, s2  }
0x1e: {  	s7 =	smul.u32 @!p0 $0xF7A, s2;
	p2 =	seq.s32 @!p0 s5, $0x0  }
0x1f: {  	s9 =	smul.u32 $0xF7A, s1;
	s8 =	simm.s32 @!p0 $0x1BF5;
	p2 =	por !p2, p0  }
0x20: {  	[sflag:s8] =	ssyncset.s32 @!p0 $0xFFFFF086;
	s6 =	sadd.s32 @!p0 s3, s7;
	s7 =	simm.s32 @!p0 $0x108  }
0x21: {  	s3 =	sadd.s32 s3, s9;
	s6 =	sadd.s32 @!p0 $0x88, s6;
	s7 =	simm.s32 @p2 $0x1082  }
0x22: {  	[simem:s7], [sflag:s8] =	dma.local @!p0 [hbm:s6], $0xF7A  }
0x23: {  	s9 =	sor.u32 $0xD0000000, s2;
	s6 =	simm.s32 $0x108;
	_ =	swait.ge @!p0 [sflag:s8], $0x0  }
0x24: {  	s3 =	sadd.s32 $0x88, s3;
	s6 =	simm.s32 @!p1 $0x1082;
	[sflag:s4] =	ssyncset.s32 $0xFFFFF086  }
0x25: {  	[simem:s6], [sflag:s4] =	dma.local [hbm:s3], $0xF7A  }
0x26: {  	[smem:$0x3F99] =	sst s1;
	(tag) =	ssettag s2;
	_ =	strace s9  }
0x27: {  	s1 =	sld [smem:$0x3FA9]  }
0x28: {  	s2 =	sld [smem:$0x3FAA]  }
0x29: {  	s4 =	sld [smem:$0x3FAC]  }
0x2a: {  	p0 =	seq.s32 s5, $0x0;
	s5 =	sld [smem:$0x3FAD]  }
0x2b: {  	s6 =	sld [smem:$0x3FAE]  }
0x2c: {  	s7 =	sld [smem:$0x3FAF]  }
0x2d: {  	s3 =	simm.s32 $0x108;
	s8 =	sld [smem:$0x3FB0]  }
0x2e: {  	s3 =	simm.s32 @!p0 $0x1082;
	s9 =	sld [smem:$0x3FB1]  }
0x2f: {  	lr =	sadd.s32 s0, s3;
	s0 =	sld [smem:$0x3FA8]  }
0x30: {  	s3 =	sld [smem:$0x3FAB]  }
0x31: {  	[smem:$0x3FB4] =	sst s10  }
0x32: {  	s10 =	sld [smem:$0x3FB2];
	_ =	sdelay $0x3  }
0x33: {  	p0 =	seq.s32 s10, $0x1;
	s10 =	sld [smem:$0x3FB4];
	_ =	sdelay $0x3  }
0x34: {  	[smem:$0x3FB4] =	sst s10  }
0x35: {  	s10 =	sld [smem:$0x3FB3];
	_ =	sdelay $0x3  }
0x36: {  	p1 =	seq.s32 s10, $0x1;
	s10 =	sld [smem:$0x3FB4];
	_ =	sdelay $0x3  }
0x37: {  	[smem:$0x3FB4] =	sst s10  }
0x38: {  	s10 =	sld [smem:$0x3FB5]  }
0x39: {  	_ = 	snop;
	(pc) =	sbr.ind lr, $3  }
0x3a: {  	_ = 	snop  }
0x3b: {  	_ = 	snop  }
0x3c: {  	p2 =	seq.s32 s10, $0x1;
	s10 =	sld [smem:$0x3FB4]  }
0x3d: {  	_ =	shalt  }
0x3e: {  	_ =	shalt  }
0x3f: {  	_ =	shalt  }
0x40: {  	_ =	shalt  }
0x41: {  	_ =	shalt  }
0x42: {  	_ =	shalt  }
0x43: {  	_ =	shalt  }
0x44: {  	_ =	shalt  }
0x45: {  	_ =	shalt  }
0x46: {  	_ =	shalt  }
0x47: {  	_ =	shalt  }
0x48: {  	_ =	shalt  }
0x49: {  	_ =	shalt  }
0x4a: {  	_ =	shalt  }
0x4b: {  	_ =	shalt  }
0x4c: {  	_ =	shalt  }
0x4d: {  	_ =	shalt  }
0x4e: {  	_ =	shalt  }
0x4f: {  	_ =	shalt  }
0x50: {  	_ =	shalt  }
0x51: {  	_ =	shalt  }
0x52: {  	_ =	shalt  }
0x53: {  	_ =	shalt  }
0x54: {  	_ =	shalt  }
0x55: {  	_ =	shalt  }
0x56: {  	_ =	shalt  }
0x57: {  	_ =	shalt  }
0x58: {  	_ =	shalt  }
0x59: {  	_ =	shalt  }
0x5a: {  	_ =	shalt  }
0x5b: {  	_ =	shalt  }
0x5c: {  	_ =	shalt  }
0x5d: {  	_ =	shalt  }
0x5e: {  	_ =	shalt  }
0x5f: {  	_ =	shalt  }
0x60: {  	_ =	shalt  }
0x61: {  	_ =	shalt  }
0x62: {  	_ =	shalt  }
0x63: {  	_ =	shalt  }
0x64: {  	_ =	shalt  }
0x65: {  	_ =	shalt  }
0x66: {  	_ =	shalt  }
0x67: {  	_ =	shalt  }
0x68: {  	_ =	shalt  }
0x69: {  	_ =	shalt  }
0x6a: {  	_ =	shalt  }
0x6b: {  	_ =	shalt  }
0x6c: {  	_ =	shalt  }
0x6d: {  	_ =	shalt  }
0x6e: {  	_ =	shalt  }
0x6f: {  	_ =	shalt  }
0x70: {  	_ =	shalt  }
0x71: {  	_ =	shalt  }
0x72: {  	_ =	shalt  }
0x73: {  	_ =	shalt  }
0x74: {  	_ =	shalt  }
0x75: {  	_ =	shalt  }
0x76: {  	_ =	shalt  }
0x77: {  	_ =	shalt  }
0x78: {  	_ =	shalt  }
0x79: {  	_ =	shalt  }
0x7a: {  	_ =	shalt  }
0x7b: {  	_ =	shalt  }
0x7c: {  	_ =	shalt  }
0x7d: {  	_ =	shalt  }
0x7e: {  	_ =	shalt  }
0x7f: {  	_ =	shalt  }
0x80: {  	_ =	shalt  }
0x81: {  	_ =	shalt  }
0x82: {  	_ =	shalt  }
0x83: {  	_ =	shalt  }
0x84: {  	_ =	shalt  }
0x85: {  	_ =	shalt  }
0x86: {  	_ =	shalt  }
0x87: {  	_ =	shalt  }
.Lfunc_end0:
.L_simem_size_0:
called_computation.1_lowered:
.L_overlay_start_0:
0x88: {  	s2 =	sld [smem:$0x3FD9]  }
0x89: {  	s3 =	sld [smem:$0x3FFE];
	_ =	sdelay $0x1  }
0x8a: {  	s1 =	srdreg.scid  }
0x8b: {  	s0 =	sand.u32 $0x1, s1  }
0x8c: {  	s17 =	sshll.u32 s0, $0xA;
	s2 =	sadd.s32 s3, s2  }
0x8d: {  	s2 =	sadd.s32 s2, s17  }
0x8e: {  	[smem:$0x3FC0] =	sst s2  }
0x8f: {  	_ = 	snop  }
0x90: {  	s2 =	sld [smem:$0x3FC8];
	(tm) =	ssettm $0x1  }
0x91: {  	s18 =	sld [smem:$0x3FFB];
	_ =	sdelay $0x3  }
0x92: {  	_ =	strace s18  }
0x93: {  	s3 =	sld [smem:$0x3FFC];
	_ =	sdelay $0x3  }
0x94: {  	_ =	strace s3  }
0x95: {  	s3 =	sld [smem:$0x3FFD];
	_ =	sdelay $0x3  }
0x96: {  	_ =	strace s3  }
0x97: {  	_ =	strace $0x8FFFFFFF  }
0x98: {  	s19 =	sld [smem:$0x3FDB];
	_ =	sdelay $0x1  }
0x99: {  	s4 =	simm.s32 $_scs_section_size  }
0x9a: {  	s5 =	simm.s32 $_size__tile_overlayer_lowered;
	s6 =	simm.s32 $_tile_overlayer_lowered  }
0x9b: {  	s22 =	simm.s32 $0x1BFF;
	s21 =	sshll.u32 s6, $0x1;
	s3 =	sadd.s32 s4, s19  }
0x9c: {  	s7 =	simm.s32 $0x0;
	s20 =	sshll.u32 s5, $0x1;
	s5 =	sadd.s32 s21, s3  }
0x9d: {  	[timem:s7], [sflag:s22] =	dma.local [hbm:s5], s20  }
0x9e: {  	_ =	swait.ge [sflag:s22], s20  }
0x9f: {  	s4 =	ssub.s32 $0x0, s20;
	[sflag:s22] =	ssyncset.done $0x0  }
0xa0: {  	[sflag:s22] =	ssyncadd.s32 s4;
	_ =	sdelay $0x1  }
0xa1: {  	s23 =	simm.s32 $0x1B8B  }
0xa2: {  	_ =	swait.ge [sflag:s23], $0x1  }
0xa3: {  	[sflag:s23] =	ssyncset.done $0x0  }
0xa4: {  	s25 =	simm.s32 $0x1B8E;
	s24 =	sld [smem:$0x3FFE];
	[sflag:s23] =	ssyncadd.s32 $0xFFFFFFFF  }
0xa5: {  	s26 =	simm.s32 $execute0_lowered;
	[smem:$0x3FD2] =	sst s25  }
0xa6: {  	s5 =	sshll.u32 s26, $0x1;
	_ =	strace $0x80000049;
	[dreg:$0x1] =	wrdreg $0xFFFFFFFF  }
0xa7: {  	s28 =	simm.s32 $_size_execute0_lowered;
	s3 =	sadd.s32 s3, s5;
	[dreg:$0x0] =	wrdreg $0x0  }
0xa8: {  	s5 =	sshll.u32 s28, $0x1;
	[dreg:$0x2] =	wrdreg s3  }
0xa9: {  	[dreg:$0x3] =	wrdreg s5  }
0xaa: {  	[dreg:$0x4] =	wrdreg $0xC0  }
0xab: {  	_ =	task [dreg:s7], $0x5FFFF  }
0xac: {  	[dreg:$0x1] =	wrdreg $0xFFFFFFFF  }
0xad: {  	[dreg:$0x0] =	wrdreg $0x60  }
0xae: {  	[dreg:$0x2] =	wrdreg s24  }
0xaf: {  	[dreg:$0x3] =	wrdreg s2  }
0xb0: {  	[dreg:$0x4] =	wrdreg $0x9F000  }
0xb1: {  	[dreg:$0x5] =	wrdreg $0x77000  }
0xb2: {  	[dreg:$0x6] =	wrdreg $0x9  }
0xb3: {  	_ =	task.clear_ibuf [dreg:s7], $0x7FFFF;
	_ =	strace $0x90000049  }
0xb4: {  	s29 =	simm.s32 $0x9;
	_ =	strace $0x8000004B  }
0xb5: {  	_ =	swait.ge [sflag:s29], $0x1  }
0xb6: {  	[sflag:s29] =	ssyncadd.s32 $0xFFFFFFFF  }
0xb7: {  	_ =	strace $0x9000004B  }
0xb8: {  	_ =	sfence  }
0xb9: {  	s30 =	sld [smem:$0x0];
	_ =	sdelay $0x2  }
0xba: {  	s31 =	sshll.u32 s1, $0xD;
	s1 =	sshrl.u32 s1, $0x2  }
0xbb: {  	s3 =	sand.u32 $0x4000, s31;
	s1 =	sadd.s32 s1, s30  }
0xbc: {  	s0 =	sor.u32 s3, s0;
	s1 =	sshll.u32 s1, $0x11  }
0xbd: {  	s0 =	sor.u32 s1, s0  }
0xbe: {  	s0 =	sadd.s32 $0x8F2B, s0  }
0xbf: {  	[sflag:s0] =	ssyncadd.remote.s32 $0x1  }
0xc0: {  	_ =	sfence.sel $0xFFFF  }
0xc1: {  	[dreg:$0x0] =	wrdreg $0xFFFFFFFF;
	(pc) =	sbr.abs _section_cstart, $3  }
0xc2: {  	[dreg:$0x1] =	wrdreg $0xFFFFFFFF  }
0xc3: {  	_ =	task.clear_ibuf [dreg:s7], $0x2FFFF;
	_ =	strace $0x9FFFFFFF  }
0xc4: {  	(tm) =	ssettm $0x7FFFFFFF  }
0xc5: {  	_ =	shalt  }
tec
execute0_lowered:
.L_overlay_start_1:
0x0: {  	(tag) =	ssettag $0x1  }
0x1: {  	s0 =	rddreg [dreg:$0x0]  }
0x2: {  	s1 =	rddreg [dreg:$0x1]  }
0x3: {  	s2 =	rddreg [dreg:$0x2];
	s18 =	stileid.u32  }
0x4: {  	s3 =	rddreg [dreg:$0x3];
	s6 =	simm.s32 $0x0;
	s5 =	srdreg.scid  }
0x5: {  	s19 =	simm.s32 $0x1;
	s20 =	simm.s32 $0x2;
	s21 =	simm.s32 $0x5  }
0x6: {  	s22 =	simm.s32 $0x6;
	s29 =	simm.s32 $0x5700;
	s31 =	simm.s32 $0x5F00  }
0x7: {  	s30 =	simm.s32 $0x3;
	s28 =	simm.s32 $0x4;
	s4 =	smul.u32 $0x2800, s18  }
0x8: {  	[smem:$0x7FF] =	sst s6;
	s7 =	sand.u32 $0x1, s5;
	s8 =	sshll.u32 s18, $0x1  }
0x9: {  	s9 =	smul.u32 $0xA000, s18;
	_ =	strace $0x8000004A;
	s5 =	ssub.s32 $0x2, s7  }
0xa: {  	s13 =	sor.u32 s7, s8;
	p0 =	seq.s32 s7, $0x1;
	s23 =	sshrl.u32 s4, $0x3  }
0xb: {  	s24 =	sshrl.u32 s5, $0x1;
	s17 =	sadd.s32 s4, s2;
	s8 =	smul.u32 $0x9C0, s13  }
0xc: {  	s9 =	sshrl.u32 s9, $0x2;
	s26 =	sshll.u32 s13, $0x5;
	s0 =	sadd.s32 s23, s0  }
0xd: {  	s6 =	ssub.s32 s5, s24;
	s5 =	sshll.u32 s18, $0x6;
	s14 =	sadd.s32 s9, s3  }
0xe: {  	s9 =	sadd.s32 s4, s3;
	s4 =	simm.s32 $0xD200;
	s17 =	sshrl.u32 s17, $0x3  }
0xf: {  	s23 =	simm.s32 $0x7;
	s24 =	simm.s32 $0x8;
	s10 =	sadd.s32 $0x3200, s0  }
0x10: {  	s25 =	sor.u32 $0x1C01, s5;
	s8 =	sadd.s32 s1, s8;
	s11 =	sadd.s32 $0x1000, s14  }
0x11: {  	s12 =	sadd.s32 $0x1800, s14;
	s1 =	sadd.s32 s26, s1;
	s13 =	sadd.s32 $0x2000, s14  }
0x12: {  	s4 =	simm.s32 @!p0 $0x8200;
	s15 =	smax.u32 s6, $0x1;
	[dreg:$0x5] =	wrdreg s10  }
0x13: {  	p0 =	sgt.u32 s18, $0x1;
	s18 =	simm.s32 $0x6F00;
	[dreg:$0x6] =	wrdreg s25  }
0x14: {  	s26 =	simm.s32 $0x4F00;
	[dreg:$0x7] =	wrdreg s8;
	s10 =	sadd.s32 $0x800, s14  }
0x15: {  	s14 =	sadd.s32 $0x13800, s1;
	s16 =	sadd.s32 s4, s0;
	s25 =	simm.s32 $0x80  }
0x16: {  	v0 =	vimm.f32 $0.0e+00;
	s0 =	simm.s32 $0x6700;
	s4 =	simm.s32 $0x9;
	s1 =	simm.s32 $0x0  }
.LBB2_1:
0x17: {  	s6 =	simm.s32 $0x40;
	s7 =	simm.s32 $0x0  }
.LBB2_2:
0x18: {  	p1 =	sne.s32 s6, $0x1FC0;
	[tilespmem:s7+$0x6F00] =	vst v0;
	s7 =	smov.u32 s6;
	s6 =	sadd.s32 $0x40, s6  }
.Ltmp0:
0x19: {  	(pc) =	sbr.rel @p1 .LBB2_2-.Ltmp0, $2  }
0x1a: {  	_ =	sdelay $0x2  }
0x1b: {  	s7 =	sshra.s32 s7, $0x2  }
0x1c: {  	s6 =	rddreg [dreg:$0x5]  }
0x1d: {  	[tilespmem:s7+$0x6F00] =	vst v0;
	s8 =	rddreg [dreg:$0x6]  }
0x1e: {  	[spmem:s17], [sflag:s8] =	dma.local [hbm:s6], $0x500  }
0x1f: {  	s8 =	simm.s32 $0x0;
	s7 =	rddreg [dreg:$0x7]  }
0x20: {  	[tilespmem:s8], [sflag:$0x2] =	stream.linear.gather [hbm4b:s7+s8], $0x4E00, $0x38;
	[tilespmem:$0xC700] =	vst v63  }
0x21: {  	_ = 	snop  }
0x22: {  	[spmem:s9] =	stream.linear.scatter [tilespmem:s18], [sflag:$0x5], $0x800, $0x38;
	[tilespmem:$0xC700] =	vst v63  }
0x23: {  	_ = 	snop  }
0x24: {  	[spmem:s10] =	stream.linear.scatter [tilespmem:s18], [sflag:$0x6], $0x800, $0x38;
	[tilespmem:$0xC700] =	vst v63  }
0x25: {  	_ = 	snop  }
0x26: {  	[spmem:s11] =	stream.linear.scatter [tilespmem:s18], [sflag:$0x7], $0x800, $0x38;
	[tilespmem:$0xC700] =	vst v63  }
0x27: {  	_ = 	snop  }
0x28: {  	[spmem:s12] =	stream.linear.scatter [tilespmem:s18], [sflag:$0x8], $0x800, $0x38;
	[tilespmem:$0xC700] =	vst v63  }
0x29: {  	_ = 	snop  }
0x2a: {  	[spmem:s13] =	stream.linear.scatter [tilespmem:s18], [sflag:$0x5], $0x800, $0x38;
	[tilespmem:$0xC700] =	vst v63  }
0x2b: {  	s6 =	simm.s32 @!p0 $0x0;
	s7 =	simm.s32 @!p0 $0x4E00  }
0x2c: {  	[tilespmem:s7], [sflag:$0x3] =	stream.linear.gather @!p0 [hbm4b:s14+s6], $0x100, $0x38;
	[tilespmem:$0xC700] =	vst v63  }
0x2d: {  	s6 =	simm.s32 @!p0 $0x3  }
0x2e: {  	_ =	swait.ge @!p0 [sflag:s6], $0x100  }
0x2f: {  	[sflag:s6] =	ssyncset.done @!p0 $0x0  }
0x30: {  	[sflag:s6] =	ssyncadd.s32 @!p0 $0xFFFFFF00  }
0x31: {  	_ =	swait.ge [sflag:s19], $0x500  }
0x32: {  	[sflag:s19] =	ssyncset.done $0x0  }
0x33: {  	[sflag:s19] =	ssyncadd.s32 $0xFFFFFB00  }
0x34: {  	_ =	swait.ge [sflag:s20], $0x4E00  }
0x35: {  	[sflag:s20] =	ssyncset.done $0x0  }
0x36: {  	[sflag:s20] =	ssyncadd.s32 $0xFFFFB200  }
0x37: {  	_ =	swait.ge [sflag:s21], $0x800  }
0x38: {  	[sflag:s21] =	ssyncset.done $0x0  }
0x39: {  	[sflag:s21] =	ssyncadd.s32 $0xFFFFF800  }
0x3a: {  	_ =	swait.ge [sflag:s22], $0x800  }
0x3b: {  	[sflag:s22] =	ssyncset.done $0x0  }
0x3c: {  	[sflag:s22] =	ssyncadd.s32 $0xFFFFF800  }
0x3d: {  	_ =	swait.ge [sflag:s23], $0x800  }
0x3e: {  	[sflag:s23] =	ssyncset.done $0x0  }
0x3f: {  	[sflag:s23] =	ssyncadd.s32 $0xFFFFF800  }
0x40: {  	_ =	swait.ge [sflag:s24], $0x800  }
0x41: {  	[sflag:s24] =	ssyncset.done $0x0  }
0x42: {  	[sflag:s24] =	ssyncadd.s32 $0xFFFFF800  }
0x43: {  	_ =	swait.ge [sflag:s21], $0x800  }
0x44: {  	[sflag:s21] =	ssyncset.done $0x0  }
0x45: {  	[sflag:s21] =	ssyncadd.s32 $0xFFFFF800  }
0x46: {  	s7 =	simm.s32 $0x0;
	[bflag:$0x0] =	sbarrier.arrive $0xFFFF  }
0x47: {  	[tilespmem:s26], [sflag:$0x1] =	stream.indirect.gather [spmem:s2], $0x10, s7, s25, $0xb8;
	[tilespmem:$0xC700] =	vst v63  }
0x48: {  	s8 =	simm.s32 $0x100  }
0x49: {  	[tilespmem:s29], [sflag:$0x2] =	stream.indirect.gather [spmem:s2], $0x10, s8, s25, $0xb8;
	[tilespmem:$0xC700] =	vst v63  }
0x4a: {  	s7 =	simm.s32 $0x200  }
0x4b: {  	[tilespmem:s31], [sflag:$0x3] =	stream.indirect.gather [spmem:s2], $0x10, s7, s25, $0xb8;
	[tilespmem:$0xC700] =	vst v63  }
0x4c: {  	_ =	swait.ge [sflag:s19], $0x800  }
0x4d: {  	[sflag:s19] =	ssyncset.done $0x0  }
0x4e: {  	[sflag:s19] =	ssyncadd.s32 $0xFFFFF800  }
0x4f: {  	[spmem:s3] =	stream.indirect.scatter.add.f32 [tilespmem:s26], [sflag:$0x5], $0x10, s25, s25, $0xb8;
	[tilespmem:$0xC700] =	vst v63  }
0x50: {  	s8 =	simm.s32 $0x300  }
0x51: {  	[tilespmem:s0], [sflag:$0x4] =	stream.indirect.gather [spmem:s2], $0x10, s8, s25, $0xb8;
	[tilespmem:$0xC700] =	vst v63  }
0x52: {  	_ =	swait.ge [sflag:s20], $0x800  }
0x53: {  	[sflag:s20] =	ssyncset.done $0x0  }
0x54: {  	s7 =	simm.s32 $0x180;
	[sflag:s20] =	ssyncadd.s32 $0xFFFFF800  }
0x55: {  	[spmem:s3] =	stream.indirect.scatter.add.f32 [tilespmem:s29], [sflag:$0x6], $0x10, s7, s25, $0xb8;
	[tilespmem:$0xC700] =	vst v63  }
0x56: {  	_ =	swait.ge [sflag:s21], $0x800  }
0x57: {  	[sflag:s21] =	ssyncset.done $0x0  }
0x58: {  	s8 =	simm.s32 $0x400;
	[sflag:s21] =	ssyncadd.s32 $0xFFFFF800  }
0x59: {  	[tilespmem:s26], [sflag:$0x1] =	stream.indirect.gather [spmem:s2], $0x10, s8, s25, $0xb8;
	[tilespmem:$0xC700] =	vst v63  }
0x5a: {  	_ =	swait.ge [sflag:s30], $0x800  }
0x5b: {  	[sflag:s30] =	ssyncset.done $0x0  }
0x5c: {  	s7 =	simm.s32 $0x280;
	[sflag:s30] =	ssyncadd.s32 $0xFFFFF800  }
0x5d: {  	[spmem:s3] =	stream.indirect.scatter.add.f32 [tilespmem:s31], [sflag:$0x7], $0x10, s7, s25, $0xb8;
	[tilespmem:$0xC700] =	vst v63  }
0x5e: {  	_ =	swait.ge [sflag:s22], $0x800  }
0x5f: {  	[sflag:s22] =	ssyncset.done $0x0  }
0x60: {  	s8 =	simm.s32 $0x500;
	[sflag:s22] =	ssyncadd.s32 $0xFFFFF800  }
0x61: {  	[tilespmem:s29], [sflag:$0x2] =	stream.indirect.gather [spmem:s2], $0x10, s8, s25, $0xb8;
	[tilespmem:$0xC700] =	vst v63  }
0x62: {  	_ =	swait.ge [sflag:s28], $0x800  }
0x63: {  	[sflag:s28] =	ssyncset.done $0x0  }
0x64: {  	s7 =	simm.s32 $0x380;
	[sflag:s28] =	ssyncadd.s32 $0xFFFFF800  }
0x65: {  	[spmem:s3] =	stream.indirect.scatter.add.f32 [tilespmem:s0], [sflag:$0x8], $0x10, s7, s25, $0xb8;
	[tilespmem:$0xC700] =	vst v63  }
0x66: {  	_ =	swait.ge [sflag:s23], $0x800  }
0x67: {  	[sflag:s23] =	ssyncset.done $0x0  }
0x68: {  	s8 =	simm.s32 $0x600;
	[sflag:s23] =	ssyncadd.s32 $0xFFFFF800  }
0x69: {  	[tilespmem:s31], [sflag:$0x3] =	stream.indirect.gather [spmem:s2], $0x10, s8, s25, $0xb8;
	[tilespmem:$0xC700] =	vst v63  }
0x6a: {  	_ =	swait.ge [sflag:s19], $0x800  }
0x6b: {  	[sflag:s19] =	ssyncset.done $0x0  }
0x6c: {  	s7 =	simm.s32 $0x480;
	[sflag:s19] =	ssyncadd.s32 $0xFFFFF800  }
0x6d: {  	[spmem:s3] =	stream.indirect.scatter.add.f32 [tilespmem:s26], [sflag:$0x5], $0x10, s7, s25, $0xb8;
	[tilespmem:$0xC700] =	vst v63  }
0x6e: {  	_ =	swait.ge [sflag:s24], $0x800  }
0x6f: {  	[sflag:s24] =	ssyncset.done $0x0  }
0x70: {  	s8 =	simm.s32 $0x700;
	[sflag:s24] =	ssyncadd.s32 $0xFFFFF800  }
0x71: {  	[tilespmem:s0], [sflag:$0x4] =	stream.indirect.gather [spmem:s2], $0x10, s8, s25, $0xb8;
	[tilespmem:$0xC700] =	vst v63  }
0x72: {  	_ =	swait.ge [sflag:s20], $0x800  }
0x73: {  	[sflag:s20] =	ssyncset.done $0x0  }
0x74: {  	s7 =	simm.s32 $0x580;
	[sflag:s20] =	ssyncadd.s32 $0xFFFFF800  }
0x75: {  	[spmem:s3] =	stream.indirect.scatter.add.f32 [tilespmem:s29], [sflag:$0x6], $0x10, s7, s25, $0xb8;
	[tilespmem:$0xC700] =	vst v63  }
0x76: {  	_ =	swait.ge [sflag:s21], $0x800  }
0x77: {  	[sflag:s21] =	ssyncset.done $0x0  }
0x78: {  	s8 =	simm.s32 $0x800;
	[sflag:s21] =	ssyncadd.s32 $0xFFFFF800  }
0x79: {  	[tilespmem:s26], [sflag:$0x1] =	stream.indirect.gather [spmem:s2], $0x10, s8, s25, $0xb8;
	[tilespmem:$0xC700] =	vst v63  }
0x7a: {  	_ =	swait.ge [sflag:s30], $0x800  }
0x7b: {  	[sflag:s30] =	ssyncset.done $0x0  }
0x7c: {  	s7 =	simm.s32 $0x680;
	[sflag:s30] =	ssyncadd.s32 $0xFFFFF800  }
0x7d: {  	[spmem:s3] =	stream.indirect.scatter.add.f32 [tilespmem:s31], [sflag:$0x7], $0x10, s7, s25, $0xb8;
	[tilespmem:$0xC700] =	vst v63  }
0x7e: {  	_ =	swait.ge [sflag:s22], $0x800  }
0x7f: {  	[sflag:s22] =	ssyncset.done $0x0  }
0x80: {  	s8 =	simm.s32 $0x900;
	[sflag:s22] =	ssyncadd.s32 $0xFFFFF800  }
0x81: {  	[tilespmem:s29], [sflag:$0x2] =	stream.indirect.gather [spmem:s2], $0x10, s8, s25, $0xb8;
	[tilespmem:$0xC700] =	vst v63  }
0x82: {  	_ =	swait.ge [sflag:s28], $0x800  }
0x83: {  	[sflag:s28] =	ssyncset.done $0x0  }
0x84: {  	s6 =	simm.s32 $0x1000;
	s7 =	simm.s32 $0x780;
	[sflag:s28] =	ssyncadd.s32 $0xFFFFF800  }
.LBB2_4:
0x85: {  	[spmem:s3] =	stream.indirect.scatter.add.f32 [tilespmem:s0], [sflag:$0x8], $0x10, s7, s25, $0xb8;
	[tilespmem:$0xC700] =	vst v63  }
0x86: {  	s7 =	smov.u32 s6  }
0x87: {  	p1 =	sne.s32 s6, $0x11000;
	s6 =	sadd.s32 $0x1000, s6;
	_ =	swait.ge [sflag:s23], $0x800  }
0x88: {  	s7 =	sshra.s32 s7, $0x2;
	[sflag:s23] =	ssyncset.done $0x0  }
0x89: {  	s8 =	sadd.s32 $0x600, s7;
	[sflag:s23] =	ssyncadd.s32 $0xFFFFF800  }
0x8a: {  	[tilespmem:s31], [sflag:$0x3] =	stream.indirect.gather [spmem:s2], $0x10, s8, s25, $0xb8;
	[tilespmem:$0xC700] =	vst v63  }
0x8b: {  	_ =	swait.ge [sflag:s19], $0x800  }
0x8c: {  	[sflag:s19] =	ssyncset.done $0x0  }
0x8d: {  	s8 =	sadd.s32 $0x480, s7;
	[sflag:s19] =	ssyncadd.s32 $0xFFFFF800  }
0x8e: {  	[spmem:s3] =	stream.indirect.scatter.add.f32 [tilespmem:s26], [sflag:$0x5], $0x10, s8, s25, $0xb8;
	[tilespmem:$0xC700] =	vst v63  }
0x8f: {  	_ =	swait.ge [sflag:s24], $0x800  }
0x90: {  	[sflag:s24] =	ssyncset.done $0x0  }
0x91: {  	s8 =	sadd.s32 $0x700, s7;
	[sflag:s24] =	ssyncadd.s32 $0xFFFFF800  }
0x92: {  	[tilespmem:s0], [sflag:$0x4] =	stream.indirect.gather [spmem:s2], $0x10, s8, s25, $0xb8;
	[tilespmem:$0xC700] =	vst v63  }
0x93: {  	_ =	swait.ge [sflag:s20], $0x800  }
0x94: {  	[sflag:s20] =	ssyncset.done $0x0  }
0x95: {  	s8 =	sadd.s32 $0x580, s7;
	[sflag:s20] =	ssyncadd.s32 $0xFFFFF800  }
0x96: {  	[spmem:s3] =	stream.indirect.scatter.add.f32 [tilespmem:s29], [sflag:$0x6], $0x10, s8, s25, $0xb8;
	[tilespmem:$0xC700] =	vst v63  }
0x97: {  	_ =	swait.ge [sflag:s21], $0x800  }
0x98: {  	[sflag:s21] =	ssyncset.done $0x0  }
0x99: {  	s8 =	sadd.s32 $0x800, s7;
	[sflag:s21] =	ssyncadd.s32 $0xFFFFF800  }
0x9a: {  	[tilespmem:s26], [sflag:$0x1] =	stream.indirect.gather [spmem:s2], $0x10, s8, s25, $0xb8;
	[tilespmem:$0xC700] =	vst v63  }
0x9b: {  	_ =	swait.ge [sflag:s30], $0x800  }
0x9c: {  	[sflag:s30] =	ssyncset.done $0x0  }
0x9d: {  	s8 =	sadd.s32 $0x680, s7;
	[sflag:s30] =	ssyncadd.s32 $0xFFFFF800  }
0x9e: {  	[spmem:s3] =	stream.indirect.scatter.add.f32 [tilespmem:s31], [sflag:$0x7], $0x10, s8, s25, $0xb8;
	[tilespmem:$0xC700] =	vst v63  }
0x9f: {  	_ =	swait.ge [sflag:s22], $0x800  }
0xa0: {  	[sflag:s22] =	ssyncset.done $0x0  }
.Ltmp1:
0xa1: {  	s8 =	sadd.s32 $0x900, s7;
	[sflag:s22] =	ssyncadd.s32 $0xFFFFF800;
	(pc) =	sbr.rel @p1 .LBB2_4-.Ltmp1, $4  }
0xa2: {  	[tilespmem:s29], [sflag:$0x2] =	stream.indirect.gather [spmem:s2], $0x10, s8, s25, $0xb8;
	[tilespmem:$0xC700] =	vst v63  }
0xa3: {  	_ =	swait.ge [sflag:s28], $0x800  }
0xa4: {  	[sflag:s28] =	ssyncset.done $0x0  }
0xa5: {  	s7 =	sadd.s32 $0x780, s7;
	[sflag:s28] =	ssyncadd.s32 $0xFFFFF800  }
0xa6: {  	[spmem:s3] =	stream.indirect.scatter.add.f32 [tilespmem:s0], [sflag:$0x8], $0x10, s7, s25, $0xb8;
	[tilespmem:$0xC700] =	vst v63  }
0xa7: {  	_ =	swait.ge [sflag:s23], $0x800  }
0xa8: {  	[sflag:s23] =	ssyncset.done $0x0  }
0xa9: {  	[sflag:s23] =	ssyncadd.s32 $0xFFFFF800  }
0xaa: {  	_ =	swait.ge [sflag:s19], $0x800  }
0xab: {  	[sflag:s19] =	ssyncset.done $0x0  }
0xac: {  	s6 =	simm.s32 $0x4C80;
	[sflag:s19] =	ssyncadd.s32 $0xFFFFF800  }
0xad: {  	[spmem:s3] =	stream.indirect.scatter.add.f32 [tilespmem:s26], [sflag:$0x5], $0x10, s6, s25, $0xb8;
	[tilespmem:$0xC700] =	vst v63  }
0xae: {  	_ =	swait.ge [sflag:s24], $0x800  }
0xaf: {  	[sflag:s24] =	ssyncset.done $0x0  }
0xb0: {  	[sflag:s24] =	ssyncadd.s32 $0xFFFFF800  }
0xb1: {  	_ =	swait.ge [sflag:s20], $0x800  }
0xb2: {  	[sflag:s20] =	ssyncset.done $0x0  }
0xb3: {  	s8 =	simm.s32 $0x4D80;
	[sflag:s20] =	ssyncadd.s32 $0xFFFFF800  }
0xb4: {  	[spmem:s3] =	stream.indirect.scatter.add.f32 [tilespmem:s29], [sflag:$0x6], $0x10, s8, s25, $0xb8;
	[tilespmem:$0xC700] =	vst v63  }
0xb5: {  	_ =	swait.ge [sflag:s21], $0x800  }
0xb6: {  	[sflag:s21] =	ssyncset.done $0x0  }
0xb7: {  	[sflag:s21] =	ssyncadd.s32 $0xFFFFF800  }
0xb8: {  	_ =	swait.ge [sflag:s22], $0x800  }
0xb9: {  	s7 =	simm.s32 @!p0 $0x4E00;
	[sflag:s22] =	ssyncset.done $0x0  }
0xba: {  	s6 =	simm.s32 @!p0 $0x80;
	s8 =	simm.s32 @!p0 $0x4F00;
	[sflag:s22] =	ssyncadd.s32 $0xFFFFF800  }
0xbb: {  	[tilespmem:s8], [sflag:$0x1] =	stream.indirect.gather @!p0 [spmem:s2], $0x10, s7, s6, $0xb8;
	[tilespmem:$0xC700] =	vst v63  }
0xbc: {  	s7 =	simm.s32 @!p0 $0x1  }
0xbd: {  	_ =	swait.ge @!p0 [sflag:s7], $0x800  }
0xbe: {  	[sflag:s7] =	ssyncset.done @!p0 $0x0  }
0xbf: {  	[sflag:s7] =	ssyncadd.s32 @!p0 $0xFFFFF800;
	s7 =	simm.s32 @!p0 $0x4E80  }
0xc0: {  	[spmem:s3] =	stream.indirect.scatter.add.f32 @!p0 [tilespmem:s8], [sflag:$0x5], $0x10, s7, s6, $0xb8;
	[tilespmem:$0xC700] =	vst v63  }
0xc1: {  	s6 =	simm.s32 @!p0 $0x5  }
0xc2: {  	_ =	swait.ge @!p0 [sflag:s6], $0x800  }
0xc3: {  	s1 =	sadd.s32 $0x1, s1;
	[sflag:s6] =	ssyncset.done @!p0 $0x0  }
0xc4: {  	p1 =	sne.s32 s1, s15;
	s7 =	sor.u32 $0x1C09, s5;
	[sflag:s6] =	ssyncadd.s32 @!p0 $0xFFFFF800  }
.Ltmp2:
0xc5: {  	s8 =	sshrl.u32 s9, $0x3;
	[bflag:$0x0] =	sbarrier.arrive $0xFFFF;
	(pc) =	sbr.rel @p1 .LBB2_1-.Ltmp2, $4  }
0xc6: {  	[hbm:s16], [sflag:s7] =	dma.local [spmem:s8], $0x500  }
0xc7: {  	_ =	swait.ge [sflag:s4], $0x500  }
0xc8: {  	[sflag:s4] =	ssyncset.done $0x0  }
0xc9: {  	[sflag:s4] =	ssyncadd.s32 $0xFFFFFB00  }
0xca: {  	_ =	sfence.sel $0x180000  }
0xcb: {  	[bflag:$0x0] =	sbarrier.arrive $0xFFFF  }
0xcc: {  	_ =	strace $0x9000004A  }
0xcd: {  	s0 =	stileid.u32;
	[bflag:$0x2] =	sbarrier.arrive $0xFFFF  }
0xce: {  	p0 =	sne.s32 s0, $0x0;
	s0 =	rddreg [dreg:$0x4]  }
0xcf: {  	s0 =	sadd.s32 @!p0 $0x100000, s0  }
0xd0: {  	[sflag:s0] =	ssyncadd.tile.s32 @!p0 $0x1;
	_ =	shalt  }
.Lfunc_end2:
_tile_overlayer_lowered:
.L_overlay_start_2:
0xd1: {  	(tag) =	ssettag $0x2  }
0xd2: {  	s0 =	rddreg [dreg:$0x0];
	s2 =	stileid.u32  }
0xd3: {  	s1 =	rddreg [dreg:$0x1];
	p0 =	sne.s32 s2, $0x0  }
0xd4: {  	s3 =	rddreg [dreg:$0x2];
	[bflag:$0x3] =	sbarrier.arrive $0xFFFF;
	s2 =	simm.s32 @!p0 $0x1C09  }
0xd5: {  	[timem:s3], [sflag:s2] =	dma.local @!p0 [hbm:s0], s1  }
0xd6: {  	s0 =	simm.s32 @!p0 $0x9  }
0xd7: {  	_ =	swait.ge @!p0 [sflag:s0], s1  }
0xd8: {  	s1 =	ssub.s32 @!p0 $0x0, s1;
	[sflag:s0] =	ssyncset.done @!p0 $0x0  }
0xd9: {  	[sflag:s0] =	ssyncadd.s32 @!p0 s1  }
0xda: {  	[bflag:$0x3] =	sbarrier.arrive $0xFFFF  }
0xdb: {  	_ =	shalt  }

// kernel: sc_edge_pass_deg1.3.cloned.1.call-start
scs
__scs_entry_jumppad:
0x0: {  	(pc) =	sbr.rel $0x88, $3  }
0x1: {  	(tag) =	ssettag $0x0;
	lr =	simm.s32 $0x1  }
0x2: {  	[smem:$0x3F99] =	sst lr;
	_ =	strace $0xD0000000  }
0x3: {  	_ = 	snop  }
0x4: {  	_ = 	snop  }
0x5: {  	_ = 	snop  }
0x6: {  	_ = 	snop  }
0x7: {  	_ = 	snop  }
__scs_overlays_trampoline_lowered:
0x8: {  	[smem:$0x3FA8] =	sst s0  }
0x9: {  	[smem:$0x3FA9] =	sst s1  }
0xa: {  	[smem:$0x3FAA] =	sst s2  }
0xb: {  	[smem:$0x3FAB] =	sst s3  }
0xc: {  	[smem:$0x3FAC] =	sst s4  }
0xd: {  	[smem:$0x3FAD] =	sst s5  }
0xe: {  	[smem:$0x3FAE] =	sst s6  }
0xf: {  	[smem:$0x3FAF] =	sst s7  }
0x10: {  	[smem:$0x3FB0] =	sst s8  }
0x11: {  	[smem:$0x3FB1] =	sst s9;
	s0 =	simm.s32 @!p0 $0x0  }
0x12: {  	s1 =	sld [smem:$0x3F97];
	s0 =	simm.s32 @p0 $0x1  }
0x13: {  	[smem:$0x3FB2] =	sst s0;
	s0 =	simm.s32 @!p1 $0x0  }
0x14: {  	s2 =	sld [smem:$0x3F96];
	s0 =	simm.s32 @p1 $0x1  }
0x15: {  	[smem:$0x3FB3] =	sst s0;
	s0 =	simm.s32 @!p2 $0x0  }
0x16: {  	s3 =	sld [smem:$0x3FDB];
	s0 =	simm.s32 @p2 $0x1  }
0x17: {  	s4 =	simm.s32 $0x1BF5;
	[smem:$0x3FB5] =	sst s0  }
0x18: {  	s0 =	sld [smem:$0x3F98];
	_ =	swait.ge [sflag:s4], $0x0  }
0x19: {  	s7 =	sld [smem:$0x3F99]  }
0x1a: {  	s8 =	sadd.s32 $0xFFFFE003, lr  }
0x1b: {  	s9 =	sadd.s32 $0xFFFFFEF7, lr;
	s5 =	simm.s32 $0xFFFFFFFF;
	p2 =	slt.u32 s8, $0xFFFFF086  }
0x1c: {  	p1 =	slt.u32 s9, $0xF7A;
	s5 =	simm.s32 @!p2 $0x0  }
0x1d: {  	s5 =	simm.s32 @p1 $0x1;
	p0 =	seq.s32 s7, s2  }
0x1e: {  	s7 =	smul.u32 @!p0 $0xF7A, s2;
	p2 =	seq.s32 @!p0 s5, $0x0  }
0x1f: {  	s9 =	smul.u32 $0xF7A, s1;
	s8 =	simm.s32 @!p0 $0x1BF5;
	p2 =	por !p2, p0  }
0x20: {  	[sflag:s8] =	ssyncset.s32 @!p0 $0xFFFFF086;
	s6 =	sadd.s32 @!p0 s3, s7;
	s7 =	simm.s32 @!p0 $0x108  }
0x21: {  	s3 =	sadd.s32 s3, s9;
	s6 =	sadd.s32 @!p0 $0x88, s6;
	s7 =	simm.s32 @p2 $0x1082  }
0x22: {  	[simem:s7], [sflag:s8] =	dma.local @!p0 [hbm:s6], $0xF7A  }
0x23: {  	s9 =	sor.u32 $0xD0000000, s2;
	s6 =	simm.s32 $0x108;
	_ =	swait.ge @!p0 [sflag:s8], $0x0  }
0x24: {  	s3 =	sadd.s32 $0x88, s3;
	s6 =	simm.s32 @!p1 $0x1082;
	[sflag:s4] =	ssyncset.s32 $0xFFFFF086  }
0x25: {  	[simem:s6], [sflag:s4] =	dma.local [hbm:s3], $0xF7A  }
0x26: {  	[smem:$0x3F99] =	sst s1;
	(tag) =	ssettag s2;
	_ =	strace s9  }
0x27: {  	s1 =	sld [smem:$0x3FA9]  }
0x28: {  	s2 =	sld [smem:$0x3FAA]  }
0x29: {  	s4 =	sld [smem:$0x3FAC]  }
0x2a: {  	p0 =	seq.s32 s5, $0x0;
	s5 =	sld [smem:$0x3FAD]  }
0x2b: {  	s6 =	sld [smem:$0x3FAE]  }
0x2c: {  	s7 =	sld [smem:$0x3FAF]  }
0x2d: {  	s3 =	simm.s32 $0x108;
	s8 =	sld [smem:$0x3FB0]  }
0x2e: {  	s3 =	simm.s32 @!p0 $0x1082;
	s9 =	sld [smem:$0x3FB1]  }
0x2f: {  	lr =	sadd.s32 s0, s3;
	s0 =	sld [smem:$0x3FA8]  }
0x30: {  	s3 =	sld [smem:$0x3FAB]  }
0x31: {  	[smem:$0x3FB4] =	sst s10  }
0x32: {  	s10 =	sld [smem:$0x3FB2];
	_ =	sdelay $0x3  }
0x33: {  	p0 =	seq.s32 s10, $0x1;
	s10 =	sld [smem:$0x3FB4];
	_ =	sdelay $0x3  }
0x34: {  	[smem:$0x3FB4] =	sst s10  }
0x35: {  	s10 =	sld [smem:$0x3FB3];
	_ =	sdelay $0x3  }
0x36: {  	p1 =	seq.s32 s10, $0x1;
	s10 =	sld [smem:$0x3FB4];
	_ =	sdelay $0x3  }
0x37: {  	[smem:$0x3FB4] =	sst s10  }
0x38: {  	s10 =	sld [smem:$0x3FB5]  }
0x39: {  	_ = 	snop;
	(pc) =	sbr.ind lr, $3  }
0x3a: {  	_ = 	snop  }
0x3b: {  	_ = 	snop  }
0x3c: {  	p2 =	seq.s32 s10, $0x1;
	s10 =	sld [smem:$0x3FB4]  }
0x3d: {  	_ =	shalt  }
0x3e: {  	_ =	shalt  }
0x3f: {  	_ =	shalt  }
0x40: {  	_ =	shalt  }
0x41: {  	_ =	shalt  }
0x42: {  	_ =	shalt  }
0x43: {  	_ =	shalt  }
0x44: {  	_ =	shalt  }
0x45: {  	_ =	shalt  }
0x46: {  	_ =	shalt  }
0x47: {  	_ =	shalt  }
0x48: {  	_ =	shalt  }
0x49: {  	_ =	shalt  }
0x4a: {  	_ =	shalt  }
0x4b: {  	_ =	shalt  }
0x4c: {  	_ =	shalt  }
0x4d: {  	_ =	shalt  }
0x4e: {  	_ =	shalt  }
0x4f: {  	_ =	shalt  }
0x50: {  	_ =	shalt  }
0x51: {  	_ =	shalt  }
0x52: {  	_ =	shalt  }
0x53: {  	_ =	shalt  }
0x54: {  	_ =	shalt  }
0x55: {  	_ =	shalt  }
0x56: {  	_ =	shalt  }
0x57: {  	_ =	shalt  }
0x58: {  	_ =	shalt  }
0x59: {  	_ =	shalt  }
0x5a: {  	_ =	shalt  }
0x5b: {  	_ =	shalt  }
0x5c: {  	_ =	shalt  }
0x5d: {  	_ =	shalt  }
0x5e: {  	_ =	shalt  }
0x5f: {  	_ =	shalt  }
0x60: {  	_ =	shalt  }
0x61: {  	_ =	shalt  }
0x62: {  	_ =	shalt  }
0x63: {  	_ =	shalt  }
0x64: {  	_ =	shalt  }
0x65: {  	_ =	shalt  }
0x66: {  	_ =	shalt  }
0x67: {  	_ =	shalt  }
0x68: {  	_ =	shalt  }
0x69: {  	_ =	shalt  }
0x6a: {  	_ =	shalt  }
0x6b: {  	_ =	shalt  }
0x6c: {  	_ =	shalt  }
0x6d: {  	_ =	shalt  }
0x6e: {  	_ =	shalt  }
0x6f: {  	_ =	shalt  }
0x70: {  	_ =	shalt  }
0x71: {  	_ =	shalt  }
0x72: {  	_ =	shalt  }
0x73: {  	_ =	shalt  }
0x74: {  	_ =	shalt  }
0x75: {  	_ =	shalt  }
0x76: {  	_ =	shalt  }
0x77: {  	_ =	shalt  }
0x78: {  	_ =	shalt  }
0x79: {  	_ =	shalt  }
0x7a: {  	_ =	shalt  }
0x7b: {  	_ =	shalt  }
0x7c: {  	_ =	shalt  }
0x7d: {  	_ =	shalt  }
0x7e: {  	_ =	shalt  }
0x7f: {  	_ =	shalt  }
0x80: {  	_ =	shalt  }
0x81: {  	_ =	shalt  }
0x82: {  	_ =	shalt  }
0x83: {  	_ =	shalt  }
0x84: {  	_ =	shalt  }
0x85: {  	_ =	shalt  }
0x86: {  	_ =	shalt  }
0x87: {  	_ =	shalt  }
.Lfunc_end0:
.L_simem_size_0:
called_computation_lowered:
.L_overlay_start_0:
0x88: {  	s2 =	sld [smem:$0x3FD9]  }
0x89: {  	s3 =	sld [smem:$0x3FFE];
	_ =	sdelay $0x1  }
0x8a: {  	s1 =	srdreg.scid  }
0x8b: {  	s0 =	sand.u32 $0x1, s1  }
0x8c: {  	s17 =	sshll.u32 s0, $0xA;
	s2 =	sadd.s32 s3, s2  }
0x8d: {  	s2 =	sadd.s32 s2, s17  }
0x8e: {  	[smem:$0x3FC0] =	sst s2  }
0x8f: {  	_ = 	snop  }
0x90: {  	s2 =	sld [smem:$0x3FC8];
	(tm) =	ssettm $0x1  }
0x91: {  	s18 =	sld [smem:$0x3FFB];
	_ =	sdelay $0x3  }
0x92: {  	_ =	strace s18  }
0x93: {  	s3 =	sld [smem:$0x3FFC];
	_ =	sdelay $0x3  }
0x94: {  	_ =	strace s3  }
0x95: {  	s3 =	sld [smem:$0x3FFD];
	_ =	sdelay $0x3  }
0x96: {  	_ =	strace s3  }
0x97: {  	_ =	strace $0x8FFFFFFF  }
0x98: {  	s19 =	sld [smem:$0x3FDB];
	_ =	sdelay $0x1  }
0x99: {  	s4 =	simm.s32 $_scs_section_size  }
0x9a: {  	s5 =	simm.s32 $_size__tile_overlayer_lowered;
	s6 =	simm.s32 $_tile_overlayer_lowered  }
0x9b: {  	s22 =	simm.s32 $0x1BFF;
	s21 =	sshll.u32 s6, $0x1;
	s3 =	sadd.s32 s4, s19  }
0x9c: {  	s7 =	simm.s32 $0x0;
	s20 =	sshll.u32 s5, $0x1;
	s5 =	sadd.s32 s21, s3  }
0x9d: {  	[timem:s7], [sflag:s22] =	dma.local [hbm:s5], s20  }
0x9e: {  	_ =	swait.ge [sflag:s22], s20  }
0x9f: {  	s4 =	ssub.s32 $0x0, s20;
	[sflag:s22] =	ssyncset.done $0x0  }
0xa0: {  	[sflag:s22] =	ssyncadd.s32 s4;
	_ =	sdelay $0x1  }
0xa1: {  	s23 =	simm.s32 $0x1B8B  }
0xa2: {  	_ =	swait.ge [sflag:s23], $0x1  }
0xa3: {  	[sflag:s23] =	ssyncset.done $0x0  }
0xa4: {  	s25 =	simm.s32 $0x1B8E;
	s24 =	sld [smem:$0x3FFE];
	[sflag:s23] =	ssyncadd.s32 $0xFFFFFFFF  }
0xa5: {  	s26 =	simm.s32 $execute0_lowered;
	[smem:$0x3FD2] =	sst s25  }
0xa6: {  	s5 =	sshll.u32 s26, $0x1;
	_ =	strace $0x80000046;
	[dreg:$0x1] =	wrdreg $0xFFFFFFFF  }
0xa7: {  	s28 =	simm.s32 $_size_execute0_lowered;
	s3 =	sadd.s32 s3, s5;
	[dreg:$0x0] =	wrdreg $0x0  }
0xa8: {  	s5 =	sshll.u32 s28, $0x1;
	[dreg:$0x2] =	wrdreg s3  }
0xa9: {  	[dreg:$0x3] =	wrdreg s5  }
0xaa: {  	[dreg:$0x4] =	wrdreg $0xC0  }
0xab: {  	_ =	task [dreg:s7], $0x5FFFF  }
0xac: {  	[dreg:$0x1] =	wrdreg $0xFFFFFFFF  }
0xad: {  	[dreg:$0x0] =	wrdreg $0x60  }
0xae: {  	[dreg:$0x2] =	wrdreg s24  }
0xaf: {  	[dreg:$0x3] =	wrdreg s2  }
0xb0: {  	[dreg:$0x4] =	wrdreg $0xCF000  }
0xb1: {  	[dreg:$0x5] =	wrdreg $0xA4800  }
0xb2: {  	[dreg:$0x6] =	wrdreg $0xCC800  }
0xb3: {  	[dreg:$0x7] =	wrdreg $0x9  }
0xb4: {  	_ =	task.clear_ibuf [dreg:s7], $0x8FFFF;
	_ =	strace $0x90000046  }
0xb5: {  	s29 =	simm.s32 $0x9;
	_ =	strace $0x80000048  }
0xb6: {  	_ =	swait.ge [sflag:s29], $0x1  }
0xb7: {  	[sflag:s29] =	ssyncadd.s32 $0xFFFFFFFF  }
0xb8: {  	_ =	strace $0x90000048  }
0xb9: {  	_ =	sfence  }
0xba: {  	s30 =	sld [smem:$0x0];
	_ =	sdelay $0x2  }
0xbb: {  	s31 =	sshll.u32 s1, $0xD;
	s1 =	sshrl.u32 s1, $0x2  }
0xbc: {  	s3 =	sand.u32 $0x4000, s31;
	s1 =	sadd.s32 s1, s30  }
0xbd: {  	s0 =	sor.u32 s3, s0;
	s1 =	sshll.u32 s1, $0x11  }
0xbe: {  	s0 =	sor.u32 s1, s0  }
0xbf: {  	s0 =	sadd.s32 $0x8F2B, s0  }
0xc0: {  	[sflag:s0] =	ssyncadd.remote.s32 $0x1  }
0xc1: {  	_ =	sfence.sel $0xFFFF  }
0xc2: {  	[dreg:$0x0] =	wrdreg $0xFFFFFFFF;
	(pc) =	sbr.abs _section_cstart, $3  }
0xc3: {  	[dreg:$0x1] =	wrdreg $0xFFFFFFFF  }
0xc4: {  	_ =	task.clear_ibuf [dreg:s7], $0x2FFFF;
	_ =	strace $0x9FFFFFFF  }
0xc5: {  	(tm) =	ssettm $0x7FFFFFFF  }
tec
execute0_lowered:
.L_overlay_start_1:
0x0: {  	(tag) =	ssettag $0x1  }
0x1: {  	s0 =	rddreg [dreg:$0x0]  }
0x2: {  	s1 =	rddreg [dreg:$0x1]  }
0x3: {  	s2 =	rddreg [dreg:$0x2]  }
0x4: {  	s3 =	rddreg [dreg:$0x3]  }
0x5: {  	s17 =	stileid.u32;
	s4 =	rddreg [dreg:$0x4]  }
0x6: {  	s6 =	simm.s32 $0x0;
	s8 =	srdreg.scid;
	s28 =	simm.s32 $0x7  }
0x7: {  	s29 =	simm.s32 $0x8;
	s30 =	simm.s32 $0x9;
	s31 =	simm.s32 $0x80  }
0x8: {  	s5 =	smul.u32 $0x2800, s17;
	[smem:$0x7FF] =	sst s6;
	s9 =	sadd.s32 $0x8200, s0  }
0x9: {  	s8 =	sand.u32 $0x1, s8;
	s10 =	sshll.u32 s17, $0x1;
	s11 =	sadd.s32 $0xD200, s0  }
0xa: {  	s14 =	sadd.s32 $0x12200, s0;
	s21 =	smul.u32 $0xA000, s17;
	s22 =	sshll.u32 s17, $0x6  }
0xb: {  	s26 =	smul.u32 $0xA00, s17;
	_ =	strace $0x80000047;
	s12 =	ssub.s32 $0x2, s8  }
0xc: {  	s13 =	sor.u32 s8, s10;
	[dreg:$0x7] =	wrdreg s22;
	p0 =	seq.s32 s8, $0x1  }
0xd: {  	s8 =	simm.s32 $0x0;
	s6 =	sshrl.u32 s5, $0x3;
	s20 =	sshrl.u32 s12, $0x1  }
0xe: {  	s15 =	smul.u32 $0x9C0, s13;
	s16 =	sadd.s32 s5, s2;
	s24 =	sshrl.u32 s21, $0x2  }
0xf: {  	s10 =	sadd.s32 s5, s3;
	s21 =	sshrl.u32 s26, $0x2;
	s9 =	smov.u32 @p0 s11  }
0x10: {  	s7 =	sadd.s32 s6, s0;
	s0 =	sadd.s32 $0x17200, s0;
	s12 =	ssub.s32 s12, s20  }
0x11: {  	s25 =	sadd.s32 s24, s3;
	s24 =	sadd.s32 s9, s6;
	s26 =	sshrl.u32 s16, $0x3  }
0x12: {  	s9 =	simm.s32 $0x3;
	s16 =	simm.s32 $0xC;
	[dreg:$0x10] =	wrdreg s24  }
0x13: {  	s7 =	sadd.s32 $0x3200, s7;
	s23 =	sadd.s32 s1, s15;
	[dreg:$0x12] =	wrdreg s26  }
0x14: {  	s18 =	sadd.s32 $0x800, s25;
	s19 =	sadd.s32 $0x1000, s25;
	[dreg:$0x6] =	wrdreg s7  }
0x15: {  	s20 =	sadd.s32 $0x1800, s25;
	s5 =	sadd.s32 $0x2000, s25;
	[dreg:$0x9] =	wrdreg s23  }
0x16: {  	s15 =	sadd.s32 s21, s4;
	s14 =	smov.u32 @p0 s0;
	[dreg:$0xa] =	wrdreg s18  }
0x17: {  	p0 =	sgt.u32 s17, $0x1;
	s21 =	simm.s32 $0x6F80;
	[dreg:$0xb] =	wrdreg s19  }
0x18: {  	s24 =	simm.s32 $0x2;
	s26 =	simm.s32 $0x6;
	[dreg:$0xc] =	wrdreg s20  }
0x19: {  	s0 =	simm.s32 $0x5F00;
	s7 =	sor.u32 $0x1C01, s22;
	[dreg:$0xd] =	wrdreg s5  }
0x1a: {  	s22 =	sshll.u32 s13, $0x5;
	s23 =	smax.u32 s12, $0x1;
	s25 =	sadd.s32 s14, s6  }
0x1b: {  	s5 =	simm.s32 $0x6F00;
	s6 =	simm.s32 $0x6700;
	s12 =	simm.s32 $0xA  }
0x1c: {  	s13 =	simm.s32 $0x4;
	s18 =	simm.s32 $0x4D80;
	[dreg:$0x8] =	wrdreg s7  }
0x1d: {  	s19 =	simm.s32 $0x7A00;
	s20 =	simm.s32 $0xD;
	[dreg:$0xf] =	wrdreg s23  }
0x1e: {  	s1 =	sadd.s32 s22, s1;
	[dreg:$0x11] =	wrdreg s25;
	s23 =	simm.s32 $0x1  }
0x1f: {  	s25 =	simm.s32 $0x5;
	s22 =	simm.s32 $0x5700;
	s1 =	sadd.s32 $0x13800, s1  }
0x20: {  	v0 =	vimm.f32 $0.0e+00;
	v1 =	vimm.f32 $1.000000000e+00;
	s7 =	simm.s32 $0xB;
	[dreg:$0xe] =	wrdreg s1;
	s1 =	simm.s32 $0x4F00  }
.LBB2_1:
0x21: {  	s11 =	simm.s32 $0x40;
	s14 =	simm.s32 $0x0  }
.LBB2_2:
0x22: {  	p1 =	sne.s32 s11, $0x1FC0;
	[tilespmem:s14+$0x6F80] =	vst v0;
	s14 =	smov.u32 s11;
	s11 =	sadd.s32 $0x40, s11  }
.Ltmp0:
0x23: {  	(pc) =	sbr.rel @p1 .LBB2_2-.Ltmp0, $2  }
0x24: {  	_ =	sdelay $0x2  }
0x25: {  	s14 =	sshra.s32 s14, $0x2  }
0x26: {  	[tilespmem:s14+$0x6F80] =	vst v0  }
0x27: {  	[tilespmem:$0x7780] =	vst v0  }
0x28: {  	[tilespmem:$0x7790] =	vst v0  }
0x29: {  	[tilespmem:$0x77A0] =	vst v0  }
0x2a: {  	[tilespmem:$0x77B0] =	vst v0  }
0x2b: {  	[tilespmem:$0x77C0] =	vst v0  }
0x2c: {  	[tilespmem:$0x77D0] =	vst v0  }
0x2d: {  	[tilespmem:$0x77E0] =	vst v0  }
0x2e: {  	[tilespmem:$0x77F0] =	vst v0  }
0x2f: {  	[tilespmem:$0x7800] =	vst v0  }
0x30: {  	[tilespmem:$0x7810] =	vst v0  }
0x31: {  	[tilespmem:$0x7820] =	vst v0  }
0x32: {  	[tilespmem:$0x7830] =	vst v0  }
0x33: {  	[tilespmem:$0x7840] =	vst v0  }
0x34: {  	[tilespmem:$0x7850] =	vst v0  }
0x35: {  	[tilespmem:$0x7860] =	vst v0  }
0x36: {  	[tilespmem:$0x7870] =	vst v0  }
0x37: {  	[tilespmem:$0x7880] =	vst v0  }
0x38: {  	[tilespmem:$0x7890] =	vst v0  }
0x39: {  	[tilespmem:$0x78A0] =	vst v0  }
0x3a: {  	[tilespmem:$0x78B0] =	vst v0  }
0x3b: {  	[tilespmem:$0x78C0] =	vst v0  }
0x3c: {  	[tilespmem:$0x78D0] =	vst v0  }
0x3d: {  	[tilespmem:$0x78E0] =	vst v0  }
0x3e: {  	[tilespmem:$0x78F0] =	vst v0  }
0x3f: {  	[tilespmem:$0x7900] =	vst v0  }
0x40: {  	[tilespmem:$0x7910] =	vst v0  }
0x41: {  	[tilespmem:$0x7920] =	vst v0  }
0x42: {  	[tilespmem:$0x7930] =	vst v0  }
0x43: {  	[tilespmem:$0x7940] =	vst v0  }
0x44: {  	[tilespmem:$0x7950] =	vst v0  }
0x45: {  	[tilespmem:$0x7960] =	vst v0  }
0x46: {  	[tilespmem:$0x7970] =	vst v0  }
0x47: {  	[tilespmem:$0x7980] =	vst v0  }
0x48: {  	[tilespmem:$0x7990] =	vst v0  }
0x49: {  	[tilespmem:$0x79A0] =	vst v0  }
0x4a: {  	[tilespmem:$0x79B0] =	vst v0  }
0x4b: {  	[tilespmem:$0x79C0] =	vst v0  }
0x4c: {  	[tilespmem:$0x79D0] =	vst v0  }
0x4d: {  	[tilespmem:$0x79E0] =	vst v0  }
0x4e: {  	[tilespmem:$0x79F0] =	vst v0  }
0x4f: {  	[tilespmem:$0x6F00] =	vst v1  }
0x50: {  	[tilespmem:$0x6F10] =	vst v1  }
0x51: {  	[tilespmem:$0x6F20] =	vst v1  }
0x52: {  	[tilespmem:$0x6F30] =	vst v1  }
0x53: {  	[tilespmem:$0x6F40] =	vst v1  }
0x54: {  	s11 =	rddreg [dreg:$0x6];
	[tilespmem:$0x6F50] =	vst v1  }
0x55: {  	s14 =	rddreg [dreg:$0x8];
	[tilespmem:$0x6F60] =	vst v1  }
0x56: {  	s17 =	rddreg [dreg:$0x12];
	[tilespmem:$0x6F70] =	vst v1  }
0x57: {  	[spmem:s17], [sflag:s14] =	dma.local [hbm:s11], $0x500  }
0x58: {  	s17 =	simm.s32 $0x0;
	s14 =	rddreg [dreg:$0x9]  }
0x59: {  	[tilespmem:s17], [sflag:$0x2] =	stream.linear.gather [hbm4b:s14+s17], $0x4E00, $0x38;
	[tilespmem:$0xF700] =	vst v63  }
0x5a: {  	_ = 	snop  }
0x5b: {  	[spmem:s10] =	stream.linear.scatter [tilespmem:s21], [sflag:$0x5], $0x800, $0x38;
	[tilespmem:$0xF700] =	vst v63  }
0x5c: {  	s17 =	rddreg [dreg:$0xa]  }
0x5d: {  	[spmem:s17] =	stream.linear.scatter [tilespmem:s21], [sflag:$0x6], $0x800, $0x38;
	[tilespmem:$0xF700] =	vst v63  }
0x5e: {  	s14 =	rddreg [dreg:$0xb]  }
0x5f: {  	[spmem:s14] =	stream.linear.scatter [tilespmem:s21], [sflag:$0x7], $0x800, $0x38;
	[tilespmem:$0xF700] =	vst v63  }
0x60: {  	s17 =	rddreg [dreg:$0xc]  }
0x61: {  	[spmem:s17] =	stream.linear.scatter [tilespmem:s21], [sflag:$0x8], $0x800, $0x38;
	[tilespmem:$0xF700] =	vst v63  }
0x62: {  	s14 =	rddreg [dreg:$0xd]  }
0x63: {  	[spmem:s14] =	stream.linear.scatter [tilespmem:s21], [sflag:$0x5], $0x800, $0x38;
	[tilespmem:$0xF700] =	vst v63  }
0x64: {  	s17 =	simm.s32 $0x7780  }
0x65: {  	[spmem:s15] =	stream.linear.scatter [tilespmem:s17], [sflag:$0x9], $0x280, $0x38;
	[tilespmem:$0xF700] =	vst v63  }
0x66: {  	s11 =	simm.s32 @!p0 $0x0;
	s14 =	simm.s32 @!p0 $0x4E00;
	s17 =	rddreg [dreg:$0xe]  }
0x67: {  	[tilespmem:s14], [sflag:$0x3] =	stream.linear.gather @!p0 [hbm4b:s17+s11], $0x100, $0x38;
	[tilespmem:$0xF700] =	vst v63  }
0x68: {  	s11 =	simm.s32 @!p0 $0x3  }
0x69: {  	_ =	swait.ge @!p0 [sflag:s11], $0x100  }
0x6a: {  	[sflag:s11] =	ssyncset.done @!p0 $0x0  }
0x6b: {  	[sflag:s11] =	ssyncadd.s32 @!p0 $0xFFFFFF00  }
0x6c: {  	_ =	swait.ge [sflag:s23], $0x500  }
0x6d: {  	[sflag:s23] =	ssyncset.done $0x0  }
0x6e: {  	[sflag:s23] =	ssyncadd.s32 $0xFFFFFB00  }
0x6f: {  	_ =	swait.ge [sflag:s24], $0x4E00  }
0x70: {  	[sflag:s24] =	ssyncset.done $0x0  }
0x71: {  	[sflag:s24] =	ssyncadd.s32 $0xFFFFB200  }
0x72: {  	_ =	swait.ge [sflag:s25], $0x800  }
0x73: {  	[sflag:s25] =	ssyncset.done $0x0  }
0x74: {  	[sflag:s25] =	ssyncadd.s32 $0xFFFFF800  }
0x75: {  	_ =	swait.ge [sflag:s26], $0x800  }
0x76: {  	[sflag:s26] =	ssyncset.done $0x0  }
0x77: {  	[sflag:s26] =	ssyncadd.s32 $0xFFFFF800  }
0x78: {  	_ =	swait.ge [sflag:s28], $0x800  }
0x79: {  	[sflag:s28] =	ssyncset.done $0x0  }
0x7a: {  	[sflag:s28] =	ssyncadd.s32 $0xFFFFF800  }
0x7b: {  	_ =	swait.ge [sflag:s29], $0x800  }
0x7c: {  	[sflag:s29] =	ssyncset.done $0x0  }
0x7d: {  	[sflag:s29] =	ssyncadd.s32 $0xFFFFF800  }
0x7e: {  	_ =	swait.ge [sflag:s25], $0x800  }
0x7f: {  	[sflag:s25] =	ssyncset.done $0x0  }
0x80: {  	[sflag:s25] =	ssyncadd.s32 $0xFFFFF800  }
0x81: {  	_ =	swait.ge [sflag:s30], $0x280  }
0x82: {  	[sflag:s30] =	ssyncset.done $0x0  }
0x83: {  	[sflag:s30] =	ssyncadd.s32 $0xFFFFFD80  }
0x84: {  	s14 =	simm.s32 $0x0;
	[bflag:$0x0] =	sbarrier.arrive $0xFFFF  }
0x85: {  	[tilespmem:s1], [sflag:$0x1] =	stream.indirect.gather [spmem:s2], $0x10, s14, s31, $0xb8;
	[tilespmem:$0xF700] =	vst v63  }
0x86: {  	s17 =	simm.s32 $0x100  }
0x87: {  	[tilespmem:s22], [sflag:$0x2] =	stream.indirect.gather [spmem:s2], $0x10, s17, s31, $0xb8;
	[tilespmem:$0xF700] =	vst v63  }
0x88: {  	s14 =	simm.s32 $0x200  }
0x89: {  	[tilespmem:s0], [sflag:$0x3] =	stream.indirect.gather [spmem:s2], $0x10, s14, s31, $0xb8;
	[tilespmem:$0xF700] =	vst v63  }
0x8a: {  	_ =	swait.ge [sflag:s23], $0x800  }
0x8b: {  	[sflag:s23] =	ssyncset.done $0x0  }
0x8c: {  	[sflag:s23] =	ssyncadd.s32 $0xFFFFF800  }
0x8d: {  	[spmem:s3] =	stream.indirect.scatter.add.f32 [tilespmem:s1], [sflag:$0x5], $0x10, s31, s31, $0xb8;
	[tilespmem:$0xF700] =	vst v63  }
0x8e: {  	_ = 	snop  }
0x8f: {  	[spmem:s4] =	stream.indirect.scatter.add.f32 [tilespmem:s5], [sflag:$0x9], $0x1, s31, s31, $0xb8;
	[tilespmem:$0xF700] =	vst v63  }
0x90: {  	s17 =	simm.s32 $0x300  }
0x91: {  	[tilespmem:s6], [sflag:$0x4] =	stream.indirect.gather [spmem:s2], $0x10, s17, s31, $0xb8;
	[tilespmem:$0xF700] =	vst v63  }
0x92: {  	_ =	swait.ge [sflag:s24], $0x800  }
0x93: {  	[sflag:s24] =	ssyncset.done $0x0  }
0x94: {  	s14 =	simm.s32 $0x180;
	[sflag:s24] =	ssyncadd.s32 $0xFFFFF800  }
0x95: {  	[spmem:s3] =	stream.indirect.scatter.add.f32 [tilespmem:s22], [sflag:$0x6], $0x10, s14, s31, $0xb8;
	[tilespmem:$0xF700] =	vst v63  }
0x96: {  	_ = 	snop  }
0x97: {  	[spmem:s4] =	stream.indirect.scatter.add.f32 [tilespmem:s5], [sflag:$0xA], $0x1, s14, s31, $0xb8;
	[tilespmem:$0xF700] =	vst v63  }
0x98: {  	_ =	swait.ge [sflag:s25], $0x800  }
0x99: {  	[sflag:s25] =	ssyncset.done $0x0  }
0x9a: {  	[sflag:s25] =	ssyncadd.s32 $0xFFFFF800  }
0x9b: {  	_ =	swait.ge [sflag:s30], $0x80  }
0x9c: {  	[sflag:s30] =	ssyncset.done $0x0  }
0x9d: {  	s17 =	simm.s32 $0x400;
	[sflag:s30] =	ssyncadd.s32 $0xFFFFFF80  }
0x9e: {  	[tilespmem:s1], [sflag:$0x1] =	stream.indirect.gather [spmem:s2], $0x10, s17, s31, $0xb8;
	[tilespmem:$0xF700] =	vst v63  }
0x9f: {  	_ =	swait.ge [sflag:s9], $0x800  }
0xa0: {  	[sflag:s9] =	ssyncset.done $0x0  }
0xa1: {  	s14 =	simm.s32 $0x280;
	[sflag:s9] =	ssyncadd.s32 $0xFFFFF800  }
0xa2: {  	[spmem:s3] =	stream.indirect.scatter.add.f32 [tilespmem:s0], [sflag:$0x7], $0x10, s14, s31, $0xb8;
	[tilespmem:$0xF700] =	vst v63  }
0xa3: {  	_ = 	snop  }
0xa4: {  	[spmem:s4] =	stream.indirect.scatter.add.f32 [tilespmem:s5], [sflag:$0xB], $0x1, s14, s31, $0xb8;
	[tilespmem:$0xF700] =	vst v63  }
0xa5: {  	_ =	swait.ge [sflag:s26], $0x800  }
0xa6: {  	[sflag:s26] =	ssyncset.done $0x0  }
0xa7: {  	[sflag:s26] =	ssyncadd.s32 $0xFFFFF800  }
0xa8: {  	_ =	swait.ge [sflag:s12], $0x80  }
0xa9: {  	[sflag:s12] =	ssyncset.done $0x0  }
0xaa: {  	s17 =	simm.s32 $0x500;
	[sflag:s12] =	ssyncadd.s32 $0xFFFFFF80  }
0xab: {  	[tilespmem:s22], [sflag:$0x2] =	stream.indirect.gather [spmem:s2], $0x10, s17, s31, $0xb8;
	[tilespmem:$0xF700] =	vst v63  }
0xac: {  	_ =	swait.ge [sflag:s13], $0x800  }
0xad: {  	[sflag:s13] =	ssyncset.done $0x0  }
0xae: {  	s14 =	simm.s32 $0x380;
	[sflag:s13] =	ssyncadd.s32 $0xFFFFF800  }
0xaf: {  	[spmem:s3] =	stream.indirect.scatter.add.f32 [tilespmem:s6], [sflag:$0x8], $0x10, s14, s31, $0xb8;
	[tilespmem:$0xF700] =	vst v63  }
0xb0: {  	_ = 	snop  }
0xb1: {  	[spmem:s4] =	stream.indirect.scatter.add.f32 [tilespmem:s5], [sflag:$0xC], $0x1, s14, s31, $0xb8;
	[tilespmem:$0xF700] =	vst v63  }
0xb2: {  	_ =	swait.ge [sflag:s28], $0x800  }
0xb3: {  	[sflag:s28] =	ssyncset.done $0x0  }
0xb4: {  	[sflag:s28] =	ssyncadd.s32 $0xFFFFF800  }
0xb5: {  	_ =	swait.ge [sflag:s7], $0x80  }
0xb6: {  	[sflag:s7] =	ssyncset.done $0x0  }
0xb7: {  	s17 =	simm.s32 $0x600;
	[sflag:s7] =	ssyncadd.s32 $0xFFFFFF80  }
0xb8: {  	[tilespmem:s0], [sflag:$0x3] =	stream.indirect.gather [spmem:s2], $0x10, s17, s31, $0xb8;
	[tilespmem:$0xF700] =	vst v63  }
0xb9: {  	_ =	swait.ge [sflag:s23], $0x800  }
0xba: {  	[sflag:s23] =	ssyncset.done $0x0  }
0xbb: {  	s14 =	simm.s32 $0x480;
	[sflag:s23] =	ssyncadd.s32 $0xFFFFF800  }
0xbc: {  	[spmem:s3] =	stream.indirect.scatter.add.f32 [tilespmem:s1], [sflag:$0x5], $0x10, s14, s31, $0xb8;
	[tilespmem:$0xF700] =	vst v63  }
0xbd: {  	_ = 	snop  }
0xbe: {  	[spmem:s4] =	stream.indirect.scatter.add.f32 [tilespmem:s5], [sflag:$0x9], $0x1, s14, s31, $0xb8;
	[tilespmem:$0xF700] =	vst v63  }
0xbf: {  	_ =	swait.ge [sflag:s29], $0x800  }
0xc0: {  	[sflag:s29] =	ssyncset.done $0x0  }
0xc1: {  	[sflag:s29] =	ssyncadd.s32 $0xFFFFF800  }
0xc2: {  	_ =	swait.ge [sflag:s16], $0x80  }
0xc3: {  	[sflag:s16] =	ssyncset.done $0x0  }
0xc4: {  	s17 =	simm.s32 $0x700;
	[sflag:s16] =	ssyncadd.s32 $0xFFFFFF80  }
0xc5: {  	[tilespmem:s6], [sflag:$0x4] =	stream.indirect.gather [spmem:s2], $0x10, s17, s31, $0xb8;
	[tilespmem:$0xF700] =	vst v63  }
0xc6: {  	_ =	swait.ge [sflag:s24], $0x800  }
0xc7: {  	[sflag:s24] =	ssyncset.done $0x0  }
0xc8: {  	s14 =	simm.s32 $0x580;
	[sflag:s24] =	ssyncadd.s32 $0xFFFFF800  }
0xc9: {  	[spmem:s3] =	stream.indirect.scatter.add.f32 [tilespmem:s22], [sflag:$0x6], $0x10, s14, s31, $0xb8;
	[tilespmem:$0xF700] =	vst v63  }
0xca: {  	_ = 	snop  }
0xcb: {  	[spmem:s4] =	stream.indirect.scatter.add.f32 [tilespmem:s5], [sflag:$0xA], $0x1, s14, s31, $0xb8;
	[tilespmem:$0xF700] =	vst v63  }
0xcc: {  	_ =	swait.ge [sflag:s25], $0x800  }
0xcd: {  	[sflag:s25] =	ssyncset.done $0x0  }
0xce: {  	[sflag:s25] =	ssyncadd.s32 $0xFFFFF800  }
0xcf: {  	_ =	swait.ge [sflag:s30], $0x80  }
0xd0: {  	[sflag:s30] =	ssyncset.done $0x0  }
0xd1: {  	s17 =	simm.s32 $0x800;
	[sflag:s30] =	ssyncadd.s32 $0xFFFFFF80  }
0xd2: {  	[tilespmem:s1], [sflag:$0x1] =	stream.indirect.gather [spmem:s2], $0x10, s17, s31, $0xb8;
	[tilespmem:$0xF700] =	vst v63  }
0xd3: {  	_ =	swait.ge [sflag:s9], $0x800  }
0xd4: {  	[sflag:s9] =	ssyncset.done $0x0  }
0xd5: {  	s14 =	simm.s32 $0x680;
	[sflag:s9] =	ssyncadd.s32 $0xFFFFF800  }
0xd6: {  	[spmem:s3] =	stream.indirect.scatter.add.f32 [tilespmem:s0], [sflag:$0x7], $0x10, s14, s31, $0xb8;
	[tilespmem:$0xF700] =	vst v63  }
0xd7: {  	_ = 	snop  }
0xd8: {  	[spmem:s4] =	stream.indirect.scatter.add.f32 [tilespmem:s5], [sflag:$0xB], $0x1, s14, s31, $0xb8;
	[tilespmem:$0xF700] =	vst v63  }
0xd9: {  	_ =	swait.ge [sflag:s26], $0x800  }
0xda: {  	[sflag:s26] =	ssyncset.done $0x0  }
0xdb: {  	[sflag:s26] =	ssyncadd.s32 $0xFFFFF800  }
0xdc: {  	_ =	swait.ge [sflag:s12], $0x80  }
0xdd: {  	[sflag:s12] =	ssyncset.done $0x0  }
0xde: {  	s17 =	simm.s32 $0x900;
	[sflag:s12] =	ssyncadd.s32 $0xFFFFFF80  }
0xdf: {  	[tilespmem:s22], [sflag:$0x2] =	stream.indirect.gather [spmem:s2], $0x10, s17, s31, $0xb8;
	[tilespmem:$0xF700] =	vst v63  }
0xe0: {  	_ =	swait.ge [sflag:s13], $0x800  }
0xe1: {  	[sflag:s13] =	ssyncset.done $0x0  }
0xe2: {  	s11 =	simm.s32 $0x1000;
	s14 =	simm.s32 $0x780;
	[sflag:s13] =	ssyncadd.s32 $0xFFFFF800  }
0xe3: {  	[spmem:s3] =	stream.indirect.scatter.add.f32 [tilespmem:s6], [sflag:$0x8], $0x10, s14, s31, $0xb8;
	[tilespmem:$0xF700] =	vst v63  }
.LBB2_4:
0xe4: {  	[spmem:s4] =	stream.indirect.scatter.add.f32 [tilespmem:s5], [sflag:$0xC], $0x1, s14, s31, $0xb8;
	[tilespmem:$0xF700] =	vst v63  }
0xe5: {  	s14 =	smov.u32 s11  }
0xe6: {  	p1 =	sne.s32 s11, $0x11000;
	s11 =	sadd.s32 $0x1000, s11;
	_ =	swait.ge [sflag:s28], $0x800  }
0xe7: {  	[sflag:s28] =	ssyncset.done $0x0  }
0xe8: {  	[sflag:s28] =	ssyncadd.s32 $0xFFFFF800  }
0xe9: {  	_ =	swait.ge [sflag:s7], $0x80  }
0xea: {  	s14 =	sshra.s32 s14, $0x2;
	[sflag:s7] =	ssyncset.done $0x0  }
0xeb: {  	s17 =	sadd.s32 $0x600, s14;
	[sflag:s7] =	ssyncadd.s32 $0xFFFFFF80  }
0xec: {  	[tilespmem:s0], [sflag:$0x3] =	stream.indirect.gather [spmem:s2], $0x10, s17, s31, $0xb8;
	[tilespmem:$0xF700] =	vst v63  }
0xed: {  	_ =	swait.ge [sflag:s23], $0x800  }
0xee: {  	[sflag:s23] =	ssyncset.done $0x0  }
0xef: {  	s17 =	sadd.s32 $0x480, s14;
	[sflag:s23] =	ssyncadd.s32 $0xFFFFF800  }
0xf0: {  	[spmem:s3] =	stream.indirect.scatter.add.f32 [tilespmem:s1], [sflag:$0x5], $0x10, s17, s31, $0xb8;
	[tilespmem:$0xF700] =	vst v63  }
0xf1: {  	_ = 	snop  }
0xf2: {  	[spmem:s4] =	stream.indirect.scatter.add.f32 [tilespmem:s5], [sflag:$0x9], $0x1, s17, s31, $0xb8;
	[tilespmem:$0xF700] =	vst v63  }
0xf3: {  	_ =	swait.ge [sflag:s29], $0x800  }
0xf4: {  	[sflag:s29] =	ssyncset.done $0x0  }
0xf5: {  	[sflag:s29] =	ssyncadd.s32 $0xFFFFF800  }
0xf6: {  	_ =	swait.ge [sflag:s16], $0x80  }
0xf7: {  	[sflag:s16] =	ssyncset.done $0x0  }
0xf8: {  	s17 =	sadd.s32 $0x700, s14;
	[sflag:s16] =	ssyncadd.s32 $0xFFFFFF80  }
0xf9: {  	[tilespmem:s6], [sflag:$0x4] =	stream.indirect.gather [spmem:s2], $0x10, s17, s31, $0xb8;
	[tilespmem:$0xF700] =	vst v63  }
0xfa: {  	_ =	swait.ge [sflag:s24], $0x800  }
0xfb: {  	[sflag:s24] =	ssyncset.done $0x0  }
0xfc: {  	s17 =	sadd.s32 $0x580, s14;
	[sflag:s24] =	ssyncadd.s32 $0xFFFFF800  }
0xfd: {  	[spmem:s3] =	stream.indirect.scatter.add.f32 [tilespmem:s22], [sflag:$0x6], $0x10, s17, s31, $0xb8;
	[tilespmem:$0xF700] =	vst v63  }
0xfe: {  	_ = 	snop  }
0xff: {  	[spmem:s4] =	stream.indirect.scatter.add.f32 [tilespmem:s5], [sflag:$0xA], $0x1, s17, s31, $0xb8;
	[tilespmem:$0xF700] =	vst v63  }
0x100: {  	_ =	swait.ge [sflag:s25], $0x800  }
0x101: {  	[sflag:s25] =	ssyncset.done $0x0  }
0x102: {  	[sflag:s25] =	ssyncadd.s32 $0xFFFFF800  }
0x103: {  	_ =	swait.ge [sflag:s30], $0x80  }
0x104: {  	[sflag:s30] =	ssyncset.done $0x0  }
0x105: {  	s17 =	sadd.s32 $0x800, s14;
	[sflag:s30] =	ssyncadd.s32 $0xFFFFFF80  }
0x106: {  	[tilespmem:s1], [sflag:$0x1] =	stream.indirect.gather [spmem:s2], $0x10, s17, s31, $0xb8;
	[tilespmem:$0xF700] =	vst v63  }
0x107: {  	_ =	swait.ge [sflag:s9], $0x800  }
0x108: {  	[sflag:s9] =	ssyncset.done $0x0  }
0x109: {  	s17 =	sadd.s32 $0x680, s14;
	[sflag:s9] =	ssyncadd.s32 $0xFFFFF800  }
0x10a: {  	[spmem:s3] =	stream.indirect.scatter.add.f32 [tilespmem:s0], [sflag:$0x7], $0x10, s17, s31, $0xb8;
	[tilespmem:$0xF700] =	vst v63  }
0x10b: {  	_ = 	snop  }
0x10c: {  	[spmem:s4] =	stream.indirect.scatter.add.f32 [tilespmem:s5], [sflag:$0xB], $0x1, s17, s31, $0xb8;
	[tilespmem:$0xF700] =	vst v63  }
0x10d: {  	_ =	swait.ge [sflag:s26], $0x800  }
0x10e: {  	[sflag:s26] =	ssyncset.done $0x0  }
0x10f: {  	[sflag:s26] =	ssyncadd.s32 $0xFFFFF800  }
0x110: {  	_ =	swait.ge [sflag:s12], $0x80  }
0x111: {  	[sflag:s12] =	ssyncset.done $0x0  }
0x112: {  	s17 =	sadd.s32 $0x900, s14;
	[sflag:s12] =	ssyncadd.s32 $0xFFFFFF80  }
0x113: {  	[tilespmem:s22], [sflag:$0x2] =	stream.indirect.gather [spmem:s2], $0x10, s17, s31, $0xb8;
	[tilespmem:$0xF700] =	vst v63  }
.Ltmp1:
0x114: {  	_ = 	snop;
	(pc) =	sbr.rel @p1 .LBB2_4-.Ltmp1, $4  }
0x115: {  	_ =	swait.ge [sflag:s13], $0x800  }
0x116: {  	[sflag:s13] =	ssyncset.done $0x0  }
0x117: {  	s14 =	sadd.s32 $0x780, s14;
	[sflag:s13] =	ssyncadd.s32 $0xFFFFF800  }
0x118: {  	[spmem:s3] =	stream.indirect.scatter.add.f32 [tilespmem:s6], [sflag:$0x8], $0x10, s14, s31, $0xb8;
	[tilespmem:$0xF700] =	vst v63  }
0x119: {  	[spmem:s4] =	stream.indirect.scatter.add.f32 [tilespmem:s5], [sflag:$0xC], $0x1, s14, s31, $0xb8;
	[tilespmem:$0xF700] =	vst v63  }
0x11a: {  	_ =	swait.ge [sflag:s28], $0x800  }
0x11b: {  	[sflag:s28] =	ssyncset.done $0x0  }
0x11c: {  	[sflag:s28] =	ssyncadd.s32 $0xFFFFF800  }
0x11d: {  	_ =	swait.ge [sflag:s7], $0x80  }
0x11e: {  	[sflag:s7] =	ssyncset.done $0x0  }
0x11f: {  	[sflag:s7] =	ssyncadd.s32 $0xFFFFFF80  }
0x120: {  	_ =	swait.ge [sflag:s23], $0x800  }
0x121: {  	[sflag:s23] =	ssyncset.done $0x0  }
0x122: {  	s11 =	simm.s32 $0x4C80;
	[sflag:s23] =	ssyncadd.s32 $0xFFFFF800  }
0x123: {  	[spmem:s3] =	stream.indirect.scatter.add.f32 [tilespmem:s1], [sflag:$0x5], $0x10, s11, s31, $0xb8;
	[tilespmem:$0xF700] =	vst v63  }
0x124: {  	_ = 	snop  }
0x125: {  	[spmem:s4] =	stream.indirect.scatter.add.f32 [tilespmem:s5], [sflag:$0x9], $0x1, s11, s31, $0xb8;
	[tilespmem:$0xF700] =	vst v63  }
0x126: {  	_ =	swait.ge [sflag:s29], $0x800  }
0x127: {  	[sflag:s29] =	ssyncset.done $0x0  }
0x128: {  	[sflag:s29] =	ssyncadd.s32 $0xFFFFF800  }
0x129: {  	_ =	swait.ge [sflag:s16], $0x80  }
0x12a: {  	[sflag:s16] =	ssyncset.done $0x0  }
0x12b: {  	[sflag:s16] =	ssyncadd.s32 $0xFFFFFF80  }
0x12c: {  	_ =	swait.ge [sflag:s24], $0x800  }
0x12d: {  	[sflag:s24] =	ssyncset.done $0x0  }
0x12e: {  	[sflag:s24] =	ssyncadd.s32 $0xFFFFF800  }
0x12f: {  	[spmem:s3] =	stream.indirect.scatter.add.f32 [tilespmem:s22], [sflag:$0x6], $0x10, s18, s31, $0xb8;
	[tilespmem:$0xF700] =	vst v63  }
0x130: {  	_ = 	snop  }
0x131: {  	[spmem:s4] =	stream.indirect.scatter.add.f32 [tilespmem:s5], [sflag:$0xA], $0x1, s18, s31, $0xb8;
	[tilespmem:$0xF700] =	vst v63  }
0x132: {  	_ =	swait.ge [sflag:s25], $0x800  }
0x133: {  	[sflag:s25] =	ssyncset.done $0x0  }
0x134: {  	[sflag:s25] =	ssyncadd.s32 $0xFFFFF800  }
0x135: {  	_ =	swait.ge [sflag:s30], $0x80  }
0x136: {  	[sflag:s30] =	ssyncset.done $0x0  }
0x137: {  	[sflag:s30] =	ssyncadd.s32 $0xFFFFFF80  }
0x138: {  	_ =	swait.ge [sflag:s26], $0x800  }
0x139: {  	[sflag:s26] =	ssyncset.done $0x0  }
0x13a: {  	[sflag:s26] =	ssyncadd.s32 $0xFFFFF800  }
0x13b: {  	_ =	swait.ge [sflag:s12], $0x80  }
0x13c: {  	s14 =	simm.s32 @!p0 $0x4E00;
	[sflag:s12] =	ssyncset.done $0x0  }
0x13d: {  	s17 =	simm.s32 @!p0 $0x4F00;
	s11 =	simm.s32 @!p0 $0x80;
	[sflag:s12] =	ssyncadd.s32 $0xFFFFFF80  }
0x13e: {  	[tilespmem:s17], [sflag:$0x1] =	stream.indirect.gather @!p0 [spmem:s2], $0x10, s14, s11, $0xb8;
	[tilespmem:$0xF700] =	vst v63  }
0x13f: {  	s14 =	simm.s32 @!p0 $0x1  }
0x140: {  	_ =	swait.ge @!p0 [sflag:s14], $0x800  }
0x141: {  	[sflag:s14] =	ssyncset.done @!p0 $0x0  }
0x142: {  	[sflag:s14] =	ssyncadd.s32 @!p0 $0xFFFFF800;
	s14 =	simm.s32 @!p0 $0x4E80  }
0x143: {  	[spmem:s3] =	stream.indirect.scatter.add.f32 @!p0 [tilespmem:s17], [sflag:$0x5], $0x10, s14, s11, $0xb8;
	[tilespmem:$0xF700] =	vst v63  }
0x144: {  	s17 =	simm.s32 @!p0 $0x6F00  }
0x145: {  	[spmem:s4] =	stream.indirect.scatter.add.f32 @!p0 [tilespmem:s17], [sflag:$0x9], $0x1, s14, s11, $0xb8;
	[tilespmem:$0xF700] =	vst v63  }
0x146: {  	s11 =	simm.s32 @!p0 $0x5  }
0x147: {  	_ =	swait.ge @!p0 [sflag:s11], $0x800  }
0x148: {  	[sflag:s11] =	ssyncset.done @!p0 $0x0  }
0x149: {  	[sflag:s11] =	ssyncadd.s32 @!p0 $0xFFFFF800;
	s11 =	simm.s32 @!p0 $0x9  }
0x14a: {  	_ =	swait.ge @!p0 [sflag:s11], $0x80  }
0x14b: {  	[sflag:s11] =	ssyncset.done @!p0 $0x0  }
0x14c: {  	s17 =	simm.s32 $0x0;
	[sflag:s11] =	ssyncadd.s32 @!p0 $0xFFFFFF80  }
0x14d: {  	v2 =	vmov s17;
	[bflag:$0x0] =	sbarrier.arrive $0xFFFF  }
0x14e: {  	[tilespmem:s19], [sflag:$0xD] =	stream.linear.gather [spmem:s15], $0x280, $0x38;
	[tilespmem:$0xF700] =	vst v63  }
0x14f: {  	_ =	swait.ge [sflag:s20], $0x280  }
0x150: {  	[sflag:s20] =	ssyncset.done $0x0  }
0x151: {  	[sflag:s20] =	ssyncadd.s32 $0xFFFFFD80  }
0x152: {  	s14 =	simm.s32 $0x1;
	v2 =	vld.idx.msk [tilespmem:v2+s19+$0x0], $0xffff  }
0x153: {  	v3 =	vmov s14;
	_ =	sdelay $0x2  }
0x154: {  	s11 =	simm.s32 $0x7C80  }
0x155: {  	[tilespmem:s11+$0x0] =	vst v2  }
0x156: {  	s17 =	simm.s32 $0x2;
	v2 =	vld.idx.msk [tilespmem:v3+s19+$0x0], $0xffff  }
0x157: {  	s14 =	simm.s32 $0x3;
	v3 =	vmov s17  }
.LBB2_6:
0x158: {  	p1 =	sne.s32 s14, $0x27F;
	_ =	sdelay $0x1  }
.Ltmp2:
0x159: {  	s11 =	sadd.s32 $0x10, s11;
	(pc) =	sbr.rel @p1 .LBB2_6-.Ltmp2, $3  }
0x15a: {  	[tilespmem:s11+$0x0] =	vst v2  }
0x15b: {  	v2 =	vld.idx.msk [tilespmem:v3+s19+$0x0], $0xffff;
	_ =	sdelay $0x1  }
0x15c: {  	v3 =	vmov s14;
	s14 =	sadd.s32 $0x1, s14  }
0x15d: {  	_ =	sdelay $0x1  }
0x15e: {  	s11 =	sadd.s32 $0x10, s11  }
0x15f: {  	[tilespmem:s11+$0x0] =	vst v2  }
0x160: {  	v2 =	vld.idx.msk [tilespmem:v3+s19+$0x0], $0xffff;
	_ =	sdelay $0x3  }
0x161: {  	s14 =	rddreg [dreg:$0x7];
	s11 =	sadd.s32 $0x10, s11  }
0x162: {  	s17 =	rddreg [dreg:$0x10];
	[tilespmem:s11+$0x0] =	vst v2;
	s11 =	sor.u32 $0x1C0D, s14;
	s14 =	sshrl.u32 s10, $0x3  }
0x163: {  	[hbm:s17], [sflag:s11] =	dma.local [spmem:s14], $0x500  }
0x164: {  	_ =	swait.ge [sflag:s20], $0x500  }
0x165: {  	s11 =	simm.s32 $0x0;
	[sflag:s20] =	ssyncset.done $0x0  }
0x166: {  	s17 =	simm.s32 $0x7C80;
	s14 =	rddreg [dreg:$0x11];
	[sflag:s20] =	ssyncadd.s32 $0xFFFFFB00  }
0x167: {  	[hbm4b:s14+s11] =	stream.linear.scatter [tilespmem:s17], [sflag:$0xD], $0x2800, $0x38;
	[tilespmem:$0xF700] =	vst v63  }
0x168: {  	_ =	swait.ge [sflag:s20], $0x2800  }
0x169: {  	s8 =	sadd.s32 $0x1, s8;
	s17 =	rddreg [dreg:$0xf]  }
0x16a: {  	p1 =	sne.s32 s8, s17  }
.Ltmp3:
0x16b: {  	_ = 	snop;
	(pc) =	sbr.rel @p1 .LBB2_1-.Ltmp3, $3  }
0x16c: {  	_ =	sdelay $0x1  }
0x16d: {  	[sflag:s20] =	ssyncset.done $0x0  }
0x16e: {  	[sflag:s20] =	ssyncadd.s32 $0xFFFFD800  }
0x16f: {  	_ =	sfence.sel $0x180000  }
0x170: {  	[bflag:$0x0] =	sbarrier.arrive $0xFFFF  }
0x171: {  	_ =	strace $0x90000047  }
0x172: {  	s0 =	stileid.u32;
	[bflag:$0x2] =	sbarrier.arrive $0xFFFF  }
0x173: {  	p0 =	sne.s32 s0, $0x0;
	s0 =	rddreg [dreg:$0x5]  }
0x174: {  	s0 =	sadd.s32 @!p0 $0x100000, s0  }
0x175: {  	[sflag:s0] =	ssyncadd.tile.s32 @!p0 $0x1;
	_ =	shalt  }
.Lfunc_end2:
_tile_overlayer_lowered:
.L_overlay_start_2:
0x176: {  	(tag) =	ssettag $0x2  }
0x177: {  	s0 =	rddreg [dreg:$0x0];
	s2 =	stileid.u32  }
0x178: {  	s1 =	rddreg [dreg:$0x1];
	p0 =	sne.s32 s2, $0x0  }
0x179: {  	s3 =	rddreg [dreg:$0x2];
	[bflag:$0x3] =	sbarrier.arrive $0xFFFF;
	s2 =	simm.s32 @!p0 $0x1C0D  }
0x17a: {  	[timem:s3], [sflag:s2] =	dma.local @!p0 [hbm:s0], s1  }
0x17b: {  	s0 =	simm.s32 @!p0 $0xD  }
0x17c: {  	_ =	swait.ge @!p0 [sflag:s0], s1  }
0x17d: {  	s1 =	ssub.s32 @!p0 $0x0, s1;
	[sflag:s0] =	ssyncset.done @!p0 $0x0  }
0x17e: {  	[sflag:s0] =	ssyncadd.s32 @!p0 s1  }
0x17f: {  	[bflag:$0x3] =	sbarrier.arrive $0xFFFF  }
0x180: {  	_ =	shalt  }

</sc_bundles>
